<compile_context>
chip_gen: v7x
topology: tpu7x:2x2x1
jax: 0.10.2.dev20260603
libtpu: 0.0.44.dev20260713+nightly
codegen_flags: <defaults>
</compile_context>

<pallas_src>
import functools

import jax
import jax.numpy as jnp
from jax import lax
from jax.experimental import pallas as pl
from jax.experimental.pallas import tpu as pltpu
from jax.experimental.pallas import tpu_sc as plsc

N = 10000
E = 320000
DE = 16
H = 128
HP = H // 2

NW = 32
CBB = 128
CBD = 128
NCK = E // CBD
BCT = NCK // NW
XTR = NCK - BCT * NW
EH = E // 2
NCKH = NCK // 2
BCTH = NCKH // 16
XTRH = NCKH - BCTH * 16
EBH = 3200
NPAD = 10240
RPT = NPAD // 16
ZB = 128
NB = 2000
EB = 2000


def _ln(h, g, b):
    mu = jnp.mean(h, axis=-1, keepdims=True)
    var = jnp.mean((h - mu) ** 2, axis=-1, keepdims=True)
    return (h - mu) * lax.rsqrt(var + 1e-5) * g + b


def _swish(x):
    return x * jax.nn.sigmoid(x)


def _dot(a, b):
    return jnp.dot(a, b, preferred_element_type=jnp.float32)


def _dotb(a, b):
    return jnp.dot(a.astype(jnp.bfloat16), b.astype(jnp.bfloat16),
                   preferred_element_type=jnp.float32)


def _pack_pair(p):
    ua = lax.bitcast_convert_type(p[:, :HP], jnp.uint32)
    ub = lax.bitcast_convert_type(p[:, HP:], jnp.uint32)
    lo = (ua + jnp.uint32(0x8000)) >> 16
    hi = (ub + jnp.uint32(0x8000)) & jnp.uint32(0xFFFF0000)
    return lax.bitcast_convert_type(lo | hi, jnp.float32)


def _unpack_pair(p_ref):
    u = lax.bitcast_convert_type(p_ref[...], jnp.uint32)
    lo = lax.bitcast_convert_type(u << 16, jnp.float32)
    hi = lax.bitcast_convert_type(u & jnp.uint32(0xFFFF0000), jnp.float32)
    return lo, hi


def _node_embed_body(x_ref, w1_ref, b1_ref, w2_ref, b2_ref, gm_ref, bt_ref,
                     ws_ref, wr_ref, nf_ref, ps_ref, pr_ref):
    h = _dot(x_ref[...], w1_ref[...]) + b1_ref[...]
    h = _swish(h)
    h = _dot(h, w2_ref[...]) + b2_ref[...]
    nf = _ln(h, gm_ref[...], bt_ref[...])
    nf_ref[...] = nf
    ps_ref[...] = _pack_pair(_dot(nf, ws_ref[...]))
    pr_ref[...] = _pack_pair(_dot(nf, wr_ref[...]))


def _unpack_pair(p_ref):
    u = lax.bitcast_convert_type(p_ref[...], jnp.uint32)
    lo = lax.bitcast_convert_type(u << 16, jnp.float32)
    hi = lax.bitcast_convert_type(u & jnp.uint32(0xFFFF0000), jnp.float32)
    return lo, hi


def _edge_body(xl_ref, xh_ref, gs_ref, gr_ref, we1, be1, we2, be2, ge, bte,
               wp1, bp1, wp2, bp2, gp, btp, out_ref):
    x = jnp.concatenate([xl_ref[...], xh_ref[...]], axis=0)
    h = _dot(x, we1[...]) + be1[...]
    h = _swish(h)
    h = _dotb(h, we2[...]) + be2[...]
    ef = _ln(h, ge[...], bte[...])
    slo, shi = _unpack_pair(gs_ref)
    rlo, rhi = _unpack_pair(gr_ref)
    g = jnp.concatenate(
        [jnp.concatenate([slo[:, :HP] + rlo[:, :HP],
                          shi[:, :HP] + rhi[:, :HP]], axis=1),
         jnp.concatenate([slo[:, HP:] + rlo[:, HP:],
                          shi[:, HP:] + rhi[:, HP:]], axis=1)], axis=0)
    z = _dotb(ef, wp1[...]) + g + bp1[...]
    z = _swish(z)
    o = _dotb(z, wp2[...]) + bp2[...]
    out_ref[...] = _ln(o, gp[...], btp[...]).reshape(2, EBH, H)


def _node_update_body(nf_ref, a0_ref, a1_ref, wn1a, wn1b, b1n, wn2, b2n,
                      gn, btn, wo1, bo1, wo2, bo2, out_ref):
    nf = nf_ref[...]
    agg = a0_ref[0] + a1_ref[0]
    h = _dot(nf, wn1a[...]) + _dot(agg, wn1b[...]) + b1n[...]
    h = _swish(h)
    y = _ln(_dot(h, wn2[...]) + b2n[...], gn[...], btn[...])
    r = y + nf
    o = _swish(_dot(r, wo1[...]) + bo1[...])
    out_ref[...] = _dot(o, wo2[...]) + bo2[...]


@functools.cache
def _sc_kernels():
    mesh = plsc.VectorSubcoreMesh(core_axis_name="c", subcore_axis_name="s")

    @functools.partial(
        pl.kernel,
        mesh=mesh,
        out_type=[jax.ShapeDtypeStruct((EH, H), jnp.float32),
                  jax.ShapeDtypeStruct((EH, H), jnp.float32)],
        scratch_types=[
            pltpu.VMEM((BCTH * CBB,), jnp.int32),
            pltpu.VMEM((BCTH * CBB,), jnp.int32),
            pltpu.VMEM((CBB,), jnp.int32),
            pltpu.VMEM((CBB,), jnp.int32),
            pltpu.VMEM((CBB, HP), jnp.float32),
            pltpu.VMEM((CBB, HP), jnp.float32),
            pltpu.VMEM((CBB, HP), jnp.float32),
            pltpu.VMEM((CBB, HP), jnp.float32),
        ] + [pltpu.SemaphoreType.DMA] * 8,
        compiler_params=pltpu.CompilerParams(use_tc_tiling_on_sc=False),
    )
    def _sc_gather(sidx, ridx, tabs, tabr, gs, gr,
                   sidx_v, ridx_v, stail_v, rtail_v, rs0, rs1, rr0, rr1,
                   sgs0, sgs1, sgr0, sgr1, sws0, sws1, swr0, swr1):
        c = lax.axis_index("c")
        s = lax.axis_index("s")
        wid = s * 2 + c
        half = wid // 16
        widh = wid % 16
        starth = BCTH * widh + jnp.minimum(widh, XTRH)
        ebase = half * EH + starth * CBB
        pltpu.sync_copy(sidx.at[pl.ds(ebase, BCTH * CBB)], sidx_v)
        pltpu.sync_copy(ridx.at[pl.ds(ebase, BCTH * CBB)], ridx_v)
        col = half * HP
        rows_s = (rs0, rs1)
        rows_r = (rr0, rr1)
        sem_gs = (sgs0, sgs1)
        sem_gr = (sgr0, sgr1)
        sem_ws = (sws0, sws1)
        sem_wr = (swr0, swr1)

        def issue_g(j, b):
            pltpu.async_copy(tabs.at[sidx_v.at[pl.ds(j * CBB, CBB)]],
                             rows_s[b], sem_gs[b])
            pltpu.async_copy(tabr.at[ridx_v.at[pl.ds(j * CBB, CBB)]],
                             rows_r[b], sem_gr[b])

        def wait_g(b):
            pltpu.make_async_copy(tabs.at[pl.ds(0, CBB)], rows_s[b],
                                  sem_gs[b]).wait()
            pltpu.make_async_copy(tabr.at[pl.ds(0, CBB)], rows_r[b],
                                  sem_gr[b]).wait()

        def issue_w(j, b):
            r0w = (starth + j) * CBB
            pltpu.async_copy(rows_s[b],
                             gs.at[pl.ds(r0w, CBB), pl.ds(col, HP)],
                             sem_ws[b])
            pltpu.async_copy(rows_r[b],
                             gr.at[pl.ds(r0w, CBB), pl.ds(col, HP)],
                             sem_wr[b])

        def wait_w(b):
            pltpu.make_async_copy(rows_s[b],
                                  gs.at[pl.ds(0, CBB), pl.ds(0, HP)],
                                  sem_ws[b]).wait()
            pltpu.make_async_copy(rows_r[b],
                                  gr.at[pl.ds(0, CBB), pl.ds(0, HP)],
                                  sem_wr[b]).wait()

        issue_g(0, 0)

        def body(g, carry):
            j0 = 2 * g

            @pl.when(g >= 1)
            def _():
                wait_w(1)

            issue_g(j0 + 1, 1)
            wait_g(0)
            issue_w(j0, 0)

            @pl.when(g <= BCTH // 2 - 2)
            def _():
                wait_w(0)
                issue_g(j0 + 2, 0)

            wait_g(1)
            issue_w(j0 + 1, 1)
            return carry

        lax.fori_loop(0, BCTH // 2, body, 0)
        wait_w(0)
        wait_w(1)

        @pl.when(widh < XTRH)
        def _():
            jt = starth + BCTH
            et = half * EH + jt * CBB
            pltpu.sync_copy(sidx.at[pl.ds(et, CBB)], stail_v)
            pltpu.sync_copy(ridx.at[pl.ds(et, CBB)], rtail_v)
            pltpu.async_copy(tabs.at[stail_v], rs0, sgs0).wait()
            pltpu.async_copy(tabr.at[rtail_v], rr0, sgr0).wait()
            pltpu.sync_copy(rs0, gs.at[pl.ds(jt * CBB, CBB), pl.ds(col, HP)])
            pltpu.sync_copy(rr0, gr.at[pl.ds(jt * CBB, CBB), pl.ds(col, HP)])

    @functools.partial(
        pl.kernel,
        mesh=mesh,
        out_type=jax.ShapeDtypeStruct((2, NPAD, H), jnp.float32),
        scratch_types=[
            pltpu.VMEM((BCT + 2, CBD), jnp.int32),
            pltpu.VMEM((ZB, H), jnp.float32),
            pltpu.VMEM((ZB, H), jnp.float32),
            pltpu.VMEM_SHARED((NPAD, H), jnp.float32),
            pltpu.SemaphoreType.DMA,
            pltpu.SemaphoreType.DMA,
        ],
    )
    def _sc_segsum(ridx, el, zer, out, ridx_v, r0, r1, agg_sp,
                   sem0, sem1):
        c = lax.axis_index("c")
        s = lax.axis_index("s")
        wid = s * 2 + c
        start = BCT * wid + jnp.minimum(wid, XTR)
        pltpu.sync_copy(ridx.at[wid], ridx_v)
        pltpu.sync_copy(zer, r0)
        for z in range(RPT // ZB):
            pltpu.sync_copy(r0, agg_sp.at[pl.ds(s * RPT + z * ZB, ZB)])
        plsc.subcore_barrier()
        rows = (r0, r1)
        sems = (sem0, sem1)

        def issue_r(j, b):
            pltpu.async_copy(el.at[pl.ds((start + j) * CBD, CBD)],
                             rows[b], sems[b])

        def wait_r(b):
            pltpu.make_async_copy(el.at[pl.ds(0, CBD)], rows[b],
                                  sems[b]).wait()

        issue_r(0, 0)

        def body(g, carry):
            j0 = 2 * g
            issue_r(j0 + 1, 1)
            wait_r(0)
            pltpu.sync_copy(rows[0], agg_sp.at[ridx_v.at[j0]], add=True)

            @pl.when(g <= BCT // 2 - 2)
            def _():
                issue_r(j0 + 2, 0)

            wait_r(1)
            pltpu.sync_copy(rows[1], agg_sp.at[ridx_v.at[j0 + 1]], add=True)
            return carry

        lax.fori_loop(0, BCT // 2, body, 0)

        @pl.when(wid < XTR)
        def _():
            pltpu.sync_copy(el.at[pl.ds((start + BCT) * CBD, CBD)], r0)
            pltpu.sync_copy(r0, agg_sp.at[ridx_v.at[BCT]], add=True)

        plsc.subcore_barrier()
        for z in range(RPT // ZB):
            pltpu.sync_copy(agg_sp.at[pl.ds(s * RPT + z * ZB, ZB)], r0)
            pltpu.sync_copy(r0, out.at[c, pl.ds(s * RPT + z * ZB, ZB)])

    return _sc_gather, _sc_segsum


def _row_spec(block, idx_fn):
    return pl.BlockSpec(block, idx_fn)


def kernel(edge_idx, edge_features, node_features, params):
    pe = params["embed_edge"]
    pn = params["embed_node"]
    pp = params["proc_edge"]
    pq = params["proc_node"]
    po = params["node_out"]

    r1 = lambda v: v.reshape(1, H)
    senders = edge_idx[0]
    receivers = edge_idx[1]

    w1e = pp["W1"][:H]
    w1s = pp["W1"][H:2 * H]
    w1r = pp["W1"][2 * H:]
    wq1a = pq["W1"][:H]
    wq1b = pq["W1"][H:]

    wspec = lambda shape: pl.BlockSpec(shape, lambda i: (0, 0))

    nf, tabs, tabr = pl.pallas_call(
        _node_embed_body,
        grid=(N // NB,),
        in_specs=[
            _row_spec((NB, H), lambda i: (i, 0)),
            wspec((H, H)), wspec((1, H)), wspec((H, H)), wspec((1, H)),
            wspec((1, H)), wspec((1, H)), wspec((H, H)), wspec((H, H)),
        ],
        out_specs=[_row_spec((NB, H), lambda i: (i, 0)),
                   _row_spec((NB, HP), lambda i: (i, 0)),
                   _row_spec((NB, HP), lambda i: (i, 0))],
        out_shape=[jax.ShapeDtypeStruct((N, H), jnp.float32),
                   jax.ShapeDtypeStruct((N, HP), jnp.float32),
                   jax.ShapeDtypeStruct((N, HP), jnp.float32)],
    )(node_features, pn["W1"], r1(pn["b1"]), pn["W2"], r1(pn["b2"]),
      r1(pn["gamma"]), r1(pn["beta"]), w1s, w1r)

    sc_gather, sc_segsum = _sc_kernels()
    gs, gr = sc_gather(senders, receivers, tabs, tabr)

    el3 = pl.pallas_call(
        _edge_body,
        grid=(EH // EBH,),
        in_specs=[
            pl.BlockSpec((EBH, DE), lambda i: (i, 0)),
            pl.BlockSpec((EBH, DE), lambda i: (EH // EBH + i, 0)),
            pl.BlockSpec((EBH, H), lambda i: (i, 0)),
            pl.BlockSpec((EBH, H), lambda i: (i, 0)),
            wspec((DE, H)), wspec((1, H)), wspec((H, H)), wspec((1, H)),
            wspec((1, H)), wspec((1, H)),
            wspec((H, H)), wspec((1, H)), wspec((H, H)), wspec((1, H)),
            wspec((1, H)), wspec((1, H)),
        ],
        out_specs=pl.BlockSpec((2, EBH, H), lambda i: (0, i, 0)),
        out_shape=jax.ShapeDtypeStruct((2, EH, H), jnp.float32),
    )(edge_features, edge_features, gs, gr,
      pe["W1"], r1(pe["b1"]), pe["W2"], r1(pe["b2"]),
      r1(pe["gamma"]), r1(pe["beta"]),
      w1e, r1(pp["b1"]), pp["W2"], r1(pp["b2"]),
      r1(pp["gamma"]), r1(pp["beta"]))
    el = el3.reshape(E, H)

    starts = BCT * jnp.arange(NW) + jnp.minimum(jnp.arange(NW), XTR)
    ridx_d = jnp.pad(receivers.reshape(NCK, CBD), ((0, 8), (0, 0)))[
        starts[:, None] + jnp.arange(BCT + 2)[None, :]]
    zer = jnp.zeros((ZB, H), jnp.float32)
    parts = sc_segsum(ridx_d, el, zer)

    nl = pl.pallas_call(
        _node_update_body,
        grid=(N // NB,),
        in_specs=[
            _row_spec((NB, H), lambda i: (i, 0)),
            pl.BlockSpec((1, NB, H), lambda i: (0, i, 0)),
            pl.BlockSpec((1, NB, H), lambda i: (1, i, 0)),
            wspec((H, H)), wspec((H, H)), wspec((1, H)),
            wspec((H, H)), wspec((1, H)), wspec((1, H)), wspec((1, H)),
            wspec((H, H)), wspec((1, H)), wspec((H, H)), wspec((1, H)),
        ],
        out_specs=_row_spec((NB, H), lambda i: (i, 0)),
        out_shape=jax.ShapeDtypeStruct((N, H), jnp.float32),
    )(nf, parts, parts,
      wq1a, wq1b, r1(pq["b1"]), pq["W2"], r1(pq["b2"]),
      r1(pq["gamma"]), r1(pq["beta"]),
      po["W1"], r1(po["b1"]), po["W2"], r1(po["b2"]))

    return (el, nl, nf)

# --- scband reference (transcript-rebuilt; emitter-appended) ---
"""Pipeline reference for scband-encoder-71949292142781 (READ-ONLY COPY).

The authoritative reference and input builder live on the scoring server;
editing this copy changes nothing except your own understanding.
"""

import jax, jax.numpy as jnp
import numpy as np

N_NODES = 10000
N_EDGES = 320000
D_EDGE = 16
D_NODE = 128
HID = 128


def _ffb_params(key, sizes, use_ln):
    k1, k2 = jax.random.split(key, 2)
    p = {
        "W1": jax.random.normal(k1, (sizes[0], sizes[1]), jnp.float32) / np.sqrt(sizes[0]),
        "b1": jnp.zeros((sizes[1],), jnp.float32),
        "W2": jax.random.normal(k2, (sizes[1], sizes[2]), jnp.float32) / np.sqrt(sizes[1]),
        "b2": jnp.zeros((sizes[2],), jnp.float32),
    }
    if use_ln:
        p["gamma"] = jnp.ones((sizes[2],), jnp.float32)
        p["beta"] = jnp.zeros((sizes[2],), jnp.float32)
    return p


def _ffb_apply(p, x):
    h = x @ p["W1"] + p["b1"]
    h = h * jax.nn.sigmoid(h)  # swish activation, as in the torch module
    h = h @ p["W2"] + p["b2"]
    if "gamma" in p:
        mu = jnp.mean(h, axis=-1, keepdims=True)
        var = jnp.var(h, axis=-1, keepdims=True)
        h = (h - mu) / jnp.sqrt(var + 1e-5) * p["gamma"] + p["beta"]
    return h


def setup_inputs(seed: int = 0) -> dict:
    key = jax.random.key(seed)
    ks = jax.random.split(key, 8)
    edge_idx = jax.random.randint(ks[0], (2, N_EDGES), 0, N_NODES, dtype=jnp.int32)
    edge_features = jax.random.normal(ks[1], (N_EDGES, D_EDGE), dtype=jnp.float32)
    node_features = jax.random.normal(ks[2], (N_NODES, D_NODE), dtype=jnp.float32)
    params = {
        "embed_edge": _ffb_params(ks[3], [D_EDGE, HID, HID], True),
        "embed_node": _ffb_params(ks[4], [D_NODE, HID, HID], True),
        "proc_edge": _ffb_params(ks[5], [HID + HID + HID, HID, HID], True),
        "proc_node": _ffb_params(ks[6], [HID + HID, HID, HID], True),
        "node_out": _ffb_params(ks[7], [HID, HID, HID], False),
    }
    return {"edge_idx": edge_idx, "edge_features": edge_features, "node_features": node_features, "params": params}


def reference(edge_idx, edge_features, node_features, params):
    # embed
    ef = _ffb_apply(params["embed_edge"], edge_features)
    nf = _ffb_apply(params["embed_node"], node_features)
    # GraphNetwork (encode mode): edge update then node update
    senders = edge_idx[0]
    receivers = edge_idx[1]
    e_in = jnp.concatenate([ef, jnp.take(nf, senders, axis=0), jnp.take(nf, receivers, axis=0)], axis=-1)
    edge_latents = _ffb_apply(params["proc_edge"], e_in)
    agg = jax.ops.segment_sum(edge_latents, receivers, num_segments=nf.shape[0])
    n_in = jnp.concatenate([nf, agg], axis=-1)
    node_latents = _ffb_apply(params["proc_node"], n_in)
    # residual + output head
    node_latents = node_latents + nf[..., : node_latents.shape[-2], :]
    node_latents = _ffb_apply(params["node_out"], node_latents)
    return (edge_latents, node_latents, nf)

if __name__ == "__main__":
    import jax
    _d = setup_inputs()
    print(jax.jit(kernel)(*tuple(_d.values())))

</pallas_src>

<mosaic_0001>
#map = affine_map<(d0, d1) -> (0)>
#map1 = affine_map<(d0, d1) -> (0, 0)>
module attributes {stable_mosaic.version = 14 : i64} {
  func.func @_sc_gather(%arg0: i32, %arg1: i32, %arg2: memref<320000xi32, #tpu.memory_space<hbm>>, %arg3: memref<320000xi32, #tpu.memory_space<hbm>>, %arg4: memref<10000x64xf32, #tpu.memory_space<hbm>>, %arg5: memref<10000x64xf32, #tpu.memory_space<hbm>>, %arg6: memref<160000x128xf32, #tpu.memory_space<hbm>>, %arg7: memref<160000x128xf32, #tpu.memory_space<hbm>>, %arg8: memref<9984xi32, #tpu.memory_space<vmem>>, %arg9: memref<9984xi32, #tpu.memory_space<vmem>>, %arg10: memref<128xi32, #tpu.memory_space<vmem>>, %arg11: memref<128xi32, #tpu.memory_space<vmem>>, %arg12: memref<128x64xf32, #tpu.memory_space<vmem>>, %arg13: memref<128x64xf32, #tpu.memory_space<vmem>>, %arg14: memref<128x64xf32, #tpu.memory_space<vmem>>, %arg15: memref<128x64xf32, #tpu.memory_space<vmem>>, %arg16: memref<!tpu.dma_semaphore, #tpu.memory_space<semaphore_mem>>, %arg17: memref<!tpu.dma_semaphore, #tpu.memory_space<semaphore_mem>>, %arg18: memref<!tpu.dma_semaphore, #tpu.memory_space<semaphore_mem>>, %arg19: memref<!tpu.dma_semaphore, #tpu.memory_space<semaphore_mem>>, %arg20: memref<!tpu.dma_semaphore, #tpu.memory_space<semaphore_mem>>, %arg21: memref<!tpu.dma_semaphore, #tpu.memory_space<semaphore_mem>>, %arg22: memref<!tpu.dma_semaphore, #tpu.memory_space<semaphore_mem>>, %arg23: memref<!tpu.dma_semaphore, #tpu.memory_space<semaphore_mem>>) attributes {dimension_semantics = [#tpu.dimension_semantics<core_parallel>, #tpu.dimension_semantics<subcore_parallel>], iteration_bounds = array<i64: 2, 16>, scalar_prefetch = 0 : i64, scratch_operands = 16 : i64, tpu.core_type = #tpu.core_type<sc_vector_subcore>, window_params = [{transform_indices = #map}, {transform_indices = #map}, {transform_indices = #map1}, {transform_indices = #map1}, {transform_indices = #map1}, {transform_indices = #map1}]} {
    %mul3A = arith.constant 2 : i32
    %mul3A_0 = arith.muli %arg1, %mul3A : i32
    %add3A = arith.addi %mul3A_0, %arg0 : i32
    %jit3A = arith.constant 16 : i32
    %div3A = arith.divsi %add3A, %jit3A : i32
    %sign3A = arith.constant 0 : i32
    %sign3A_1 = arith.cmpi sgt, %add3A, %sign3A : i32
    %sign3A_2 = arith.extui %sign3A_1 : i1 to i32
    %sign3A_3 = arith.constant 0 : i32
    %sign3A_4 = arith.cmpi slt, %add3A, %sign3A_3 : i32
    %sign3A_5 = arith.extui %sign3A_4 : i1 to i32
    %sign3A_6 = arith.subi %sign3A_2, %sign3A_5 : i32
    %sign3A_7 = arith.constant 0 : i32
    %sign3A_8 = arith.cmpi sgt, %jit3A, %sign3A_7 : i32
    %sign3A_9 = arith.extui %sign3A_8 : i1 to i32
    %sign3A_10 = arith.constant 0 : i32
    %sign3A_11 = arith.cmpi slt, %jit3A, %sign3A_10 : i32
    %sign3A_12 = arith.extui %sign3A_11 : i1 to i32
    %sign3A_13 = arith.subi %sign3A_9, %sign3A_12 : i32
    %ne3A = arith.cmpi ne, %sign3A_6, %sign3A_13 : i32
    %rem3A = arith.remsi %add3A, %jit3A : i32
    %ne3A_14 = arith.constant 0 : i32
    %ne3A_15 = arith.cmpi ne, %rem3A, %ne3A_14 : i32
    %and3A = arith.andi %ne3A, %ne3A_15 : i1
    %sub3A = arith.constant 1 : i32
    %sub3A_16 = arith.subi %div3A, %sub3A : i32
    %select_n3A = arith.select %and3A, %sub3A_16, %div3A : i32
    %jit3A_17 = arith.constant 16 : i32
    %eq3A = arith.constant 0 : i32
    %eq3A_18 = arith.cmpi eq, %jit3A_17, %eq3A : i32
    %jit3A_19 = arith.constant 1 : i32
    %select_n3A_20 = arith.select %eq3A_18, %jit3A_19, %jit3A_17 : i32
    %rem3A_21 = arith.remsi %add3A, %select_n3A_20 : i32
    %ne3A_22 = arith.constant 0 : i32
    %ne3A_23 = arith.cmpi ne, %rem3A_21, %ne3A_22 : i32
    %lt3A = arith.constant 0 : i32
    %lt3A_24 = arith.cmpi slt, %rem3A_21, %lt3A : i32
    %lt3A_25 = arith.constant 0 : i32
    %lt3A_26 = arith.cmpi slt, %select_n3A_20, %lt3A_25 : i32
    %ne3A_27 = arith.xori %lt3A_24, %lt3A_26 : i1
    %and3A_28 = arith.andi %ne3A_27, %ne3A_23 : i1
    %add3A_29 = arith.addi %rem3A_21, %select_n3A_20 : i32
    %select_n3A_30 = arith.select %and3A_28, %add3A_29, %rem3A_21 : i32
    %mul3A_31 = arith.constant 78 : i32
    %mul3A_32 = arith.muli %mul3A_31, %select_n3A_30 : i32
    %min3A = arith.constant 2 : i32
    %min3A_33 = arith.minsi %select_n3A_30, %min3A : i32
    %add3A_34 = arith.addi %mul3A_32, %min3A_33 : i32
    %mul3A_35 = arith.constant 160000 : i32
    %mul3A_36 = arith.muli %select_n3A, %mul3A_35 : i32
    %mul3A_37 = arith.constant 128 : i32
    %mul3A_38 = arith.muli %add3A_34, %mul3A_37 : i32
    %add3A_39 = arith.addi %mul3A_36, %mul3A_38 : i32
    "tpu.region"() ({
      %run_scoped3A = tpu.sem_alloc : memref<!tpu.dma_semaphore, #tpu.memory_space<semaphore_mem>>
      %dma_start3A_82 = tpu.memref_slice %arg2[%add3A_39] : memref<320000xi32, #tpu.memory_space<hbm>> -> memref<9984xi32, #tpu.memory_space<hbm>>
      %dma_start3A_83 = tpu.memref_slice %arg2[%add3A_39] : memref<320000xi32, #tpu.memory_space<hbm>> -> memref<9984xi32, #tpu.memory_space<hbm>>
      tpu.enqueue_dma source(%dma_start3A_83 : memref<9984xi32, #tpu.memory_space<hbm>>) target(%arg8 : memref<9984xi32, #tpu.memory_space<vmem>>) target_semaphore(%run_scoped3A : memref<!tpu.dma_semaphore, #tpu.memory_space<semaphore_mem>>)
      %dma_wait3A_84 = tpu.memref_slice %arg2[%add3A_39] : memref<320000xi32, #tpu.memory_space<hbm>> -> memref<9984xi32, #tpu.memory_space<hbm>>
      %dma_wait3A_85 = tpu.memref_slice %arg2[%add3A_39] : memref<320000xi32, #tpu.memory_space<hbm>> -> memref<9984xi32, #tpu.memory_space<hbm>>
      tpu.wait_dma2 semaphore(%run_scoped3A : memref<!tpu.dma_semaphore, #tpu.memory_space<semaphore_mem>>) src(%dma_wait3A_85 : memref<9984xi32, #tpu.memory_space<hbm>>) dst(%arg8 : memref<9984xi32, #tpu.memory_space<vmem>>)
      tpu.yield
    }) : () -> ()
    "tpu.region"() ({
      %run_scoped3A = tpu.sem_alloc : memref<!tpu.dma_semaphore, #tpu.memory_space<semaphore_mem>>
      %dma_start3A_82 = tpu.memref_slice %arg3[%add3A_39] : memref<320000xi32, #tpu.memory_space<hbm>> -> memref<9984xi32, #tpu.memory_space<hbm>>
      %dma_start3A_83 = tpu.memref_slice %arg3[%add3A_39] : memref<320000xi32, #tpu.memory_space<hbm>> -> memref<9984xi32, #tpu.memory_space<hbm>>
      tpu.enqueue_dma source(%dma_start3A_83 : memref<9984xi32, #tpu.memory_space<hbm>>) target(%arg9 : memref<9984xi32, #tpu.memory_space<vmem>>) target_semaphore(%run_scoped3A : memref<!tpu.dma_semaphore, #tpu.memory_space<semaphore_mem>>)
      %dma_wait3A_84 = tpu.memref_slice %arg3[%add3A_39] : memref<320000xi32, #tpu.memory_space<hbm>> -> memref<9984xi32, #tpu.memory_space<hbm>>
      %dma_wait3A_85 = tpu.memref_slice %arg3[%add3A_39] : memref<320000xi32, #tpu.memory_space<hbm>> -> memref<9984xi32, #tpu.memory_space<hbm>>
      tpu.wait_dma2 semaphore(%run_scoped3A : memref<!tpu.dma_semaphore, #tpu.memory_space<semaphore_mem>>) src(%dma_wait3A_85 : memref<9984xi32, #tpu.memory_space<hbm>>) dst(%arg9 : memref<9984xi32, #tpu.memory_space<vmem>>)
      tpu.yield
    }) : () -> ()
    %mul3A_40 = arith.constant 64 : i32
    %mul3A_41 = arith.muli %select_n3A, %mul3A_40 : i32
    %dma_start3A = arith.constant 0 : i32
    %dma_start3A_42 = tpu.memref_slice %arg8[%dma_start3A] : memref<9984xi32, #tpu.memory_space<vmem>> -> memref<128xi32, #tpu.memory_space<vmem>>
    %dma_start3A_43 = arith.constant 0 : i32
    %dma_start3A_44 = arith.constant 0 : i32
    %dma_start3A_45 = tpu.memref_slice %arg4[%dma_start3A_43, %dma_start3A_44] : memref<10000x64xf32, #tpu.memory_space<hbm>> -> memref<10000x64xf32, #tpu.memory_space<hbm>>
    tpu.enqueue_indirect_dma source(%dma_start3A_45 : memref<10000x64xf32, #tpu.memory_space<hbm>>) target(%arg12 : memref<128x64xf32, #tpu.memory_space<vmem>>) offsets(%dma_start3A_42 : memref<128xi32, #tpu.memory_space<vmem>>) semaphore(%arg16 : memref<!tpu.dma_semaphore, #tpu.memory_space<semaphore_mem>>)
    %dma_start3A_46 = arith.constant 0 : i32
    %dma_start3A_47 = tpu.memref_slice %arg9[%dma_start3A_46] : memref<9984xi32, #tpu.memory_space<vmem>> -> memref<128xi32, #tpu.memory_space<vmem>>
    %dma_start3A_48 = arith.constant 0 : i32
    %dma_start3A_49 = arith.constant 0 : i32
    %dma_start3A_50 = tpu.memref_slice %arg5[%dma_start3A_48, %dma_start3A_49] : memref<10000x64xf32, #tpu.memory_space<hbm>> -> memref<10000x64xf32, #tpu.memory_space<hbm>>
    tpu.enqueue_indirect_dma source(%dma_start3A_50 : memref<10000x64xf32, #tpu.memory_space<hbm>>) target(%arg14 : memref<128x64xf32, #tpu.memory_space<vmem>>) offsets(%dma_start3A_47 : memref<128xi32, #tpu.memory_space<vmem>>) semaphore(%arg18 : memref<!tpu.dma_semaphore, #tpu.memory_space<semaphore_mem>>)
    %scan3A = arith.constant 0 : i32
    %scan3A_51 = arith.constant 0 : i32
    %scan3A_52 = arith.constant 39 : i32
    %scan3A_53 = arith.addi %scan3A_51, %scan3A_52 : i32
    %scan3A_54 = arith.constant 1 : i32
    scf.for %scan3A_82 = %scan3A_51 to %scan3A_53 step %scan3A_54  : i32 {
      %mul3A_83 = arith.constant 2 : i32
      %mul3A_84 = arith.muli %mul3A_83, %scan3A_82 : i32
      %ge3A = arith.constant 1 : i32
      %ge3A_85 = arith.cmpi sge, %scan3A_82, %ge3A : i32
      %convert_element_type3A_86 = arith.extui %ge3A_85 : i1 to i32
      %cond3A_87 = arith.constant 0 : i32
      %cond3A_88 = arith.cmpi ne, %convert_element_type3A_86, %cond3A_87 : i32
      scf.if %cond3A_88 {
        %dma_wait3A_147 = arith.constant 0 : i32
        %dma_wait3A_148 = arith.constant 0 : i32
        %dma_wait3A_149 = tpu.memref_slice %arg6[%dma_wait3A_147, %dma_wait3A_148] : memref<160000x128xf32, #tpu.memory_space<hbm>> -> memref<128x64xf32, #tpu.memory_space<hbm>>
        %dma_wait3A_150 = arith.constant 0 : i32
        %dma_wait3A_151 = arith.constant 0 : i32
        %dma_wait3A_152 = tpu.memref_slice %arg6[%dma_wait3A_150, %dma_wait3A_151] : memref<160000x128xf32, #tpu.memory_space<hbm>> -> memref<128x64xf32, #tpu.memory_space<hbm>>
        tpu.wait_dma2 semaphore(%arg21 : memref<!tpu.dma_semaphore, #tpu.memory_space<semaphore_mem>>) src(%arg13 : memref<128x64xf32, #tpu.memory_space<vmem>>) dst(%dma_wait3A_152 : memref<128x64xf32, #tpu.memory_space<hbm>>)
        %dma_wait3A_153 = arith.constant 0 : i32
        %dma_wait3A_154 = arith.constant 0 : i32
        %dma_wait3A_155 = tpu.memref_slice %arg7[%dma_wait3A_153, %dma_wait3A_154] : memref<160000x128xf32, #tpu.memory_space<hbm>> -> memref<128x64xf32, #tpu.memory_space<hbm>>
        %dma_wait3A_156 = arith.constant 0 : i32
        %dma_wait3A_157 = arith.constant 0 : i32
        %dma_wait3A_158 = tpu.memref_slice %arg7[%dma_wait3A_156, %dma_wait3A_157] : memref<160000x128xf32, #tpu.memory_space<hbm>> -> memref<128x64xf32, #tpu.memory_space<hbm>>
        tpu.wait_dma2 semaphore(%arg23 : memref<!tpu.dma_semaphore, #tpu.memory_space<semaphore_mem>>) src(%arg15 : memref<128x64xf32, #tpu.memory_space<vmem>>) dst(%dma_wait3A_158 : memref<128x64xf32, #tpu.memory_space<hbm>>)
      } else {
      }
      %add3A_89 = arith.constant 1 : i32
      %add3A_90 = arith.addi %mul3A_84, %add3A_89 : i32
      %mul3A_91 = arith.constant 128 : i32
      %mul3A_92 = arith.muli %add3A_90, %mul3A_91 : i32
      %dma_start3A_93 = tpu.memref_slice %arg8[%mul3A_92] : memref<9984xi32, #tpu.memory_space<vmem>> -> memref<128xi32, #tpu.memory_space<vmem>>
      %dma_start3A_94 = arith.constant 0 : i32
      %dma_start3A_95 = arith.constant 0 : i32
      %dma_start3A_96 = tpu.memref_slice %arg4[%dma_start3A_94, %dma_start3A_95] : memref<10000x64xf32, #tpu.memory_space<hbm>> -> memref<10000x64xf32, #tpu.memory_space<hbm>>
      tpu.enqueue_indirect_dma source(%dma_start3A_96 : memref<10000x64xf32, #tpu.memory_space<hbm>>) target(%arg13 : memref<128x64xf32, #tpu.memory_space<vmem>>) offsets(%dma_start3A_93 : memref<128xi32, #tpu.memory_space<vmem>>) semaphore(%arg17 : memref<!tpu.dma_semaphore, #tpu.memory_space<semaphore_mem>>)
      %mul3A_97 = arith.constant 128 : i32
      %mul3A_98 = arith.muli %add3A_90, %mul3A_97 : i32
      %dma_start3A_99 = tpu.memref_slice %arg9[%mul3A_98] : memref<9984xi32, #tpu.memory_space<vmem>> -> memref<128xi32, #tpu.memory_space<vmem>>
      %dma_start3A_100 = arith.constant 0 : i32
      %dma_start3A_101 = arith.constant 0 : i32
      %dma_start3A_102 = tpu.memref_slice %arg5[%dma_start3A_100, %dma_start3A_101] : memref<10000x64xf32, #tpu.memory_space<hbm>> -> memref<10000x64xf32, #tpu.memory_space<hbm>>
      tpu.enqueue_indirect_dma source(%dma_start3A_102 : memref<10000x64xf32, #tpu.memory_space<hbm>>) target(%arg15 : memref<128x64xf32, #tpu.memory_space<vmem>>) offsets(%dma_start3A_99 : memref<128xi32, #tpu.memory_space<vmem>>) semaphore(%arg19 : memref<!tpu.dma_semaphore, #tpu.memory_space<semaphore_mem>>)
      %dma_wait3A_103 = arith.constant 0 : i32
      %dma_wait3A_104 = arith.constant 0 : i32
      %dma_wait3A_105 = tpu.memref_slice %arg4[%dma_wait3A_103, %dma_wait3A_104] : memref<10000x64xf32, #tpu.memory_space<hbm>> -> memref<128x64xf32, #tpu.memory_space<hbm>>
      %dma_wait3A_106 = arith.constant 0 : i32
      %dma_wait3A_107 = arith.constant 0 : i32
      %dma_wait3A_108 = tpu.memref_slice %arg4[%dma_wait3A_106, %dma_wait3A_107] : memref<10000x64xf32, #tpu.memory_space<hbm>> -> memref<128x64xf32, #tpu.memory_space<hbm>>
      tpu.wait_dma2 semaphore(%arg16 : memref<!tpu.dma_semaphore, #tpu.memory_space<semaphore_mem>>) src(%dma_wait3A_108 : memref<128x64xf32, #tpu.memory_space<hbm>>) dst(%arg12 : memref<128x64xf32, #tpu.memory_space<vmem>>)
      %dma_wait3A_109 = arith.constant 0 : i32
      %dma_wait3A_110 = arith.constant 0 : i32
      %dma_wait3A_111 = tpu.memref_slice %arg5[%dma_wait3A_109, %dma_wait3A_110] : memref<10000x64xf32, #tpu.memory_space<hbm>> -> memref<128x64xf32, #tpu.memory_space<hbm>>
      %dma_wait3A_112 = arith.constant 0 : i32
      %dma_wait3A_113 = arith.constant 0 : i32
      %dma_wait3A_114 = tpu.memref_slice %arg5[%dma_wait3A_112, %dma_wait3A_113] : memref<10000x64xf32, #tpu.memory_space<hbm>> -> memref<128x64xf32, #tpu.memory_space<hbm>>
      tpu.wait_dma2 semaphore(%arg18 : memref<!tpu.dma_semaphore, #tpu.memory_space<semaphore_mem>>) src(%dma_wait3A_114 : memref<128x64xf32, #tpu.memory_space<hbm>>) dst(%arg14 : memref<128x64xf32, #tpu.memory_space<vmem>>)
      %add3A_115 = arith.addi %add3A_34, %mul3A_84 : i32
      %mul3A_116 = arith.constant 128 : i32
      %mul3A_117 = arith.muli %add3A_115, %mul3A_116 : i32
      %dma_start3A_118 = tpu.memref_slice %arg6[%mul3A_117, %mul3A_41] : memref<160000x128xf32, #tpu.memory_space<hbm>> -> memref<128x64xf32, #tpu.memory_space<hbm>>
      %dma_start3A_119 = tpu.memref_slice %arg6[%mul3A_117, %mul3A_41] : memref<160000x128xf32, #tpu.memory_space<hbm>> -> memref<128x64xf32, #tpu.memory_space<hbm>>
      tpu.enqueue_dma source(%arg12 : memref<128x64xf32, #tpu.memory_space<vmem>>) target(%dma_start3A_119 : memref<128x64xf32, #tpu.memory_space<hbm>>) target_semaphore(%arg20 : memref<!tpu.dma_semaphore, #tpu.memory_space<semaphore_mem>>)
      %dma_start3A_120 = tpu.memref_slice %arg7[%mul3A_117, %mul3A_41] : memref<160000x128xf32, #tpu.memory_space<hbm>> -> memref<128x64xf32, #tpu.memory_space<hbm>>
      %dma_start3A_121 = tpu.memref_slice %arg7[%mul3A_117, %mul3A_41] : memref<160000x128xf32, #tpu.memory_space<hbm>> -> memref<128x64xf32, #tpu.memory_space<hbm>>
      tpu.enqueue_dma source(%arg14 : memref<128x64xf32, #tpu.memory_space<vmem>>) target(%dma_start3A_121 : memref<128x64xf32, #tpu.memory_space<hbm>>) target_semaphore(%arg22 : memref<!tpu.dma_semaphore, #tpu.memory_space<semaphore_mem>>)
      %le3A = arith.constant 37 : i32
      %le3A_122 = arith.cmpi sle, %scan3A_82, %le3A : i32
      %convert_element_type3A_123 = arith.extui %le3A_122 : i1 to i32
      %cond3A_124 = arith.constant 0 : i32
      %cond3A_125 = arith.cmpi ne, %convert_element_type3A_123, %cond3A_124 : i32
      scf.if %cond3A_125 {
        %dma_wait3A_147 = arith.constant 0 : i32
        %dma_wait3A_148 = arith.constant 0 : i32
        %dma_wait3A_149 = tpu.memref_slice %arg6[%dma_wait3A_147, %dma_wait3A_148] : memref<160000x128xf32, #tpu.memory_space<hbm>> -> memref<128x64xf32, #tpu.memory_space<hbm>>
        %dma_wait3A_150 = arith.constant 0 : i32
        %dma_wait3A_151 = arith.constant 0 : i32
        %dma_wait3A_152 = tpu.memref_slice %arg6[%dma_wait3A_150, %dma_wait3A_151] : memref<160000x128xf32, #tpu.memory_space<hbm>> -> memref<128x64xf32, #tpu.memory_space<hbm>>
        tpu.wait_dma2 semaphore(%arg20 : memref<!tpu.dma_semaphore, #tpu.memory_space<semaphore_mem>>) src(%arg12 : memref<128x64xf32, #tpu.memory_space<vmem>>) dst(%dma_wait3A_152 : memref<128x64xf32, #tpu.memory_space<hbm>>)
        %dma_wait3A_153 = arith.constant 0 : i32
        %dma_wait3A_154 = arith.constant 0 : i32
        %dma_wait3A_155 = tpu.memref_slice %arg7[%dma_wait3A_153, %dma_wait3A_154] : memref<160000x128xf32, #tpu.memory_space<hbm>> -> memref<128x64xf32, #tpu.memory_space<hbm>>
        %dma_wait3A_156 = arith.constant 0 : i32
        %dma_wait3A_157 = arith.constant 0 : i32
        %dma_wait3A_158 = tpu.memref_slice %arg7[%dma_wait3A_156, %dma_wait3A_157] : memref<160000x128xf32, #tpu.memory_space<hbm>> -> memref<128x64xf32, #tpu.memory_space<hbm>>
        tpu.wait_dma2 semaphore(%arg22 : memref<!tpu.dma_semaphore, #tpu.memory_space<semaphore_mem>>) src(%arg14 : memref<128x64xf32, #tpu.memory_space<vmem>>) dst(%dma_wait3A_158 : memref<128x64xf32, #tpu.memory_space<hbm>>)
        %add3A_159 = arith.constant 2 : i32
        %add3A_160 = arith.addi %mul3A_84, %add3A_159 : i32
        %mul3A_161 = arith.constant 128 : i32
        %mul3A_162 = arith.muli %add3A_160, %mul3A_161 : i32
        %dma_start3A_163 = tpu.memref_slice %arg8[%mul3A_162] : memref<9984xi32, #tpu.memory_space<vmem>> -> memref<128xi32, #tpu.memory_space<vmem>>
        %dma_start3A_164 = arith.constant 0 : i32
        %dma_start3A_165 = arith.constant 0 : i32
        %dma_start3A_166 = tpu.memref_slice %arg4[%dma_start3A_164, %dma_start3A_165] : memref<10000x64xf32, #tpu.memory_space<hbm>> -> memref<10000x64xf32, #tpu.memory_space<hbm>>
        tpu.enqueue_indirect_dma source(%dma_start3A_166 : memref<10000x64xf32, #tpu.memory_space<hbm>>) target(%arg12 : memref<128x64xf32, #tpu.memory_space<vmem>>) offsets(%dma_start3A_163 : memref<128xi32, #tpu.memory_space<vmem>>) semaphore(%arg16 : memref<!tpu.dma_semaphore, #tpu.memory_space<semaphore_mem>>)
        %mul3A_167 = arith.constant 128 : i32
        %mul3A_168 = arith.muli %add3A_160, %mul3A_167 : i32
        %dma_start3A_169 = tpu.memref_slice %arg9[%mul3A_168] : memref<9984xi32, #tpu.memory_space<vmem>> -> memref<128xi32, #tpu.memory_space<vmem>>
        %dma_start3A_170 = arith.constant 0 : i32
        %dma_start3A_171 = arith.constant 0 : i32
        %dma_start3A_172 = tpu.memref_slice %arg5[%dma_start3A_170, %dma_start3A_171] : memref<10000x64xf32, #tpu.memory_space<hbm>> -> memref<10000x64xf32, #tpu.memory_space<hbm>>
        tpu.enqueue_indirect_dma source(%dma_start3A_172 : memref<10000x64xf32, #tpu.memory_space<hbm>>) target(%arg14 : memref<128x64xf32, #tpu.memory_space<vmem>>) offsets(%dma_start3A_169 : memref<128xi32, #tpu.memory_space<vmem>>) semaphore(%arg18 : memref<!tpu.dma_semaphore, #tpu.memory_space<semaphore_mem>>)
      } else {
      }
      %dma_wait3A_126 = arith.constant 0 : i32
      %dma_wait3A_127 = arith.constant 0 : i32
      %dma_wait3A_128 = tpu.memref_slice %arg4[%dma_wait3A_126, %dma_wait3A_127] : memref<10000x64xf32, #tpu.memory_space<hbm>> -> memref<128x64xf32, #tpu.memory_space<hbm>>
      %dma_wait3A_129 = arith.constant 0 : i32
      %dma_wait3A_130 = arith.constant 0 : i32
      %dma_wait3A_131 = tpu.memref_slice %arg4[%dma_wait3A_129, %dma_wait3A_130] : memref<10000x64xf32, #tpu.memory_space<hbm>> -> memref<128x64xf32, #tpu.memory_space<hbm>>
      tpu.wait_dma2 semaphore(%arg17 : memref<!tpu.dma_semaphore, #tpu.memory_space<semaphore_mem>>) src(%dma_wait3A_131 : memref<128x64xf32, #tpu.memory_space<hbm>>) dst(%arg13 : memref<128x64xf32, #tpu.memory_space<vmem>>)
      %dma_wait3A_132 = arith.constant 0 : i32
      %dma_wait3A_133 = arith.constant 0 : i32
      %dma_wait3A_134 = tpu.memref_slice %arg5[%dma_wait3A_132, %dma_wait3A_133] : memref<10000x64xf32, #tpu.memory_space<hbm>> -> memref<128x64xf32, #tpu.memory_space<hbm>>
      %dma_wait3A_135 = arith.constant 0 : i32
      %dma_wait3A_136 = arith.constant 0 : i32
      %dma_wait3A_137 = tpu.memref_slice %arg5[%dma_wait3A_135, %dma_wait3A_136] : memref<10000x64xf32, #tpu.memory_space<hbm>> -> memref<128x64xf32, #tpu.memory_space<hbm>>
      tpu.wait_dma2 semaphore(%arg19 : memref<!tpu.dma_semaphore, #tpu.memory_space<semaphore_mem>>) src(%dma_wait3A_137 : memref<128x64xf32, #tpu.memory_space<hbm>>) dst(%arg15 : memref<128x64xf32, #tpu.memory_space<vmem>>)
      %add3A_138 = arith.constant 1 : i32
      %add3A_139 = arith.addi %mul3A_84, %add3A_138 : i32
      %add3A_140 = arith.addi %add3A_34, %add3A_139 : i32
      %mul3A_141 = arith.constant 128 : i32
      %mul3A_142 = arith.muli %add3A_140, %mul3A_141 : i32
      %dma_start3A_143 = tpu.memref_slice %arg6[%mul3A_142, %mul3A_41] : memref<160000x128xf32, #tpu.memory_space<hbm>> -> memref<128x64xf32, #tpu.memory_space<hbm>>
      %dma_start3A_144 = tpu.memref_slice %arg6[%mul3A_142, %mul3A_41] : memref<160000x128xf32, #tpu.memory_space<hbm>> -> memref<128x64xf32, #tpu.memory_space<hbm>>
      tpu.enqueue_dma source(%arg13 : memref<128x64xf32, #tpu.memory_space<vmem>>) target(%dma_start3A_144 : memref<128x64xf32, #tpu.memory_space<hbm>>) target_semaphore(%arg21 : memref<!tpu.dma_semaphore, #tpu.memory_space<semaphore_mem>>)
      %dma_start3A_145 = tpu.memref_slice %arg7[%mul3A_142, %mul3A_41] : memref<160000x128xf32, #tpu.memory_space<hbm>> -> memref<128x64xf32, #tpu.memory_space<hbm>>
      %dma_start3A_146 = tpu.memref_slice %arg7[%mul3A_142, %mul3A_41] : memref<160000x128xf32, #tpu.memory_space<hbm>> -> memref<128x64xf32, #tpu.memory_space<hbm>>
      tpu.enqueue_dma source(%arg15 : memref<128x64xf32, #tpu.memory_space<vmem>>) target(%dma_start3A_146 : memref<128x64xf32, #tpu.memory_space<hbm>>) target_semaphore(%arg23 : memref<!tpu.dma_semaphore, #tpu.memory_space<semaphore_mem>>)
    }
    %scan3A_55 = arith.constant 39 : i32
    %dma_wait3A = arith.constant 0 : i32
    %dma_wait3A_56 = arith.constant 0 : i32
    %dma_wait3A_57 = tpu.memref_slice %arg6[%dma_wait3A, %dma_wait3A_56] : memref<160000x128xf32, #tpu.memory_space<hbm>> -> memref<128x64xf32, #tpu.memory_space<hbm>>
    %dma_wait3A_58 = arith.constant 0 : i32
    %dma_wait3A_59 = arith.constant 0 : i32
    %dma_wait3A_60 = tpu.memref_slice %arg6[%dma_wait3A_58, %dma_wait3A_59] : memref<160000x128xf32, #tpu.memory_space<hbm>> -> memref<128x64xf32, #tpu.memory_space<hbm>>
    tpu.wait_dma2 semaphore(%arg20 : memref<!tpu.dma_semaphore, #tpu.memory_space<semaphore_mem>>) src(%arg12 : memref<128x64xf32, #tpu.memory_space<vmem>>) dst(%dma_wait3A_60 : memref<128x64xf32, #tpu.memory_space<hbm>>)
    %dma_wait3A_61 = arith.constant 0 : i32
    %dma_wait3A_62 = arith.constant 0 : i32
    %dma_wait3A_63 = tpu.memref_slice %arg7[%dma_wait3A_61, %dma_wait3A_62] : memref<160000x128xf32, #tpu.memory_space<hbm>> -> memref<128x64xf32, #tpu.memory_space<hbm>>
    %dma_wait3A_64 = arith.constant 0 : i32
    %dma_wait3A_65 = arith.constant 0 : i32
    %dma_wait3A_66 = tpu.memref_slice %arg7[%dma_wait3A_64, %dma_wait3A_65] : memref<160000x128xf32, #tpu.memory_space<hbm>> -> memref<128x64xf32, #tpu.memory_space<hbm>>
    tpu.wait_dma2 semaphore(%arg22 : memref<!tpu.dma_semaphore, #tpu.memory_space<semaphore_mem>>) src(%arg14 : memref<128x64xf32, #tpu.memory_space<vmem>>) dst(%dma_wait3A_66 : memref<128x64xf32, #tpu.memory_space<hbm>>)
    %dma_wait3A_67 = arith.constant 0 : i32
    %dma_wait3A_68 = arith.constant 0 : i32
    %dma_wait3A_69 = tpu.memref_slice %arg6[%dma_wait3A_67, %dma_wait3A_68] : memref<160000x128xf32, #tpu.memory_space<hbm>> -> memref<128x64xf32, #tpu.memory_space<hbm>>
    %dma_wait3A_70 = arith.constant 0 : i32
    %dma_wait3A_71 = arith.constant 0 : i32
    %dma_wait3A_72 = tpu.memref_slice %arg6[%dma_wait3A_70, %dma_wait3A_71] : memref<160000x128xf32, #tpu.memory_space<hbm>> -> memref<128x64xf32, #tpu.memory_space<hbm>>
    tpu.wait_dma2 semaphore(%arg21 : memref<!tpu.dma_semaphore, #tpu.memory_space<semaphore_mem>>) src(%arg13 : memref<128x64xf32, #tpu.memory_space<vmem>>) dst(%dma_wait3A_72 : memref<128x64xf32, #tpu.memory_space<hbm>>)
    %dma_wait3A_73 = arith.constant 0 : i32
    %dma_wait3A_74 = arith.constant 0 : i32
    %dma_wait3A_75 = tpu.memref_slice %arg7[%dma_wait3A_73, %dma_wait3A_74] : memref<160000x128xf32, #tpu.memory_space<hbm>> -> memref<128x64xf32, #tpu.memory_space<hbm>>
    %dma_wait3A_76 = arith.constant 0 : i32
    %dma_wait3A_77 = arith.constant 0 : i32
    %dma_wait3A_78 = tpu.memref_slice %arg7[%dma_wait3A_76, %dma_wait3A_77] : memref<160000x128xf32, #tpu.memory_space<hbm>> -> memref<128x64xf32, #tpu.memory_space<hbm>>
    tpu.wait_dma2 semaphore(%arg23 : memref<!tpu.dma_semaphore, #tpu.memory_space<semaphore_mem>>) src(%arg15 : memref<128x64xf32, #tpu.memory_space<vmem>>) dst(%dma_wait3A_78 : memref<128x64xf32, #tpu.memory_space<hbm>>)
    %lt3A_79 = arith.constant 2 : i32
    %lt3A_80 = arith.cmpi slt, %select_n3A_30, %lt3A_79 : i32
    %convert_element_type3A = arith.extui %lt3A_80 : i1 to i32
    %cond3A = arith.constant 0 : i32
    %cond3A_81 = arith.cmpi ne, %convert_element_type3A, %cond3A : i32
    scf.if %cond3A_81 {
      %add3A_82 = arith.constant 78 : i32
      %add3A_83 = arith.addi %add3A_34, %add3A_82 : i32
      %mul3A_84 = arith.constant 160000 : i32
      %mul3A_85 = arith.muli %select_n3A, %mul3A_84 : i32
      %mul3A_86 = arith.constant 128 : i32
      %mul3A_87 = arith.muli %add3A_83, %mul3A_86 : i32
      %add3A_88 = arith.addi %mul3A_85, %mul3A_87 : i32
      "tpu.region"() ({
        %run_scoped3A = tpu.sem_alloc : memref<!tpu.dma_semaphore, #tpu.memory_space<semaphore_mem>>
        %dma_start3A_105 = tpu.memref_slice %arg2[%add3A_88] : memref<320000xi32, #tpu.memory_space<hbm>> -> memref<128xi32, #tpu.memory_space<hbm>>
        %dma_start3A_106 = tpu.memref_slice %arg2[%add3A_88] : memref<320000xi32, #tpu.memory_space<hbm>> -> memref<128xi32, #tpu.memory_space<hbm>>
        tpu.enqueue_dma source(%dma_start3A_106 : memref<128xi32, #tpu.memory_space<hbm>>) target(%arg10 : memref<128xi32, #tpu.memory_space<vmem>>) target_semaphore(%run_scoped3A : memref<!tpu.dma_semaphore, #tpu.memory_space<semaphore_mem>>)
        %dma_wait3A_107 = tpu.memref_slice %arg2[%add3A_88] : memref<320000xi32, #tpu.memory_space<hbm>> -> memref<128xi32, #tpu.memory_space<hbm>>
        %dma_wait3A_108 = tpu.memref_slice %arg2[%add3A_88] : memref<320000xi32, #tpu.memory_space<hbm>> -> memref<128xi32, #tpu.memory_space<hbm>>
        tpu.wait_dma2 semaphore(%run_scoped3A : memref<!tpu.dma_semaphore, #tpu.memory_space<semaphore_mem>>) src(%dma_wait3A_108 : memref<128xi32, #tpu.memory_space<hbm>>) dst(%arg10 : memref<128xi32, #tpu.memory_space<vmem>>)
        tpu.yield
      }) : () -> ()
      "tpu.region"() ({
        %run_scoped3A = tpu.sem_alloc : memref<!tpu.dma_semaphore, #tpu.memory_space<semaphore_mem>>
        %dma_start3A_105 = tpu.memref_slice %arg3[%add3A_88] : memref<320000xi32, #tpu.memory_space<hbm>> -> memref<128xi32, #tpu.memory_space<hbm>>
        %dma_start3A_106 = tpu.memref_slice %arg3[%add3A_88] : memref<320000xi32, #tpu.memory_space<hbm>> -> memref<128xi32, #tpu.memory_space<hbm>>
        tpu.enqueue_dma source(%dma_start3A_106 : memref<128xi32, #tpu.memory_space<hbm>>) target(%arg11 : memref<128xi32, #tpu.memory_space<vmem>>) target_semaphore(%run_scoped3A : memref<!tpu.dma_semaphore, #tpu.memory_space<semaphore_mem>>)
        %dma_wait3A_107 = tpu.memref_slice %arg3[%add3A_88] : memref<320000xi32, #tpu.memory_space<hbm>> -> memref<128xi32, #tpu.memory_space<hbm>>
        %dma_wait3A_108 = tpu.memref_slice %arg3[%add3A_88] : memref<320000xi32, #tpu.memory_space<hbm>> -> memref<128xi32, #tpu.memory_space<hbm>>
        tpu.wait_dma2 semaphore(%run_scoped3A : memref<!tpu.dma_semaphore, #tpu.memory_space<semaphore_mem>>) src(%dma_wait3A_108 : memref<128xi32, #tpu.memory_space<hbm>>) dst(%arg11 : memref<128xi32, #tpu.memory_space<vmem>>)
        tpu.yield
      }) : () -> ()
      %dma_start3A_89 = arith.constant 0 : i32
      %dma_start3A_90 = arith.constant 0 : i32
      %dma_start3A_91 = tpu.memref_slice %arg4[%dma_start3A_89, %dma_start3A_90] : memref<10000x64xf32, #tpu.memory_space<hbm>> -> memref<10000x64xf32, #tpu.memory_space<hbm>>
      tpu.enqueue_indirect_dma source(%dma_start3A_91 : memref<10000x64xf32, #tpu.memory_space<hbm>>) target(%arg12 : memref<128x64xf32, #tpu.memory_space<vmem>>) offsets(%arg10 : memref<128xi32, #tpu.memory_space<vmem>>) semaphore(%arg16 : memref<!tpu.dma_semaphore, #tpu.memory_space<semaphore_mem>>)
      %dma_wait3A_92 = arith.constant 0 : i32
      %dma_wait3A_93 = arith.constant 0 : i32
      %dma_wait3A_94 = tpu.memref_slice %arg4[%dma_wait3A_92, %dma_wait3A_93] : memref<10000x64xf32, #tpu.memory_space<hbm>> -> memref<10000x64xf32, #tpu.memory_space<hbm>>
      tpu.wait_indirect_dma semaphore(%arg16 : memref<!tpu.dma_semaphore, #tpu.memory_space<semaphore_mem>>) src(%dma_wait3A_94 : memref<10000x64xf32, #tpu.memory_space<hbm>>) dst(%arg12 : memref<128x64xf32, #tpu.memory_space<vmem>>)
      %dma_start3A_95 = arith.constant 0 : i32
      %dma_start3A_96 = arith.constant 0 : i32
      %dma_start3A_97 = tpu.memref_slice %arg5[%dma_start3A_95, %dma_start3A_96] : memref<10000x64xf32, #tpu.memory_space<hbm>> -> memref<10000x64xf32, #tpu.memory_space<hbm>>
      tpu.enqueue_indirect_dma source(%dma_start3A_97 : memref<10000x64xf32, #tpu.memory_space<hbm>>) target(%arg14 : memref<128x64xf32, #tpu.memory_space<vmem>>) offsets(%arg11 : memref<128xi32, #tpu.memory_space<vmem>>) semaphore(%arg18 : memref<!tpu.dma_semaphore, #tpu.memory_space<semaphore_mem>>)
      %dma_wait3A_98 = arith.constant 0 : i32
      %dma_wait3A_99 = arith.constant 0 : i32
      %dma_wait3A_100 = tpu.memref_slice %arg5[%dma_wait3A_98, %dma_wait3A_99] : memref<10000x64xf32, #tpu.memory_space<hbm>> -> memref<10000x64xf32, #tpu.memory_space<hbm>>
      tpu.wait_indirect_dma semaphore(%arg18 : memref<!tpu.dma_semaphore, #tpu.memory_space<semaphore_mem>>) src(%dma_wait3A_100 : memref<10000x64xf32, #tpu.memory_space<hbm>>) dst(%arg14 : memref<128x64xf32, #tpu.memory_space<vmem>>)
      %mul3A_101 = arith.constant 128 : i32
      %mul3A_102 = arith.muli %add3A_83, %mul3A_101 : i32
      "tpu.region"() ({
        %run_scoped3A = tpu.sem_alloc : memref<!tpu.dma_semaphore, #tpu.memory_space<semaphore_mem>>
        %dma_start3A_105 = tpu.memref_slice %arg6[%mul3A_102, %mul3A_41] : memref<160000x128xf32, #tpu.memory_space<hbm>> -> memref<128x64xf32, #tpu.memory_space<hbm>>
        %dma_start3A_106 = tpu.memref_slice %arg6[%mul3A_102, %mul3A_41] : memref<160000x128xf32, #tpu.memory_space<hbm>> -> memref<128x64xf32, #tpu.memory_space<hbm>>
        tpu.enqueue_dma source(%arg12 : memref<128x64xf32, #tpu.memory_space<vmem>>) target(%dma_start3A_106 : memref<128x64xf32, #tpu.memory_space<hbm>>) target_semaphore(%run_scoped3A : memref<!tpu.dma_semaphore, #tpu.memory_space<semaphore_mem>>)
        %dma_wait3A_107 = tpu.memref_slice %arg6[%mul3A_102, %mul3A_41] : memref<160000x128xf32, #tpu.memory_space<hbm>> -> memref<128x64xf32, #tpu.memory_space<hbm>>
        %dma_wait3A_108 = tpu.memref_slice %arg6[%mul3A_102, %mul3A_41] : memref<160000x128xf32, #tpu.memory_space<hbm>> -> memref<128x64xf32, #tpu.memory_space<hbm>>
        tpu.wait_dma2 semaphore(%run_scoped3A : memref<!tpu.dma_semaphore, #tpu.memory_space<semaphore_mem>>) src(%arg12 : memref<128x64xf32, #tpu.memory_space<vmem>>) dst(%dma_wait3A_108 : memref<128x64xf32, #tpu.memory_space<hbm>>)
        tpu.yield
      }) : () -> ()
      %mul3A_103 = arith.constant 128 : i32
      %mul3A_104 = arith.muli %add3A_83, %mul3A_103 : i32
      "tpu.region"() ({
        %run_scoped3A = tpu.sem_alloc : memref<!tpu.dma_semaphore, #tpu.memory_space<semaphore_mem>>
        %dma_start3A_105 = tpu.memref_slice %arg7[%mul3A_104, %mul3A_41] : memref<160000x128xf32, #tpu.memory_space<hbm>> -> memref<128x64xf32, #tpu.memory_space<hbm>>
        %dma_start3A_106 = tpu.memref_slice %arg7[%mul3A_104, %mul3A_41] : memref<160000x128xf32, #tpu.memory_space<hbm>> -> memref<128x64xf32, #tpu.memory_space<hbm>>
        tpu.enqueue_dma source(%arg14 : memref<128x64xf32, #tpu.memory_space<vmem>>) target(%dma_start3A_106 : memref<128x64xf32, #tpu.memory_space<hbm>>) target_semaphore(%run_scoped3A : memref<!tpu.dma_semaphore, #tpu.memory_space<semaphore_mem>>)
        %dma_wait3A_107 = tpu.memref_slice %arg7[%mul3A_104, %mul3A_41] : memref<160000x128xf32, #tpu.memory_space<hbm>> -> memref<128x64xf32, #tpu.memory_space<hbm>>
        %dma_wait3A_108 = tpu.memref_slice %arg7[%mul3A_104, %mul3A_41] : memref<160000x128xf32, #tpu.memory_space<hbm>> -> memref<128x64xf32, #tpu.memory_space<hbm>>
        tpu.wait_dma2 semaphore(%run_scoped3A : memref<!tpu.dma_semaphore, #tpu.memory_space<semaphore_mem>>) src(%arg14 : memref<128x64xf32, #tpu.memory_space<vmem>>) dst(%dma_wait3A_108 : memref<128x64xf32, #tpu.memory_space<hbm>>)
        tpu.yield
      }) : () -> ()
    } else {
    }
    return
  }
}

#map = affine_map<(d0, d1) -> (0, 0, 0)>
#map1 = affine_map<(d0, d1) -> (0, 0)>
module attributes {stable_mosaic.version = 14 : i64} {
  func.func @_sc_segsum(%arg0: i32, %arg1: i32, %arg2: memref<32x80x128xi32, #tpu.memory_space<hbm>>, %arg3: memref<320000x128xf32, #tpu.memory_space<hbm>>, %arg4: memref<128x128xf32, #tpu.memory_space<hbm>>, %arg5: memref<2x10240x128xf32, #tpu.memory_space<hbm>>, %arg6: memref<80x128xi32, #tpu.memory_space<vmem>>, %arg7: memref<128x128xf32, #tpu.memory_space<vmem>>, %arg8: memref<128x128xf32, #tpu.memory_space<vmem>>, %arg9: memref<10240x128xf32, #tpu.memory_space<vmem_shared>>, %arg10: memref<!tpu.dma_semaphore, #tpu.memory_space<semaphore_mem>>, %arg11: memref<!tpu.dma_semaphore, #tpu.memory_space<semaphore_mem>>) attributes {dimension_semantics = [#tpu.dimension_semantics<core_parallel>, #tpu.dimension_semantics<subcore_parallel>], iteration_bounds = array<i64: 2, 16>, scalar_prefetch = 0 : i64, scratch_operands = 6 : i64, tpu.core_type = #tpu.core_type<sc_vector_subcore>, window_params = [{transform_indices = #map}, {transform_indices = #map1}, {transform_indices = #map1}, {transform_indices = #map}]} {
    %mul3A = arith.constant 2 : i32
    %mul3A_0 = arith.muli %arg1, %mul3A : i32
    %add3A = arith.addi %mul3A_0, %arg0 : i32
    %mul3A_1 = arith.constant 78 : i32
    %mul3A_2 = arith.muli %mul3A_1, %add3A : i32
    %min3A = arith.constant 4 : i32
    %min3A_3 = arith.minsi %add3A, %min3A : i32
    %add3A_4 = arith.addi %mul3A_2, %min3A_3 : i32
    "tpu.region"() ({
      %run_scoped3A = tpu.sem_alloc : memref<!tpu.dma_semaphore, #tpu.memory_space<semaphore_mem>>
      %dma_start3A_80 = arith.constant 0 : i32
      %dma_start3A_81 = arith.constant 0 : i32
      %dma_start3A_82 = tpu.memref_slice %arg2[%add3A, %dma_start3A_80, %dma_start3A_81] : memref<32x80x128xi32, #tpu.memory_space<hbm>> -> memref<1x80x128xi32, #tpu.memory_space<hbm>>
      %dma_start3A_83 = tpu.memref_squeeze %dma_start3A_82 : memref<1x80x128xi32, #tpu.memory_space<hbm>> -> memref<80x128xi32, #tpu.memory_space<hbm>>
      %dma_start3A_84 = arith.constant 0 : i32
      %dma_start3A_85 = arith.constant 0 : i32
      %dma_start3A_86 = tpu.memref_slice %arg2[%add3A, %dma_start3A_84, %dma_start3A_85] : memref<32x80x128xi32, #tpu.memory_space<hbm>> -> memref<1x80x128xi32, #tpu.memory_space<hbm>>
      %dma_start3A_87 = tpu.memref_squeeze %dma_start3A_86 : memref<1x80x128xi32, #tpu.memory_space<hbm>> -> memref<80x128xi32, #tpu.memory_space<hbm>>
      tpu.enqueue_dma source(%dma_start3A_87 : memref<80x128xi32, #tpu.memory_space<hbm>>) target(%arg6 : memref<80x128xi32, #tpu.memory_space<vmem>>) target_semaphore(%run_scoped3A : memref<!tpu.dma_semaphore, #tpu.memory_space<semaphore_mem>>)
      %dma_wait3A = arith.constant 0 : i32
      %dma_wait3A_88 = arith.constant 0 : i32
      %dma_wait3A_89 = tpu.memref_slice %arg2[%add3A, %dma_wait3A, %dma_wait3A_88] : memref<32x80x128xi32, #tpu.memory_space<hbm>> -> memref<1x80x128xi32, #tpu.memory_space<hbm>>
      %dma_wait3A_90 = tpu.memref_squeeze %dma_wait3A_89 : memref<1x80x128xi32, #tpu.memory_space<hbm>> -> memref<80x128xi32, #tpu.memory_space<hbm>>
      %dma_wait3A_91 = arith.constant 0 : i32
      %dma_wait3A_92 = arith.constant 0 : i32
      %dma_wait3A_93 = tpu.memref_slice %arg2[%add3A, %dma_wait3A_91, %dma_wait3A_92] : memref<32x80x128xi32, #tpu.memory_space<hbm>> -> memref<1x80x128xi32, #tpu.memory_space<hbm>>
      %dma_wait3A_94 = tpu.memref_squeeze %dma_wait3A_93 : memref<1x80x128xi32, #tpu.memory_space<hbm>> -> memref<80x128xi32, #tpu.memory_space<hbm>>
      tpu.wait_dma2 semaphore(%run_scoped3A : memref<!tpu.dma_semaphore, #tpu.memory_space<semaphore_mem>>) src(%dma_wait3A_94 : memref<80x128xi32, #tpu.memory_space<hbm>>) dst(%arg6 : memref<80x128xi32, #tpu.memory_space<vmem>>)
      tpu.yield
    }) : () -> ()
    "tpu.region"() ({
      %run_scoped3A = tpu.sem_alloc : memref<!tpu.dma_semaphore, #tpu.memory_space<semaphore_mem>>
      tpu.enqueue_dma source(%arg4 : memref<128x128xf32, #tpu.memory_space<hbm>>) target(%arg7 : memref<128x128xf32, #tpu.memory_space<vmem>>) target_semaphore(%run_scoped3A : memref<!tpu.dma_semaphore, #tpu.memory_space<semaphore_mem>>)
      tpu.wait_dma2 semaphore(%run_scoped3A : memref<!tpu.dma_semaphore, #tpu.memory_space<semaphore_mem>>) src(%arg4 : memref<128x128xf32, #tpu.memory_space<hbm>>) dst(%arg7 : memref<128x128xf32, #tpu.memory_space<vmem>>)
      tpu.yield
    }) : () -> ()
    %mul3A_5 = arith.constant 640 : i32
    %mul3A_6 = arith.muli %arg1, %mul3A_5 : i32
    %add3A_7 = arith.constant 0 : i32
    %add3A_8 = arith.addi %mul3A_6, %add3A_7 : i32
    "tpu.region"() ({
      %run_scoped3A = tpu.sem_alloc : memref<!tpu.dma_semaphore, #tpu.memory_space<semaphore_mem>>
      %dma_start3A_80 = arith.constant 0 : i32
      %dma_start3A_81 = tpu.memref_slice %arg9[%add3A_8, %dma_start3A_80] : memref<10240x128xf32, #tpu.memory_space<vmem_shared>> -> memref<128x128xf32, #tpu.memory_space<vmem_shared>>
      %dma_start3A_82 = arith.constant 0 : i32
      %dma_start3A_83 = tpu.memref_slice %arg9[%add3A_8, %dma_start3A_82] : memref<10240x128xf32, #tpu.memory_space<vmem_shared>> -> memref<128x128xf32, #tpu.memory_space<vmem_shared>>
      tpu.enqueue_dma source(%arg7 : memref<128x128xf32, #tpu.memory_space<vmem>>) target(%dma_start3A_83 : memref<128x128xf32, #tpu.memory_space<vmem_shared>>) target_semaphore(%run_scoped3A : memref<!tpu.dma_semaphore, #tpu.memory_space<semaphore_mem>>)
      %dma_wait3A = arith.constant 0 : i32
      %dma_wait3A_84 = tpu.memref_slice %arg9[%add3A_8, %dma_wait3A] : memref<10240x128xf32, #tpu.memory_space<vmem_shared>> -> memref<128x128xf32, #tpu.memory_space<vmem_shared>>
      %dma_wait3A_85 = arith.constant 0 : i32
      %dma_wait3A_86 = tpu.memref_slice %arg9[%add3A_8, %dma_wait3A_85] : memref<10240x128xf32, #tpu.memory_space<vmem_shared>> -> memref<128x128xf32, #tpu.memory_space<vmem_shared>>
      tpu.wait_dma2 semaphore(%run_scoped3A : memref<!tpu.dma_semaphore, #tpu.memory_space<semaphore_mem>>) src(%arg7 : memref<128x128xf32, #tpu.memory_space<vmem>>) dst(%dma_wait3A_86 : memref<128x128xf32, #tpu.memory_space<vmem_shared>>)
      tpu.yield
    }) : () -> ()
    %mul3A_9 = arith.constant 640 : i32
    %mul3A_10 = arith.muli %arg1, %mul3A_9 : i32
    %add3A_11 = arith.constant 128 : i32
    %add3A_12 = arith.addi %mul3A_10, %add3A_11 : i32
    "tpu.region"() ({
      %run_scoped3A = tpu.sem_alloc : memref<!tpu.dma_semaphore, #tpu.memory_space<semaphore_mem>>
      %dma_start3A_80 = arith.constant 0 : i32
      %dma_start3A_81 = tpu.memref_slice %arg9[%add3A_12, %dma_start3A_80] : memref<10240x128xf32, #tpu.memory_space<vmem_shared>> -> memref<128x128xf32, #tpu.memory_space<vmem_shared>>
      %dma_start3A_82 = arith.constant 0 : i32
      %dma_start3A_83 = tpu.memref_slice %arg9[%add3A_12, %dma_start3A_82] : memref<10240x128xf32, #tpu.memory_space<vmem_shared>> -> memref<128x128xf32, #tpu.memory_space<vmem_shared>>
      tpu.enqueue_dma source(%arg7 : memref<128x128xf32, #tpu.memory_space<vmem>>) target(%dma_start3A_83 : memref<128x128xf32, #tpu.memory_space<vmem_shared>>) target_semaphore(%run_scoped3A : memref<!tpu.dma_semaphore, #tpu.memory_space<semaphore_mem>>)
      %dma_wait3A = arith.constant 0 : i32
      %dma_wait3A_84 = tpu.memref_slice %arg9[%add3A_12, %dma_wait3A] : memref<10240x128xf32, #tpu.memory_space<vmem_shared>> -> memref<128x128xf32, #tpu.memory_space<vmem_shared>>
      %dma_wait3A_85 = arith.constant 0 : i32
      %dma_wait3A_86 = tpu.memref_slice %arg9[%add3A_12, %dma_wait3A_85] : memref<10240x128xf32, #tpu.memory_space<vmem_shared>> -> memref<128x128xf32, #tpu.memory_space<vmem_shared>>
      tpu.wait_dma2 semaphore(%run_scoped3A : memref<!tpu.dma_semaphore, #tpu.memory_space<semaphore_mem>>) src(%arg7 : memref<128x128xf32, #tpu.memory_space<vmem>>) dst(%dma_wait3A_86 : memref<128x128xf32, #tpu.memory_space<vmem_shared>>)
      tpu.yield
    }) : () -> ()
    %mul3A_13 = arith.constant 640 : i32
    %mul3A_14 = arith.muli %arg1, %mul3A_13 : i32
    %add3A_15 = arith.constant 256 : i32
    %add3A_16 = arith.addi %mul3A_14, %add3A_15 : i32
    "tpu.region"() ({
      %run_scoped3A = tpu.sem_alloc : memref<!tpu.dma_semaphore, #tpu.memory_space<semaphore_mem>>
      %dma_start3A_80 = arith.constant 0 : i32
      %dma_start3A_81 = tpu.memref_slice %arg9[%add3A_16, %dma_start3A_80] : memref<10240x128xf32, #tpu.memory_space<vmem_shared>> -> memref<128x128xf32, #tpu.memory_space<vmem_shared>>
      %dma_start3A_82 = arith.constant 0 : i32
      %dma_start3A_83 = tpu.memref_slice %arg9[%add3A_16, %dma_start3A_82] : memref<10240x128xf32, #tpu.memory_space<vmem_shared>> -> memref<128x128xf32, #tpu.memory_space<vmem_shared>>
      tpu.enqueue_dma source(%arg7 : memref<128x128xf32, #tpu.memory_space<vmem>>) target(%dma_start3A_83 : memref<128x128xf32, #tpu.memory_space<vmem_shared>>) target_semaphore(%run_scoped3A : memref<!tpu.dma_semaphore, #tpu.memory_space<semaphore_mem>>)
      %dma_wait3A = arith.constant 0 : i32
      %dma_wait3A_84 = tpu.memref_slice %arg9[%add3A_16, %dma_wait3A] : memref<10240x128xf32, #tpu.memory_space<vmem_shared>> -> memref<128x128xf32, #tpu.memory_space<vmem_shared>>
      %dma_wait3A_85 = arith.constant 0 : i32
      %dma_wait3A_86 = tpu.memref_slice %arg9[%add3A_16, %dma_wait3A_85] : memref<10240x128xf32, #tpu.memory_space<vmem_shared>> -> memref<128x128xf32, #tpu.memory_space<vmem_shared>>
      tpu.wait_dma2 semaphore(%run_scoped3A : memref<!tpu.dma_semaphore, #tpu.memory_space<semaphore_mem>>) src(%arg7 : memref<128x128xf32, #tpu.memory_space<vmem>>) dst(%dma_wait3A_86 : memref<128x128xf32, #tpu.memory_space<vmem_shared>>)
      tpu.yield
    }) : () -> ()
    %mul3A_17 = arith.constant 640 : i32
    %mul3A_18 = arith.muli %arg1, %mul3A_17 : i32
    %add3A_19 = arith.constant 384 : i32
    %add3A_20 = arith.addi %mul3A_18, %add3A_19 : i32
    "tpu.region"() ({
      %run_scoped3A = tpu.sem_alloc : memref<!tpu.dma_semaphore, #tpu.memory_space<semaphore_mem>>
      %dma_start3A_80 = arith.constant 0 : i32
      %dma_start3A_81 = tpu.memref_slice %arg9[%add3A_20, %dma_start3A_80] : memref<10240x128xf32, #tpu.memory_space<vmem_shared>> -> memref<128x128xf32, #tpu.memory_space<vmem_shared>>
      %dma_start3A_82 = arith.constant 0 : i32
      %dma_start3A_83 = tpu.memref_slice %arg9[%add3A_20, %dma_start3A_82] : memref<10240x128xf32, #tpu.memory_space<vmem_shared>> -> memref<128x128xf32, #tpu.memory_space<vmem_shared>>
      tpu.enqueue_dma source(%arg7 : memref<128x128xf32, #tpu.memory_space<vmem>>) target(%dma_start3A_83 : memref<128x128xf32, #tpu.memory_space<vmem_shared>>) target_semaphore(%run_scoped3A : memref<!tpu.dma_semaphore, #tpu.memory_space<semaphore_mem>>)
      %dma_wait3A = arith.constant 0 : i32
      %dma_wait3A_84 = tpu.memref_slice %arg9[%add3A_20, %dma_wait3A] : memref<10240x128xf32, #tpu.memory_space<vmem_shared>> -> memref<128x128xf32, #tpu.memory_space<vmem_shared>>
      %dma_wait3A_85 = arith.constant 0 : i32
      %dma_wait3A_86 = tpu.memref_slice %arg9[%add3A_20, %dma_wait3A_85] : memref<10240x128xf32, #tpu.memory_space<vmem_shared>> -> memref<128x128xf32, #tpu.memory_space<vmem_shared>>
      tpu.wait_dma2 semaphore(%run_scoped3A : memref<!tpu.dma_semaphore, #tpu.memory_space<semaphore_mem>>) src(%arg7 : memref<128x128xf32, #tpu.memory_space<vmem>>) dst(%dma_wait3A_86 : memref<128x128xf32, #tpu.memory_space<vmem_shared>>)
      tpu.yield
    }) : () -> ()
    %mul3A_21 = arith.constant 640 : i32
    %mul3A_22 = arith.muli %arg1, %mul3A_21 : i32
    %add3A_23 = arith.constant 512 : i32
    %add3A_24 = arith.addi %mul3A_22, %add3A_23 : i32
    "tpu.region"() ({
      %run_scoped3A = tpu.sem_alloc : memref<!tpu.dma_semaphore, #tpu.memory_space<semaphore_mem>>
      %dma_start3A_80 = arith.constant 0 : i32
      %dma_start3A_81 = tpu.memref_slice %arg9[%add3A_24, %dma_start3A_80] : memref<10240x128xf32, #tpu.memory_space<vmem_shared>> -> memref<128x128xf32, #tpu.memory_space<vmem_shared>>
      %dma_start3A_82 = arith.constant 0 : i32
      %dma_start3A_83 = tpu.memref_slice %arg9[%add3A_24, %dma_start3A_82] : memref<10240x128xf32, #tpu.memory_space<vmem_shared>> -> memref<128x128xf32, #tpu.memory_space<vmem_shared>>
      tpu.enqueue_dma source(%arg7 : memref<128x128xf32, #tpu.memory_space<vmem>>) target(%dma_start3A_83 : memref<128x128xf32, #tpu.memory_space<vmem_shared>>) target_semaphore(%run_scoped3A : memref<!tpu.dma_semaphore, #tpu.memory_space<semaphore_mem>>)
      %dma_wait3A = arith.constant 0 : i32
      %dma_wait3A_84 = tpu.memref_slice %arg9[%add3A_24, %dma_wait3A] : memref<10240x128xf32, #tpu.memory_space<vmem_shared>> -> memref<128x128xf32, #tpu.memory_space<vmem_shared>>
      %dma_wait3A_85 = arith.constant 0 : i32
      %dma_wait3A_86 = tpu.memref_slice %arg9[%add3A_24, %dma_wait3A_85] : memref<10240x128xf32, #tpu.memory_space<vmem_shared>> -> memref<128x128xf32, #tpu.memory_space<vmem_shared>>
      tpu.wait_dma2 semaphore(%run_scoped3A : memref<!tpu.dma_semaphore, #tpu.memory_space<semaphore_mem>>) src(%arg7 : memref<128x128xf32, #tpu.memory_space<vmem>>) dst(%dma_wait3A_86 : memref<128x128xf32, #tpu.memory_space<vmem_shared>>)
      tpu.yield
    }) : () -> ()
    %barrier3A = arith.constant 0 : index
    tpu.barrier barrier_id(%barrier3A)
    %add3A_25 = arith.constant 0 : i32
    %add3A_26 = arith.addi %add3A_4, %add3A_25 : i32
    %mul3A_27 = arith.constant 128 : i32
    %mul3A_28 = arith.muli %add3A_26, %mul3A_27 : i32
    %dma_start3A = arith.constant 0 : i32
    %dma_start3A_29 = tpu.memref_slice %arg3[%mul3A_28, %dma_start3A] : memref<320000x128xf32, #tpu.memory_space<hbm>> -> memref<128x128xf32, #tpu.memory_space<hbm>>
    %dma_start3A_30 = arith.constant 0 : i32
    %dma_start3A_31 = tpu.memref_slice %arg3[%mul3A_28, %dma_start3A_30] : memref<320000x128xf32, #tpu.memory_space<hbm>> -> memref<128x128xf32, #tpu.memory_space<hbm>>
    tpu.enqueue_dma source(%dma_start3A_31 : memref<128x128xf32, #tpu.memory_space<hbm>>) target(%arg7 : memref<128x128xf32, #tpu.memory_space<vmem>>) target_semaphore(%arg10 : memref<!tpu.dma_semaphore, #tpu.memory_space<semaphore_mem>>)
    %scan3A = arith.constant 0 : i32
    %scan3A_32 = arith.constant 0 : i32
    %scan3A_33 = arith.constant 39 : i32
    %scan3A_34 = arith.addi %scan3A_32, %scan3A_33 : i32
    %scan3A_35 = arith.constant 1 : i32
    scf.for %scan3A_80 = %scan3A_32 to %scan3A_34 step %scan3A_35  : i32 {
      %mul3A_81 = arith.constant 2 : i32
      %mul3A_82 = arith.muli %mul3A_81, %scan3A_80 : i32
      %add3A_83 = arith.constant 1 : i32
      %add3A_84 = arith.addi %mul3A_82, %add3A_83 : i32
      %add3A_85 = arith.addi %add3A_4, %add3A_84 : i32
      %mul3A_86 = arith.constant 128 : i32
      %mul3A_87 = arith.muli %add3A_85, %mul3A_86 : i32
      %dma_start3A_88 = arith.constant 0 : i32
      %dma_start3A_89 = tpu.memref_slice %arg3[%mul3A_87, %dma_start3A_88] : memref<320000x128xf32, #tpu.memory_space<hbm>> -> memref<128x128xf32, #tpu.memory_space<hbm>>
      %dma_start3A_90 = arith.constant 0 : i32
      %dma_start3A_91 = tpu.memref_slice %arg3[%mul3A_87, %dma_start3A_90] : memref<320000x128xf32, #tpu.memory_space<hbm>> -> memref<128x128xf32, #tpu.memory_space<hbm>>
      tpu.enqueue_dma source(%dma_start3A_91 : memref<128x128xf32, #tpu.memory_space<hbm>>) target(%arg8 : memref<128x128xf32, #tpu.memory_space<vmem>>) target_semaphore(%arg11 : memref<!tpu.dma_semaphore, #tpu.memory_space<semaphore_mem>>)
      %dma_wait3A = arith.constant 0 : i32
      %dma_wait3A_92 = arith.constant 0 : i32
      %dma_wait3A_93 = tpu.memref_slice %arg3[%dma_wait3A, %dma_wait3A_92] : memref<320000x128xf32, #tpu.memory_space<hbm>> -> memref<128x128xf32, #tpu.memory_space<hbm>>
      %dma_wait3A_94 = arith.constant 0 : i32
      %dma_wait3A_95 = arith.constant 0 : i32
      %dma_wait3A_96 = tpu.memref_slice %arg3[%dma_wait3A_94, %dma_wait3A_95] : memref<320000x128xf32, #tpu.memory_space<hbm>> -> memref<128x128xf32, #tpu.memory_space<hbm>>
      tpu.wait_dma2 semaphore(%arg10 : memref<!tpu.dma_semaphore, #tpu.memory_space<semaphore_mem>>) src(%dma_wait3A_96 : memref<128x128xf32, #tpu.memory_space<hbm>>) dst(%arg7 : memref<128x128xf32, #tpu.memory_space<vmem>>)
      "tpu.region"() ({
        %run_scoped3A = tpu.sem_alloc : memref<!tpu.dma_semaphore, #tpu.memory_space<semaphore_mem>>
        %dma_start3A_109 = arith.constant 0 : i32
        %dma_start3A_110 = tpu.memref_slice %arg6[%mul3A_82, %dma_start3A_109] : memref<80x128xi32, #tpu.memory_space<vmem>> -> memref<1x128xi32, #tpu.memory_space<vmem>>
        %dma_start3A_111 = tpu.memref_squeeze %dma_start3A_110 : memref<1x128xi32, #tpu.memory_space<vmem>> -> memref<128xi32, #tpu.memory_space<vmem>>
        %dma_start3A_112 = arith.constant 0 : i32
        %dma_start3A_113 = arith.constant 0 : i32
        %dma_start3A_114 = tpu.memref_slice %arg9[%dma_start3A_112, %dma_start3A_113] : memref<10240x128xf32, #tpu.memory_space<vmem_shared>> -> memref<10240x128xf32, #tpu.memory_space<vmem_shared>>
        tpu.enqueue_indirect_dma source(%arg7 : memref<128x128xf32, #tpu.memory_space<vmem>>) target(%dma_start3A_114 : memref<10240x128xf32, #tpu.memory_space<vmem_shared>>) offsets(%dma_start3A_111 : memref<128xi32, #tpu.memory_space<vmem>>) semaphore(%run_scoped3A : memref<!tpu.dma_semaphore, #tpu.memory_space<semaphore_mem>>) {add = true}
        %dma_wait3A_115 = arith.constant 0 : i32
        %dma_wait3A_116 = tpu.memref_slice %arg6[%mul3A_82, %dma_wait3A_115] : memref<80x128xi32, #tpu.memory_space<vmem>> -> memref<1x128xi32, #tpu.memory_space<vmem>>
        %dma_wait3A_117 = tpu.memref_squeeze %dma_wait3A_116 : memref<1x128xi32, #tpu.memory_space<vmem>> -> memref<128xi32, #tpu.memory_space<vmem>>
        %dma_wait3A_118 = arith.constant 0 : i32
        %dma_wait3A_119 = arith.constant 0 : i32
        %dma_wait3A_120 = tpu.memref_slice %arg9[%dma_wait3A_118, %dma_wait3A_119] : memref<10240x128xf32, #tpu.memory_space<vmem_shared>> -> memref<10240x128xf32, #tpu.memory_space<vmem_shared>>
        tpu.wait_indirect_dma semaphore(%run_scoped3A : memref<!tpu.dma_semaphore, #tpu.memory_space<semaphore_mem>>) src(%arg7 : memref<128x128xf32, #tpu.memory_space<vmem>>) dst(%dma_wait3A_120 : memref<10240x128xf32, #tpu.memory_space<vmem_shared>>)
        tpu.yield
      }) : () -> ()
      %le3A = arith.constant 37 : i32
      %le3A_97 = arith.cmpi sle, %scan3A_80, %le3A : i32
      %convert_element_type3A_98 = arith.extui %le3A_97 : i1 to i32
      %cond3A_99 = arith.constant 0 : i32
      %cond3A_100 = arith.cmpi ne, %convert_element_type3A_98, %cond3A_99 : i32
      scf.if %cond3A_100 {
        %add3A_109 = arith.constant 2 : i32
        %add3A_110 = arith.addi %mul3A_82, %add3A_109 : i32
        %add3A_111 = arith.addi %add3A_4, %add3A_110 : i32
        %mul3A_112 = arith.constant 128 : i32
        %mul3A_113 = arith.muli %add3A_111, %mul3A_112 : i32
        %dma_start3A_114 = arith.constant 0 : i32
        %dma_start3A_115 = tpu.memref_slice %arg3[%mul3A_113, %dma_start3A_114] : memref<320000x128xf32, #tpu.memory_space<hbm>> -> memref<128x128xf32, #tpu.memory_space<hbm>>
        %dma_start3A_116 = arith.constant 0 : i32
        %dma_start3A_117 = tpu.memref_slice %arg3[%mul3A_113, %dma_start3A_116] : memref<320000x128xf32, #tpu.memory_space<hbm>> -> memref<128x128xf32, #tpu.memory_space<hbm>>
        tpu.enqueue_dma source(%dma_start3A_117 : memref<128x128xf32, #tpu.memory_space<hbm>>) target(%arg7 : memref<128x128xf32, #tpu.memory_space<vmem>>) target_semaphore(%arg10 : memref<!tpu.dma_semaphore, #tpu.memory_space<semaphore_mem>>)
      } else {
      }
      %dma_wait3A_101 = arith.constant 0 : i32
      %dma_wait3A_102 = arith.constant 0 : i32
      %dma_wait3A_103 = tpu.memref_slice %arg3[%dma_wait3A_101, %dma_wait3A_102] : memref<320000x128xf32, #tpu.memory_space<hbm>> -> memref<128x128xf32, #tpu.memory_space<hbm>>
      %dma_wait3A_104 = arith.constant 0 : i32
      %dma_wait3A_105 = arith.constant 0 : i32
      %dma_wait3A_106 = tpu.memref_slice %arg3[%dma_wait3A_104, %dma_wait3A_105] : memref<320000x128xf32, #tpu.memory_space<hbm>> -> memref<128x128xf32, #tpu.memory_space<hbm>>
      tpu.wait_dma2 semaphore(%arg11 : memref<!tpu.dma_semaphore, #tpu.memory_space<semaphore_mem>>) src(%dma_wait3A_106 : memref<128x128xf32, #tpu.memory_space<hbm>>) dst(%arg8 : memref<128x128xf32, #tpu.memory_space<vmem>>)
      %add3A_107 = arith.constant 1 : i32
      %add3A_108 = arith.addi %mul3A_82, %add3A_107 : i32
      "tpu.region"() ({
        %run_scoped3A = tpu.sem_alloc : memref<!tpu.dma_semaphore, #tpu.memory_space<semaphore_mem>>
        %dma_start3A_109 = arith.constant 0 : i32
        %dma_start3A_110 = tpu.memref_slice %arg6[%add3A_108, %dma_start3A_109] : memref<80x128xi32, #tpu.memory_space<vmem>> -> memref<1x128xi32, #tpu.memory_space<vmem>>
        %dma_start3A_111 = tpu.memref_squeeze %dma_start3A_110 : memref<1x128xi32, #tpu.memory_space<vmem>> -> memref<128xi32, #tpu.memory_space<vmem>>
        %dma_start3A_112 = arith.constant 0 : i32
        %dma_start3A_113 = arith.constant 0 : i32
        %dma_start3A_114 = tpu.memref_slice %arg9[%dma_start3A_112, %dma_start3A_113] : memref<10240x128xf32, #tpu.memory_space<vmem_shared>> -> memref<10240x128xf32, #tpu.memory_space<vmem_shared>>
        tpu.enqueue_indirect_dma source(%arg8 : memref<128x128xf32, #tpu.memory_space<vmem>>) target(%dma_start3A_114 : memref<10240x128xf32, #tpu.memory_space<vmem_shared>>) offsets(%dma_start3A_111 : memref<128xi32, #tpu.memory_space<vmem>>) semaphore(%run_scoped3A : memref<!tpu.dma_semaphore, #tpu.memory_space<semaphore_mem>>) {add = true}
        %dma_wait3A_115 = arith.constant 0 : i32
        %dma_wait3A_116 = tpu.memref_slice %arg6[%add3A_108, %dma_wait3A_115] : memref<80x128xi32, #tpu.memory_space<vmem>> -> memref<1x128xi32, #tpu.memory_space<vmem>>
        %dma_wait3A_117 = tpu.memref_squeeze %dma_wait3A_116 : memref<1x128xi32, #tpu.memory_space<vmem>> -> memref<128xi32, #tpu.memory_space<vmem>>
        %dma_wait3A_118 = arith.constant 0 : i32
        %dma_wait3A_119 = arith.constant 0 : i32
        %dma_wait3A_120 = tpu.memref_slice %arg9[%dma_wait3A_118, %dma_wait3A_119] : memref<10240x128xf32, #tpu.memory_space<vmem_shared>> -> memref<10240x128xf32, #tpu.memory_space<vmem_shared>>
        tpu.wait_indirect_dma semaphore(%run_scoped3A : memref<!tpu.dma_semaphore, #tpu.memory_space<semaphore_mem>>) src(%arg8 : memref<128x128xf32, #tpu.memory_space<vmem>>) dst(%dma_wait3A_120 : memref<10240x128xf32, #tpu.memory_space<vmem_shared>>)
        tpu.yield
      }) : () -> ()
    }
    %scan3A_36 = arith.constant 39 : i32
    %lt3A = arith.constant 4 : i32
    %lt3A_37 = arith.cmpi slt, %add3A, %lt3A : i32
    %convert_element_type3A = arith.extui %lt3A_37 : i1 to i32
    %cond3A = arith.constant 0 : i32
    %cond3A_38 = arith.cmpi ne, %convert_element_type3A, %cond3A : i32
    scf.if %cond3A_38 {
      %add3A_80 = arith.constant 78 : i32
      %add3A_81 = arith.addi %add3A_4, %add3A_80 : i32
      %mul3A_82 = arith.constant 128 : i32
      %mul3A_83 = arith.muli %add3A_81, %mul3A_82 : i32
      "tpu.region"() ({
        %run_scoped3A_84 = tpu.sem_alloc : memref<!tpu.dma_semaphore, #tpu.memory_space<semaphore_mem>>
        %dma_start3A_85 = arith.constant 0 : i32
        %dma_start3A_86 = tpu.memref_slice %arg3[%mul3A_83, %dma_start3A_85] : memref<320000x128xf32, #tpu.memory_space<hbm>> -> memref<128x128xf32, #tpu.memory_space<hbm>>
        %dma_start3A_87 = arith.constant 0 : i32
        %dma_start3A_88 = tpu.memref_slice %arg3[%mul3A_83, %dma_start3A_87] : memref<320000x128xf32, #tpu.memory_space<hbm>> -> memref<128x128xf32, #tpu.memory_space<hbm>>
        tpu.enqueue_dma source(%dma_start3A_88 : memref<128x128xf32, #tpu.memory_space<hbm>>) target(%arg7 : memref<128x128xf32, #tpu.memory_space<vmem>>) target_semaphore(%run_scoped3A_84 : memref<!tpu.dma_semaphore, #tpu.memory_space<semaphore_mem>>)
        %dma_wait3A = arith.constant 0 : i32
        %dma_wait3A_89 = tpu.memref_slice %arg3[%mul3A_83, %dma_wait3A] : memref<320000x128xf32, #tpu.memory_space<hbm>> -> memref<128x128xf32, #tpu.memory_space<hbm>>
        %dma_wait3A_90 = arith.constant 0 : i32
        %dma_wait3A_91 = tpu.memref_slice %arg3[%mul3A_83, %dma_wait3A_90] : memref<320000x128xf32, #tpu.memory_space<hbm>> -> memref<128x128xf32, #tpu.memory_space<hbm>>
        tpu.wait_dma2 semaphore(%run_scoped3A_84 : memref<!tpu.dma_semaphore, #tpu.memory_space<semaphore_mem>>) src(%dma_wait3A_91 : memref<128x128xf32, #tpu.memory_space<hbm>>) dst(%arg7 : memref<128x128xf32, #tpu.memory_space<vmem>>)
        tpu.yield
      }) : () -> ()
      %run_scoped3A = arith.constant 78 : i32
      "tpu.region"() ({
        %run_scoped3A_84 = tpu.sem_alloc : memref<!tpu.dma_semaphore, #tpu.memory_space<semaphore_mem>>
        %dma_start3A_85 = arith.constant 0 : i32
        %dma_start3A_86 = tpu.memref_slice %arg6[%run_scoped3A, %dma_start3A_85] : memref<80x128xi32, #tpu.memory_space<vmem>> -> memref<1x128xi32, #tpu.memory_space<vmem>>
        %dma_start3A_87 = tpu.memref_squeeze %dma_start3A_86 : memref<1x128xi32, #tpu.memory_space<vmem>> -> memref<128xi32, #tpu.memory_space<vmem>>
        %dma_start3A_88 = arith.constant 0 : i32
        %dma_start3A_89 = arith.constant 0 : i32
        %dma_start3A_90 = tpu.memref_slice %arg9[%dma_start3A_88, %dma_start3A_89] : memref<10240x128xf32, #tpu.memory_space<vmem_shared>> -> memref<10240x128xf32, #tpu.memory_space<vmem_shared>>
        tpu.enqueue_indirect_dma source(%arg7 : memref<128x128xf32, #tpu.memory_space<vmem>>) target(%dma_start3A_90 : memref<10240x128xf32, #tpu.memory_space<vmem_shared>>) offsets(%dma_start3A_87 : memref<128xi32, #tpu.memory_space<vmem>>) semaphore(%run_scoped3A_84 : memref<!tpu.dma_semaphore, #tpu.memory_space<semaphore_mem>>) {add = true}
        %dma_wait3A = arith.constant 0 : i32
        %dma_wait3A_91 = tpu.memref_slice %arg6[%run_scoped3A, %dma_wait3A] : memref<80x128xi32, #tpu.memory_space<vmem>> -> memref<1x128xi32, #tpu.memory_space<vmem>>
        %dma_wait3A_92 = tpu.memref_squeeze %dma_wait3A_91 : memref<1x128xi32, #tpu.memory_space<vmem>> -> memref<128xi32, #tpu.memory_space<vmem>>
        %dma_wait3A_93 = arith.constant 0 : i32
        %dma_wait3A_94 = arith.constant 0 : i32
        %dma_wait3A_95 = tpu.memref_slice %arg9[%dma_wait3A_93, %dma_wait3A_94] : memref<10240x128xf32, #tpu.memory_space<vmem_shared>> -> memref<10240x128xf32, #tpu.memory_space<vmem_shared>>
        tpu.wait_indirect_dma semaphore(%run_scoped3A_84 : memref<!tpu.dma_semaphore, #tpu.memory_space<semaphore_mem>>) src(%arg7 : memref<128x128xf32, #tpu.memory_space<vmem>>) dst(%dma_wait3A_95 : memref<10240x128xf32, #tpu.memory_space<vmem_shared>>)
        tpu.yield
      }) : () -> ()
    } else {
    }
    %barrier3A_39 = arith.constant 0 : index
    tpu.barrier barrier_id(%barrier3A_39)
    %mul3A_40 = arith.constant 640 : i32
    %mul3A_41 = arith.muli %arg1, %mul3A_40 : i32
    %add3A_42 = arith.constant 0 : i32
    %add3A_43 = arith.addi %mul3A_41, %add3A_42 : i32
    "tpu.region"() ({
      %run_scoped3A = tpu.sem_alloc : memref<!tpu.dma_semaphore, #tpu.memory_space<semaphore_mem>>
      %dma_start3A_80 = arith.constant 0 : i32
      %dma_start3A_81 = tpu.memref_slice %arg9[%add3A_43, %dma_start3A_80] : memref<10240x128xf32, #tpu.memory_space<vmem_shared>> -> memref<128x128xf32, #tpu.memory_space<vmem_shared>>
      %dma_start3A_82 = arith.constant 0 : i32
      %dma_start3A_83 = tpu.memref_slice %arg9[%add3A_43, %dma_start3A_82] : memref<10240x128xf32, #tpu.memory_space<vmem_shared>> -> memref<128x128xf32, #tpu.memory_space<vmem_shared>>
      tpu.enqueue_dma source(%dma_start3A_83 : memref<128x128xf32, #tpu.memory_space<vmem_shared>>) target(%arg7 : memref<128x128xf32, #tpu.memory_space<vmem>>) target_semaphore(%run_scoped3A : memref<!tpu.dma_semaphore, #tpu.memory_space<semaphore_mem>>)
      %dma_wait3A = arith.constant 0 : i32
      %dma_wait3A_84 = tpu.memref_slice %arg9[%add3A_43, %dma_wait3A] : memref<10240x128xf32, #tpu.memory_space<vmem_shared>> -> memref<128x128xf32, #tpu.memory_space<vmem_shared>>
      %dma_wait3A_85 = arith.constant 0 : i32
      %dma_wait3A_86 = tpu.memref_slice %arg9[%add3A_43, %dma_wait3A_85] : memref<10240x128xf32, #tpu.memory_space<vmem_shared>> -> memref<128x128xf32, #tpu.memory_space<vmem_shared>>
      tpu.wait_dma2 semaphore(%run_scoped3A : memref<!tpu.dma_semaphore, #tpu.memory_space<semaphore_mem>>) src(%dma_wait3A_86 : memref<128x128xf32, #tpu.memory_space<vmem_shared>>) dst(%arg7 : memref<128x128xf32, #tpu.memory_space<vmem>>)
      tpu.yield
    }) : () -> ()
    %mul3A_44 = arith.constant 640 : i32
    %mul3A_45 = arith.muli %arg1, %mul3A_44 : i32
    %add3A_46 = arith.constant 0 : i32
    %add3A_47 = arith.addi %mul3A_45, %add3A_46 : i32
    "tpu.region"() ({
      %run_scoped3A = tpu.sem_alloc : memref<!tpu.dma_semaphore, #tpu.memory_space<semaphore_mem>>
      %dma_start3A_80 = arith.constant 0 : i32
      %dma_start3A_81 = tpu.memref_slice %arg5[%arg0, %add3A_47, %dma_start3A_80] : memref<2x10240x128xf32, #tpu.memory_space<hbm>> -> memref<1x128x128xf32, #tpu.memory_space<hbm>>
      %dma_start3A_82 = tpu.memref_squeeze %dma_start3A_81 : memref<1x128x128xf32, #tpu.memory_space<hbm>> -> memref<128x128xf32, #tpu.memory_space<hbm>>
      %dma_start3A_83 = arith.constant 0 : i32
      %dma_start3A_84 = tpu.memref_slice %arg5[%arg0, %add3A_47, %dma_start3A_83] : memref<2x10240x128xf32, #tpu.memory_space<hbm>> -> memref<1x128x128xf32, #tpu.memory_space<hbm>>
      %dma_start3A_85 = tpu.memref_squeeze %dma_start3A_84 : memref<1x128x128xf32, #tpu.memory_space<hbm>> -> memref<128x128xf32, #tpu.memory_space<hbm>>
      tpu.enqueue_dma source(%arg7 : memref<128x128xf32, #tpu.memory_space<vmem>>) target(%dma_start3A_85 : memref<128x128xf32, #tpu.memory_space<hbm>>) target_semaphore(%run_scoped3A : memref<!tpu.dma_semaphore, #tpu.memory_space<semaphore_mem>>)
      %dma_wait3A = arith.constant 0 : i32
      %dma_wait3A_86 = tpu.memref_slice %arg5[%arg0, %add3A_47, %dma_wait3A] : memref<2x10240x128xf32, #tpu.memory_space<hbm>> -> memref<1x128x128xf32, #tpu.memory_space<hbm>>
      %dma_wait3A_87 = tpu.memref_squeeze %dma_wait3A_86 : memref<1x128x128xf32, #tpu.memory_space<hbm>> -> memref<128x128xf32, #tpu.memory_space<hbm>>
      %dma_wait3A_88 = arith.constant 0 : i32
      %dma_wait3A_89 = tpu.memref_slice %arg5[%arg0, %add3A_47, %dma_wait3A_88] : memref<2x10240x128xf32, #tpu.memory_space<hbm>> -> memref<1x128x128xf32, #tpu.memory_space<hbm>>
      %dma_wait3A_90 = tpu.memref_squeeze %dma_wait3A_89 : memref<1x128x128xf32, #tpu.memory_space<hbm>> -> memref<128x128xf32, #tpu.memory_space<hbm>>
      tpu.wait_dma2 semaphore(%run_scoped3A : memref<!tpu.dma_semaphore, #tpu.memory_space<semaphore_mem>>) src(%arg7 : memref<128x128xf32, #tpu.memory_space<vmem>>) dst(%dma_wait3A_90 : memref<128x128xf32, #tpu.memory_space<hbm>>)
      tpu.yield
    }) : () -> ()
    %mul3A_48 = arith.constant 640 : i32
    %mul3A_49 = arith.muli %arg1, %mul3A_48 : i32
    %add3A_50 = arith.constant 128 : i32
    %add3A_51 = arith.addi %mul3A_49, %add3A_50 : i32
    "tpu.region"() ({
      %run_scoped3A = tpu.sem_alloc : memref<!tpu.dma_semaphore, #tpu.memory_space<semaphore_mem>>
      %dma_start3A_80 = arith.constant 0 : i32
      %dma_start3A_81 = tpu.memref_slice %arg9[%add3A_51, %dma_start3A_80] : memref<10240x128xf32, #tpu.memory_space<vmem_shared>> -> memref<128x128xf32, #tpu.memory_space<vmem_shared>>
      %dma_start3A_82 = arith.constant 0 : i32
      %dma_start3A_83 = tpu.memref_slice %arg9[%add3A_51, %dma_start3A_82] : memref<10240x128xf32, #tpu.memory_space<vmem_shared>> -> memref<128x128xf32, #tpu.memory_space<vmem_shared>>
      tpu.enqueue_dma source(%dma_start3A_83 : memref<128x128xf32, #tpu.memory_space<vmem_shared>>) target(%arg7 : memref<128x128xf32, #tpu.memory_space<vmem>>) target_semaphore(%run_scoped3A : memref<!tpu.dma_semaphore, #tpu.memory_space<semaphore_mem>>)
      %dma_wait3A = arith.constant 0 : i32
      %dma_wait3A_84 = tpu.memref_slice %arg9[%add3A_51, %dma_wait3A] : memref<10240x128xf32, #tpu.memory_space<vmem_shared>> -> memref<128x128xf32, #tpu.memory_space<vmem_shared>>
      %dma_wait3A_85 = arith.constant 0 : i32
      %dma_wait3A_86 = tpu.memref_slice %arg9[%add3A_51, %dma_wait3A_85] : memref<10240x128xf32, #tpu.memory_space<vmem_shared>> -> memref<128x128xf32, #tpu.memory_space<vmem_shared>>
      tpu.wait_dma2 semaphore(%run_scoped3A : memref<!tpu.dma_semaphore, #tpu.memory_space<semaphore_mem>>) src(%dma_wait3A_86 : memref<128x128xf32, #tpu.memory_space<vmem_shared>>) dst(%arg7 : memref<128x128xf32, #tpu.memory_space<vmem>>)
      tpu.yield
    }) : () -> ()
    %mul3A_52 = arith.constant 640 : i32
    %mul3A_53 = arith.muli %arg1, %mul3A_52 : i32
    %add3A_54 = arith.constant 128 : i32
    %add3A_55 = arith.addi %mul3A_53, %add3A_54 : i32
    "tpu.region"() ({
      %run_scoped3A = tpu.sem_alloc : memref<!tpu.dma_semaphore, #tpu.memory_space<semaphore_mem>>
      %dma_start3A_80 = arith.constant 0 : i32
      %dma_start3A_81 = tpu.memref_slice %arg5[%arg0, %add3A_55, %dma_start3A_80] : memref<2x10240x128xf32, #tpu.memory_space<hbm>> -> memref<1x128x128xf32, #tpu.memory_space<hbm>>
      %dma_start3A_82 = tpu.memref_squeeze %dma_start3A_81 : memref<1x128x128xf32, #tpu.memory_space<hbm>> -> memref<128x128xf32, #tpu.memory_space<hbm>>
      %dma_start3A_83 = arith.constant 0 : i32
      %dma_start3A_84 = tpu.memref_slice %arg5[%arg0, %add3A_55, %dma_start3A_83] : memref<2x10240x128xf32, #tpu.memory_space<hbm>> -> memref<1x128x128xf32, #tpu.memory_space<hbm>>
      %dma_start3A_85 = tpu.memref_squeeze %dma_start3A_84 : memref<1x128x128xf32, #tpu.memory_space<hbm>> -> memref<128x128xf32, #tpu.memory_space<hbm>>
      tpu.enqueue_dma source(%arg7 : memref<128x128xf32, #tpu.memory_space<vmem>>) target(%dma_start3A_85 : memref<128x128xf32, #tpu.memory_space<hbm>>) target_semaphore(%run_scoped3A : memref<!tpu.dma_semaphore, #tpu.memory_space<semaphore_mem>>)
      %dma_wait3A = arith.constant 0 : i32
      %dma_wait3A_86 = tpu.memref_slice %arg5[%arg0, %add3A_55, %dma_wait3A] : memref<2x10240x128xf32, #tpu.memory_space<hbm>> -> memref<1x128x128xf32, #tpu.memory_space<hbm>>
      %dma_wait3A_87 = tpu.memref_squeeze %dma_wait3A_86 : memref<1x128x128xf32, #tpu.memory_space<hbm>> -> memref<128x128xf32, #tpu.memory_space<hbm>>
      %dma_wait3A_88 = arith.constant 0 : i32
      %dma_wait3A_89 = tpu.memref_slice %arg5[%arg0, %add3A_55, %dma_wait3A_88] : memref<2x10240x128xf32, #tpu.memory_space<hbm>> -> memref<1x128x128xf32, #tpu.memory_space<hbm>>
      %dma_wait3A_90 = tpu.memref_squeeze %dma_wait3A_89 : memref<1x128x128xf32, #tpu.memory_space<hbm>> -> memref<128x128xf32, #tpu.memory_space<hbm>>
      tpu.wait_dma2 semaphore(%run_scoped3A : memref<!tpu.dma_semaphore, #tpu.memory_space<semaphore_mem>>) src(%arg7 : memref<128x128xf32, #tpu.memory_space<vmem>>) dst(%dma_wait3A_90 : memref<128x128xf32, #tpu.memory_space<hbm>>)
      tpu.yield
    }) : () -> ()
    %mul3A_56 = arith.constant 640 : i32
    %mul3A_57 = arith.muli %arg1, %mul3A_56 : i32
    %add3A_58 = arith.constant 256 : i32
    %add3A_59 = arith.addi %mul3A_57, %add3A_58 : i32
    "tpu.region"() ({
      %run_scoped3A = tpu.sem_alloc : memref<!tpu.dma_semaphore, #tpu.memory_space<semaphore_mem>>
      %dma_start3A_80 = arith.constant 0 : i32
      %dma_start3A_81 = tpu.memref_slice %arg9[%add3A_59, %dma_start3A_80] : memref<10240x128xf32, #tpu.memory_space<vmem_shared>> -> memref<128x128xf32, #tpu.memory_space<vmem_shared>>
      %dma_start3A_82 = arith.constant 0 : i32
      %dma_start3A_83 = tpu.memref_slice %arg9[%add3A_59, %dma_start3A_82] : memref<10240x128xf32, #tpu.memory_space<vmem_shared>> -> memref<128x128xf32, #tpu.memory_space<vmem_shared>>
      tpu.enqueue_dma source(%dma_start3A_83 : memref<128x128xf32, #tpu.memory_space<vmem_shared>>) target(%arg7 : memref<128x128xf32, #tpu.memory_space<vmem>>) target_semaphore(%run_scoped3A : memref<!tpu.dma_semaphore, #tpu.memory_space<semaphore_mem>>)
      %dma_wait3A = arith.constant 0 : i32
      %dma_wait3A_84 = tpu.memref_slice %arg9[%add3A_59, %dma_wait3A] : memref<10240x128xf32, #tpu.memory_space<vmem_shared>> -> memref<128x128xf32, #tpu.memory_space<vmem_shared>>
      %dma_wait3A_85 = arith.constant 0 : i32
      %dma_wait3A_86 = tpu.memref_slice %arg9[%add3A_59, %dma_wait3A_85] : memref<10240x128xf32, #tpu.memory_space<vmem_shared>> -> memref<128x128xf32, #tpu.memory_space<vmem_shared>>
      tpu.wait_dma2 semaphore(%run_scoped3A : memref<!tpu.dma_semaphore, #tpu.memory_space<semaphore_mem>>) src(%dma_wait3A_86 : memref<128x128xf32, #tpu.memory_space<vmem_shared>>) dst(%arg7 : memref<128x128xf32, #tpu.memory_space<vmem>>)
      tpu.yield
    }) : () -> ()
    %mul3A_60 = arith.constant 640 : i32
    %mul3A_61 = arith.muli %arg1, %mul3A_60 : i32
    %add3A_62 = arith.constant 256 : i32
    %add3A_63 = arith.addi %mul3A_61, %add3A_62 : i32
    "tpu.region"() ({
      %run_scoped3A = tpu.sem_alloc : memref<!tpu.dma_semaphore, #tpu.memory_space<semaphore_mem>>
      %dma_start3A_80 = arith.constant 0 : i32
      %dma_start3A_81 = tpu.memref_slice %arg5[%arg0, %add3A_63, %dma_start3A_80] : memref<2x10240x128xf32, #tpu.memory_space<hbm>> -> memref<1x128x128xf32, #tpu.memory_space<hbm>>
      %dma_start3A_82 = tpu.memref_squeeze %dma_start3A_81 : memref<1x128x128xf32, #tpu.memory_space<hbm>> -> memref<128x128xf32, #tpu.memory_space<hbm>>
      %dma_start3A_83 = arith.constant 0 : i32
      %dma_start3A_84 = tpu.memref_slice %arg5[%arg0, %add3A_63, %dma_start3A_83] : memref<2x10240x128xf32, #tpu.memory_space<hbm>> -> memref<1x128x128xf32, #tpu.memory_space<hbm>>
      %dma_start3A_85 = tpu.memref_squeeze %dma_start3A_84 : memref<1x128x128xf32, #tpu.memory_space<hbm>> -> memref<128x128xf32, #tpu.memory_space<hbm>>
      tpu.enqueue_dma source(%arg7 : memref<128x128xf32, #tpu.memory_space<vmem>>) target(%dma_start3A_85 : memref<128x128xf32, #tpu.memory_space<hbm>>) target_semaphore(%run_scoped3A : memref<!tpu.dma_semaphore, #tpu.memory_space<semaphore_mem>>)
      %dma_wait3A = arith.constant 0 : i32
      %dma_wait3A_86 = tpu.memref_slice %arg5[%arg0, %add3A_63, %dma_wait3A] : memref<2x10240x128xf32, #tpu.memory_space<hbm>> -> memref<1x128x128xf32, #tpu.memory_space<hbm>>
      %dma_wait3A_87 = tpu.memref_squeeze %dma_wait3A_86 : memref<1x128x128xf32, #tpu.memory_space<hbm>> -> memref<128x128xf32, #tpu.memory_space<hbm>>
      %dma_wait3A_88 = arith.constant 0 : i32
      %dma_wait3A_89 = tpu.memref_slice %arg5[%arg0, %add3A_63, %dma_wait3A_88] : memref<2x10240x128xf32, #tpu.memory_space<hbm>> -> memref<1x128x128xf32, #tpu.memory_space<hbm>>
      %dma_wait3A_90 = tpu.memref_squeeze %dma_wait3A_89 : memref<1x128x128xf32, #tpu.memory_space<hbm>> -> memref<128x128xf32, #tpu.memory_space<hbm>>
      tpu.wait_dma2 semaphore(%run_scoped3A : memref<!tpu.dma_semaphore, #tpu.memory_space<semaphore_mem>>) src(%arg7 : memref<128x128xf32, #tpu.memory_space<vmem>>) dst(%dma_wait3A_90 : memref<128x128xf32, #tpu.memory_space<hbm>>)
      tpu.yield
    }) : () -> ()
    %mul3A_64 = arith.constant 640 : i32
    %mul3A_65 = arith.muli %arg1, %mul3A_64 : i32
    %add3A_66 = arith.constant 384 : i32
    %add3A_67 = arith.addi %mul3A_65, %add3A_66 : i32
    "tpu.region"() ({
      %run_scoped3A = tpu.sem_alloc : memref<!tpu.dma_semaphore, #tpu.memory_space<semaphore_mem>>
      %dma_start3A_80 = arith.constant 0 : i32
      %dma_start3A_81 = tpu.memref_slice %arg9[%add3A_67, %dma_start3A_80] : memref<10240x128xf32, #tpu.memory_space<vmem_shared>> -> memref<128x128xf32, #tpu.memory_space<vmem_shared>>
      %dma_start3A_82 = arith.constant 0 : i32
      %dma_start3A_83 = tpu.memref_slice %arg9[%add3A_67, %dma_start3A_82] : memref<10240x128xf32, #tpu.memory_space<vmem_shared>> -> memref<128x128xf32, #tpu.memory_space<vmem_shared>>
      tpu.enqueue_dma source(%dma_start3A_83 : memref<128x128xf32, #tpu.memory_space<vmem_shared>>) target(%arg7 : memref<128x128xf32, #tpu.memory_space<vmem>>) target_semaphore(%run_scoped3A : memref<!tpu.dma_semaphore, #tpu.memory_space<semaphore_mem>>)
      %dma_wait3A = arith.constant 0 : i32
      %dma_wait3A_84 = tpu.memref_slice %arg9[%add3A_67, %dma_wait3A] : memref<10240x128xf32, #tpu.memory_space<vmem_shared>> -> memref<128x128xf32, #tpu.memory_space<vmem_shared>>
      %dma_wait3A_85 = arith.constant 0 : i32
      %dma_wait3A_86 = tpu.memref_slice %arg9[%add3A_67, %dma_wait3A_85] : memref<10240x128xf32, #tpu.memory_space<vmem_shared>> -> memref<128x128xf32, #tpu.memory_space<vmem_shared>>
      tpu.wait_dma2 semaphore(%run_scoped3A : memref<!tpu.dma_semaphore, #tpu.memory_space<semaphore_mem>>) src(%dma_wait3A_86 : memref<128x128xf32, #tpu.memory_space<vmem_shared>>) dst(%arg7 : memref<128x128xf32, #tpu.memory_space<vmem>>)
      tpu.yield
    }) : () -> ()
    %mul3A_68 = arith.constant 640 : i32
    %mul3A_69 = arith.muli %arg1, %mul3A_68 : i32
    %add3A_70 = arith.constant 384 : i32
    %add3A_71 = arith.addi %mul3A_69, %add3A_70 : i32
    "tpu.region"() ({
      %run_scoped3A = tpu.sem_alloc : memref<!tpu.dma_semaphore, #tpu.memory_space<semaphore_mem>>
      %dma_start3A_80 = arith.constant 0 : i32
      %dma_start3A_81 = tpu.memref_slice %arg5[%arg0, %add3A_71, %dma_start3A_80] : memref<2x10240x128xf32, #tpu.memory_space<hbm>> -> memref<1x128x128xf32, #tpu.memory_space<hbm>>
      %dma_start3A_82 = tpu.memref_squeeze %dma_start3A_81 : memref<1x128x128xf32, #tpu.memory_space<hbm>> -> memref<128x128xf32, #tpu.memory_space<hbm>>
      %dma_start3A_83 = arith.constant 0 : i32
      %dma_start3A_84 = tpu.memref_slice %arg5[%arg0, %add3A_71, %dma_start3A_83] : memref<2x10240x128xf32, #tpu.memory_space<hbm>> -> memref<1x128x128xf32, #tpu.memory_space<hbm>>
      %dma_start3A_85 = tpu.memref_squeeze %dma_start3A_84 : memref<1x128x128xf32, #tpu.memory_space<hbm>> -> memref<128x128xf32, #tpu.memory_space<hbm>>
      tpu.enqueue_dma source(%arg7 : memref<128x128xf32, #tpu.memory_space<vmem>>) target(%dma_start3A_85 : memref<128x128xf32, #tpu.memory_space<hbm>>) target_semaphore(%run_scoped3A : memref<!tpu.dma_semaphore, #tpu.memory_space<semaphore_mem>>)
      %dma_wait3A = arith.constant 0 : i32
      %dma_wait3A_86 = tpu.memref_slice %arg5[%arg0, %add3A_71, %dma_wait3A] : memref<2x10240x128xf32, #tpu.memory_space<hbm>> -> memref<1x128x128xf32, #tpu.memory_space<hbm>>
      %dma_wait3A_87 = tpu.memref_squeeze %dma_wait3A_86 : memref<1x128x128xf32, #tpu.memory_space<hbm>> -> memref<128x128xf32, #tpu.memory_space<hbm>>
      %dma_wait3A_88 = arith.constant 0 : i32
      %dma_wait3A_89 = tpu.memref_slice %arg5[%arg0, %add3A_71, %dma_wait3A_88] : memref<2x10240x128xf32, #tpu.memory_space<hbm>> -> memref<1x128x128xf32, #tpu.memory_space<hbm>>
      %dma_wait3A_90 = tpu.memref_squeeze %dma_wait3A_89 : memref<1x128x128xf32, #tpu.memory_space<hbm>> -> memref<128x128xf32, #tpu.memory_space<hbm>>
      tpu.wait_dma2 semaphore(%run_scoped3A : memref<!tpu.dma_semaphore, #tpu.memory_space<semaphore_mem>>) src(%arg7 : memref<128x128xf32, #tpu.memory_space<vmem>>) dst(%dma_wait3A_90 : memref<128x128xf32, #tpu.memory_space<hbm>>)
      tpu.yield
    }) : () -> ()
    %mul3A_72 = arith.constant 640 : i32
    %mul3A_73 = arith.muli %arg1, %mul3A_72 : i32
    %add3A_74 = arith.constant 512 : i32
    %add3A_75 = arith.addi %mul3A_73, %add3A_74 : i32
    "tpu.region"() ({
      %run_scoped3A = tpu.sem_alloc : memref<!tpu.dma_semaphore, #tpu.memory_space<semaphore_mem>>
      %dma_start3A_80 = arith.constant 0 : i32
      %dma_start3A_81 = tpu.memref_slice %arg9[%add3A_75, %dma_start3A_80] : memref<10240x128xf32, #tpu.memory_space<vmem_shared>> -> memref<128x128xf32, #tpu.memory_space<vmem_shared>>
      %dma_start3A_82 = arith.constant 0 : i32
      %dma_start3A_83 = tpu.memref_slice %arg9[%add3A_75, %dma_start3A_82] : memref<10240x128xf32, #tpu.memory_space<vmem_shared>> -> memref<128x128xf32, #tpu.memory_space<vmem_shared>>
      tpu.enqueue_dma source(%dma_start3A_83 : memref<128x128xf32, #tpu.memory_space<vmem_shared>>) target(%arg7 : memref<128x128xf32, #tpu.memory_space<vmem>>) target_semaphore(%run_scoped3A : memref<!tpu.dma_semaphore, #tpu.memory_space<semaphore_mem>>)
      %dma_wait3A = arith.constant 0 : i32
      %dma_wait3A_84 = tpu.memref_slice %arg9[%add3A_75, %dma_wait3A] : memref<10240x128xf32, #tpu.memory_space<vmem_shared>> -> memref<128x128xf32, #tpu.memory_space<vmem_shared>>
      %dma_wait3A_85 = arith.constant 0 : i32
      %dma_wait3A_86 = tpu.memref_slice %arg9[%add3A_75, %dma_wait3A_85] : memref<10240x128xf32, #tpu.memory_space<vmem_shared>> -> memref<128x128xf32, #tpu.memory_space<vmem_shared>>
      tpu.wait_dma2 semaphore(%run_scoped3A : memref<!tpu.dma_semaphore, #tpu.memory_space<semaphore_mem>>) src(%dma_wait3A_86 : memref<128x128xf32, #tpu.memory_space<vmem_shared>>) dst(%arg7 : memref<128x128xf32, #tpu.memory_space<vmem>>)
      tpu.yield
    }) : () -> ()
    %mul3A_76 = arith.constant 640 : i32
    %mul3A_77 = arith.muli %arg1, %mul3A_76 : i32
    %add3A_78 = arith.constant 512 : i32
    %add3A_79 = arith.addi %mul3A_77, %add3A_78 : i32
    "tpu.region"() ({
      %run_scoped3A = tpu.sem_alloc : memref<!tpu.dma_semaphore, #tpu.memory_space<semaphore_mem>>
      %dma_start3A_80 = arith.constant 0 : i32
      %dma_start3A_81 = tpu.memref_slice %arg5[%arg0, %add3A_79, %dma_start3A_80] : memref<2x10240x128xf32, #tpu.memory_space<hbm>> -> memref<1x128x128xf32, #tpu.memory_space<hbm>>
      %dma_start3A_82 = tpu.memref_squeeze %dma_start3A_81 : memref<1x128x128xf32, #tpu.memory_space<hbm>> -> memref<128x128xf32, #tpu.memory_space<hbm>>
      %dma_start3A_83 = arith.constant 0 : i32
      %dma_start3A_84 = tpu.memref_slice %arg5[%arg0, %add3A_79, %dma_start3A_83] : memref<2x10240x128xf32, #tpu.memory_space<hbm>> -> memref<1x128x128xf32, #tpu.memory_space<hbm>>
      %dma_start3A_85 = tpu.memref_squeeze %dma_start3A_84 : memref<1x128x128xf32, #tpu.memory_space<hbm>> -> memref<128x128xf32, #tpu.memory_space<hbm>>
      tpu.enqueue_dma source(%arg7 : memref<128x128xf32, #tpu.memory_space<vmem>>) target(%dma_start3A_85 : memref<128x128xf32, #tpu.memory_space<hbm>>) target_semaphore(%run_scoped3A : memref<!tpu.dma_semaphore, #tpu.memory_space<semaphore_mem>>)
      %dma_wait3A = arith.constant 0 : i32
      %dma_wait3A_86 = tpu.memref_slice %arg5[%arg0, %add3A_79, %dma_wait3A] : memref<2x10240x128xf32, #tpu.memory_space<hbm>> -> memref<1x128x128xf32, #tpu.memory_space<hbm>>
      %dma_wait3A_87 = tpu.memref_squeeze %dma_wait3A_86 : memref<1x128x128xf32, #tpu.memory_space<hbm>> -> memref<128x128xf32, #tpu.memory_space<hbm>>
      %dma_wait3A_88 = arith.constant 0 : i32
      %dma_wait3A_89 = tpu.memref_slice %arg5[%arg0, %add3A_79, %dma_wait3A_88] : memref<2x10240x128xf32, #tpu.memory_space<hbm>> -> memref<1x128x128xf32, #tpu.memory_space<hbm>>
      %dma_wait3A_90 = tpu.memref_squeeze %dma_wait3A_89 : memref<1x128x128xf32, #tpu.memory_space<hbm>> -> memref<128x128xf32, #tpu.memory_space<hbm>>
      tpu.wait_dma2 semaphore(%run_scoped3A : memref<!tpu.dma_semaphore, #tpu.memory_space<semaphore_mem>>) src(%arg7 : memref<128x128xf32, #tpu.memory_space<vmem>>) dst(%dma_wait3A_90 : memref<128x128xf32, #tpu.memory_space<hbm>>)
      tpu.yield
    }) : () -> ()
    return
  }
}

module attributes {stable_mosaic.version = 14 : i64} {
  func.func @_node_embed_body(%arg0: i32, %arg1: memref<2000x128xf32, #tpu.memory_space<vmem>>, %arg2: memref<128x128xf32, #tpu.memory_space<vmem>>, %arg3: memref<1x128xf32, #tpu.memory_space<vmem>>, %arg4: memref<128x128xf32, #tpu.memory_space<vmem>>, %arg5: memref<1x128xf32, #tpu.memory_space<vmem>>, %arg6: memref<1x128xf32, #tpu.memory_space<vmem>>, %arg7: memref<1x128xf32, #tpu.memory_space<vmem>>, %arg8: memref<128x128xf32, #tpu.memory_space<vmem>>, %arg9: memref<128x128xf32, #tpu.memory_space<vmem>>, %arg10: memref<2000x128xf32, #tpu.memory_space<vmem>>, %arg11: memref<2000x64xf32, #tpu.memory_space<vmem>>, %arg12: memref<2000x64xf32, #tpu.memory_space<vmem>>) attributes {dimension_semantics = [#tpu.dimension_semantics<arbitrary>], iteration_bounds = array<i64: 5>, scalar_prefetch = 0 : i64, scratch_operands = 0 : i64, tpu.core_type = #tpu.core_type<tc>, window_params = [{transform_indices = @transform_0, window_bounds = array<i64: 2000, 128>}, {pipeline_mode = #tpu.pipeline_mode<synchronous>, transform_indices = @transform_1, window_bounds = array<i64: 128, 128>}, {pipeline_mode = #tpu.pipeline_mode<synchronous>, transform_indices = @transform_2, window_bounds = array<i64: 1, 128>}, {pipeline_mode = #tpu.pipeline_mode<synchronous>, transform_indices = @transform_3, window_bounds = array<i64: 128, 128>}, {pipeline_mode = #tpu.pipeline_mode<synchronous>, transform_indices = @transform_4, window_bounds = array<i64: 1, 128>}, {pipeline_mode = #tpu.pipeline_mode<synchronous>, transform_indices = @transform_5, window_bounds = array<i64: 1, 128>}, {pipeline_mode = #tpu.pipeline_mode<synchronous>, transform_indices = @transform_6, window_bounds = array<i64: 1, 128>}, {pipeline_mode = #tpu.pipeline_mode<synchronous>, transform_indices = @transform_7, window_bounds = array<i64: 128, 128>}, {pipeline_mode = #tpu.pipeline_mode<synchronous>, transform_indices = @transform_8, window_bounds = array<i64: 128, 128>}, {transform_indices = @transform_9, window_bounds = array<i64: 2000, 128>}, {transform_indices = @transform_10, window_bounds = array<i64: 2000, 64>}, {transform_indices = @transform_11, window_bounds = array<i64: 2000, 64>}]} {
    %get3A = arith.constant 0 : index
    %get3A_0 = arith.constant 0 : index
    %get3A_1 = vector.load %arg1[%get3A, %get3A_0] : memref<2000x128xf32, #tpu.memory_space<vmem>>, vector<2000x128xf32>
    %get3A_2 = arith.constant 0 : index
    %get3A_3 = arith.constant 0 : index
    %get3A_4 = vector.load %arg2[%get3A_2, %get3A_3] : memref<128x128xf32, #tpu.memory_space<vmem>>, vector<128x128xf32>
    %dot_general3A = arith.constant dense<0.000000e+00> : vector<2000x128xf32>
    %dot_general3A_5 = tpu.matmul %get3A_1, %get3A_4, %dot_general3A {dimension_numbers = #tpu.dot_dimension_numbers<[1], [0], [0], [1], [0, 0, 1, 1], [], []>, transpose_lhs_hint = false} : vector<2000x128xf32>, vector<128x128xf32>, vector<2000x128xf32> -> vector<2000x128xf32>
    %get3A_6 = arith.constant 0 : index
    %get3A_7 = arith.constant 0 : index
    %get3A_8 = vector.load %arg3[%get3A_6, %get3A_7] : memref<1x128xf32, #tpu.memory_space<vmem>>, vector<1x128xf32>
    %add3A = vector.broadcast %get3A_8 : vector<1x128xf32> to vector<2000x128xf32>
    %add3A_9 = arith.addf %dot_general3A_5, %add3A : vector<2000x128xf32>
    %logistic3A = arith.negf %add3A_9 : vector<2000x128xf32>
    %logistic3A_10 = math.exp %logistic3A : vector<2000x128xf32>
    %logistic3A_11 = arith.constant 1.000000e+00 : f32
    %logistic3A_12 = vector.broadcast %logistic3A_11 : f32 to vector<2000x128xf32>
    %logistic3A_13 = arith.addf %logistic3A_12, %logistic3A_10 : vector<2000x128xf32>
    %logistic3A_14 = arith.divf %logistic3A_12, %logistic3A_13 : vector<2000x128xf32>
    %mul3A = arith.mulf %add3A_9, %logistic3A_14 : vector<2000x128xf32>
    %get3A_15 = arith.constant 0 : index
    %get3A_16 = arith.constant 0 : index
    %get3A_17 = vector.load %arg4[%get3A_15, %get3A_16] : memref<128x128xf32, #tpu.memory_space<vmem>>, vector<128x128xf32>
    %dot_general3A_18 = arith.constant dense<0.000000e+00> : vector<2000x128xf32>
    %dot_general3A_19 = tpu.matmul %mul3A, %get3A_17, %dot_general3A_18 {dimension_numbers = #tpu.dot_dimension_numbers<[1], [0], [0], [1], [0, 0, 1, 1], [], []>, transpose_lhs_hint = false} : vector<2000x128xf32>, vector<128x128xf32>, vector<2000x128xf32> -> vector<2000x128xf32>
    %get3A_20 = arith.constant 0 : index
    %get3A_21 = arith.constant 0 : index
    %get3A_22 = vector.load %arg5[%get3A_20, %get3A_21] : memref<1x128xf32, #tpu.memory_space<vmem>>, vector<1x128xf32>
    %add3A_23 = vector.broadcast %get3A_22 : vector<1x128xf32> to vector<2000x128xf32>
    %add3A_24 = arith.addf %dot_general3A_19, %add3A_23 : vector<2000x128xf32>
    %get3A_25 = arith.constant 0 : index
    %get3A_26 = arith.constant 0 : index
    %get3A_27 = vector.load %arg6[%get3A_25, %get3A_26] : memref<1x128xf32, #tpu.memory_space<vmem>>, vector<1x128xf32>
    %get3A_28 = arith.constant 0 : index
    %get3A_29 = arith.constant 0 : index
    %get3A_30 = vector.load %arg7[%get3A_28, %get3A_29] : memref<1x128xf32, #tpu.memory_space<vmem>>, vector<1x128xf32>
    %reduce_sum3A = arith.constant dense<0.000000e+00> : vector<2000xf32>
    %reduce_sum3A_31 = vector.multi_reduction <add>, %add3A_24, %reduce_sum3A [1] : vector<2000x128xf32> to vector<2000xf32>
    %broadcast_in_dim3A = vector.shape_cast %reduce_sum3A_31 : vector<2000xf32> to vector<2000x1xf32>
    %div3A = arith.constant 1.280000e+02 : f32
    %div3A_32 = vector.broadcast %div3A : f32 to vector<2000x1xf32>
    %div3A_33 = arith.divf %broadcast_in_dim3A, %div3A_32 : vector<2000x1xf32>
    %sub3A = vector.broadcast %div3A_33 : vector<2000x1xf32> to vector<2000x128xf32>
    %sub3A_34 = arith.subf %add3A_24, %sub3A : vector<2000x128xf32>
    %integer_pow3A = arith.mulf %sub3A_34, %sub3A_34 : vector<2000x128xf32>
    %reduce_sum3A_35 = arith.constant dense<0.000000e+00> : vector<2000xf32>
    %reduce_sum3A_36 = vector.multi_reduction <add>, %integer_pow3A, %reduce_sum3A_35 [1] : vector<2000x128xf32> to vector<2000xf32>
    %broadcast_in_dim3A_37 = vector.shape_cast %reduce_sum3A_36 : vector<2000xf32> to vector<2000x1xf32>
    %div3A_38 = arith.constant 1.280000e+02 : f32
    %div3A_39 = vector.broadcast %div3A_38 : f32 to vector<2000x1xf32>
    %div3A_40 = arith.divf %broadcast_in_dim3A_37, %div3A_39 : vector<2000x1xf32>
    %sub3A_41 = vector.broadcast %div3A_33 : vector<2000x1xf32> to vector<2000x128xf32>
    %sub3A_42 = arith.subf %add3A_24, %sub3A_41 : vector<2000x128xf32>
    %add3A_43 = arith.constant 9.99999974E-6 : f32
    %add3A_44 = vector.broadcast %add3A_43 : f32 to vector<2000x1xf32>
    %add3A_45 = arith.addf %div3A_40, %add3A_44 : vector<2000x1xf32>
    %rsqrt3A = math.rsqrt %add3A_45 : vector<2000x1xf32>
    %mul3A_46 = vector.broadcast %rsqrt3A : vector<2000x1xf32> to vector<2000x128xf32>
    %mul3A_47 = arith.mulf %sub3A_42, %mul3A_46 : vector<2000x128xf32>
    %mul3A_48 = vector.broadcast %get3A_27 : vector<1x128xf32> to vector<2000x128xf32>
    %mul3A_49 = arith.mulf %mul3A_47, %mul3A_48 : vector<2000x128xf32>
    %add3A_50 = vector.broadcast %get3A_30 : vector<1x128xf32> to vector<2000x128xf32>
    %add3A_51 = arith.addf %mul3A_49, %add3A_50 : vector<2000x128xf32>
    %swap3A = arith.constant 0 : index
    %swap3A_52 = arith.constant 0 : index
    %swap3A_53 = vector.load %arg10[%swap3A, %swap3A_52] : memref<2000x128xf32, #tpu.memory_space<vmem>>, vector<2000x128xf32>
    tpu.vector_store %arg10[%swap3A, %swap3A_52], %add3A_51 {strides = array<i32>} : memref<2000x128xf32, #tpu.memory_space<vmem>>, vector<2000x128xf32>,
    %get3A_54 = arith.constant 0 : index
    %get3A_55 = arith.constant 0 : index
    %get3A_56 = vector.load %arg8[%get3A_54, %get3A_55] : memref<128x128xf32, #tpu.memory_space<vmem>>, vector<128x128xf32>
    %dot_general3A_57 = arith.constant dense<0.000000e+00> : vector<2000x128xf32>
    %dot_general3A_58 = tpu.matmul %add3A_51, %get3A_56, %dot_general3A_57 {dimension_numbers = #tpu.dot_dimension_numbers<[1], [0], [0], [1], [0, 0, 1, 1], [], []>, transpose_lhs_hint = false} : vector<2000x128xf32>, vector<128x128xf32>, vector<2000x128xf32> -> vector<2000x128xf32>
    %slice3A = vector.extract_strided_slice %dot_general3A_58 {offsets = [0, 0], sizes = [2000, 64], strides = [1, 1]} : vector<2000x128xf32> to vector<2000x64xf32>
    %bitcast_convert_type3A = tpu.bitcast %slice3A : vector<2000x64xf32> -> vector<2000x64xi32>
    %slice3A_59 = vector.extract_strided_slice %dot_general3A_58 {offsets = [0, 64], sizes = [2000, 64], strides = [1, 1]} : vector<2000x128xf32> to vector<2000x64xf32>
    %bitcast_convert_type3A_60 = tpu.bitcast %slice3A_59 : vector<2000x64xf32> -> vector<2000x64xi32>
    %add3A_61 = arith.constant 32768 : i32
    %add3A_62 = vector.broadcast %add3A_61 : i32 to vector<2000x64xi32>
    %add3A_63 = arith.addi %bitcast_convert_type3A, %add3A_62 : vector<2000x64xi32>
    %shift_right_logical3A = arith.constant 16 : i32
    %shift_right_logical3A_64 = vector.broadcast %shift_right_logical3A : i32 to vector<2000x64xi32>
    %shift_right_logical3A_65 = arith.shrui %add3A_63, %shift_right_logical3A_64 : vector<2000x64xi32>
    %add3A_66 = arith.constant 32768 : i32
    %add3A_67 = vector.broadcast %add3A_66 : i32 to vector<2000x64xi32>
    %add3A_68 = arith.addi %bitcast_convert_type3A_60, %add3A_67 : vector<2000x64xi32>
    %and3A = arith.constant -65536 : i32
    %and3A_69 = vector.broadcast %and3A : i32 to vector<2000x64xi32>
    %and3A_70 = arith.andi %add3A_68, %and3A_69 : vector<2000x64xi32>
    %or3A = arith.ori %shift_right_logical3A_65, %and3A_70 : vector<2000x64xi32>
    %bitcast_convert_type3A_71 = tpu.bitcast %or3A : vector<2000x64xi32> -> vector<2000x64xf32>
    %swap3A_72 = arith.constant 0 : index
    %swap3A_73 = arith.constant 0 : index
    %swap3A_74 = vector.load %arg11[%swap3A_72, %swap3A_73] : memref<2000x64xf32, #tpu.memory_space<vmem>>, vector<2000x64xf32>
    tpu.vector_store %arg11[%swap3A_72, %swap3A_73], %bitcast_convert_type3A_71 {strides = array<i32>} : memref<2000x64xf32, #tpu.memory_space<vmem>>, vector<2000x64xf32>,
    %get3A_75 = arith.constant 0 : index
    %get3A_76 = arith.constant 0 : index
    %get3A_77 = vector.load %arg9[%get3A_75, %get3A_76] : memref<128x128xf32, #tpu.memory_space<vmem>>, vector<128x128xf32>
    %dot_general3A_78 = arith.constant dense<0.000000e+00> : vector<2000x128xf32>
    %dot_general3A_79 = tpu.matmul %add3A_51, %get3A_77, %dot_general3A_78 {dimension_numbers = #tpu.dot_dimension_numbers<[1], [0], [0], [1], [0, 0, 1, 1], [], []>, transpose_lhs_hint = false} : vector<2000x128xf32>, vector<128x128xf32>, vector<2000x128xf32> -> vector<2000x128xf32>
    %slice3A_80 = vector.extract_strided_slice %dot_general3A_79 {offsets = [0, 0], sizes = [2000, 64], strides = [1, 1]} : vector<2000x128xf32> to vector<2000x64xf32>
    %bitcast_convert_type3A_81 = tpu.bitcast %slice3A_80 : vector<2000x64xf32> -> vector<2000x64xi32>
    %slice3A_82 = vector.extract_strided_slice %dot_general3A_79 {offsets = [0, 64], sizes = [2000, 64], strides = [1, 1]} : vector<2000x128xf32> to vector<2000x64xf32>
    %bitcast_convert_type3A_83 = tpu.bitcast %slice3A_82 : vector<2000x64xf32> -> vector<2000x64xi32>
    %add3A_84 = arith.constant 32768 : i32
    %add3A_85 = vector.broadcast %add3A_84 : i32 to vector<2000x64xi32>
    %add3A_86 = arith.addi %bitcast_convert_type3A_81, %add3A_85 : vector<2000x64xi32>
    %shift_right_logical3A_87 = arith.constant 16 : i32
    %shift_right_logical3A_88 = vector.broadcast %shift_right_logical3A_87 : i32 to vector<2000x64xi32>
    %shift_right_logical3A_89 = arith.shrui %add3A_86, %shift_right_logical3A_88 : vector<2000x64xi32>
    %add3A_90 = arith.constant 32768 : i32
    %add3A_91 = vector.broadcast %add3A_90 : i32 to vector<2000x64xi32>
    %add3A_92 = arith.addi %bitcast_convert_type3A_83, %add3A_91 : vector<2000x64xi32>
    %and3A_93 = arith.constant -65536 : i32
    %and3A_94 = vector.broadcast %and3A_93 : i32 to vector<2000x64xi32>
    %and3A_95 = arith.andi %add3A_92, %and3A_94 : vector<2000x64xi32>
    %or3A_96 = arith.ori %shift_right_logical3A_89, %and3A_95 : vector<2000x64xi32>
    %bitcast_convert_type3A_97 = tpu.bitcast %or3A_96 : vector<2000x64xi32> -> vector<2000x64xf32>
    %swap3A_98 = arith.constant 0 : index
    %swap3A_99 = arith.constant 0 : index
    %swap3A_100 = vector.load %arg12[%swap3A_98, %swap3A_99] : memref<2000x64xf32, #tpu.memory_space<vmem>>, vector<2000x64xf32>
    tpu.vector_store %arg12[%swap3A_98, %swap3A_99], %bitcast_convert_type3A_97 {strides = array<i32>} : memref<2000x64xf32, #tpu.memory_space<vmem>>, vector<2000x64xf32>,
    return
  }
  func.func @transform_0(%arg0: i32) -> (i32, i32) {
    %c0_i32 = arith.constant 0 : i32
    %c0_i32_0 = arith.constant 0 : i32
    return %arg0, %c0_i32 : i32, i32
  }
  func.func @transform_1(%arg0: i32) -> (i32, i32) {
    %c0_i32 = arith.constant 0 : i32
    %c0_i32_0 = arith.constant 0 : i32
    %c0_i32_1 = arith.constant 0 : i32
    return %c0_i32, %c0_i32_0 : i32, i32
  }
  func.func @transform_2(%arg0: i32) -> (i32, i32) {
    %c0_i32 = arith.constant 0 : i32
    %c0_i32_0 = arith.constant 0 : i32
    %c0_i32_1 = arith.constant 0 : i32
    return %c0_i32, %c0_i32_0 : i32, i32
  }
  func.func @transform_3(%arg0: i32) -> (i32, i32) {
    %c0_i32 = arith.constant 0 : i32
    %c0_i32_0 = arith.constant 0 : i32
    %c0_i32_1 = arith.constant 0 : i32
    return %c0_i32, %c0_i32_0 : i32, i32
  }
  func.func @transform_4(%arg0: i32) -> (i32, i32) {
    %c0_i32 = arith.constant 0 : i32
    %c0_i32_0 = arith.constant 0 : i32
    %c0_i32_1 = arith.constant 0 : i32
    return %c0_i32, %c0_i32_0 : i32, i32
  }
  func.func @transform_5(%arg0: i32) -> (i32, i32) {
    %c0_i32 = arith.constant 0 : i32
    %c0_i32_0 = arith.constant 0 : i32
    %c0_i32_1 = arith.constant 0 : i32
    return %c0_i32, %c0_i32_0 : i32, i32
  }
  func.func @transform_6(%arg0: i32) -> (i32, i32) {
    %c0_i32 = arith.constant 0 : i32
    %c0_i32_0 = arith.constant 0 : i32
    %c0_i32_1 = arith.constant 0 : i32
    return %c0_i32, %c0_i32_0 : i32, i32
  }
  func.func @transform_7(%arg0: i32) -> (i32, i32) {
    %c0_i32 = arith.constant 0 : i32
    %c0_i32_0 = arith.constant 0 : i32
    %c0_i32_1 = arith.constant 0 : i32
    return %c0_i32, %c0_i32_0 : i32, i32
  }
  func.func @transform_8(%arg0: i32) -> (i32, i32) {
    %c0_i32 = arith.constant 0 : i32
    %c0_i32_0 = arith.constant 0 : i32
    %c0_i32_1 = arith.constant 0 : i32
    return %c0_i32, %c0_i32_0 : i32, i32
  }
  func.func @transform_9(%arg0: i32) -> (i32, i32) {
    %c0_i32 = arith.constant 0 : i32
    %c0_i32_0 = arith.constant 0 : i32
    return %arg0, %c0_i32 : i32, i32
  }
  func.func @transform_10(%arg0: i32) -> (i32, i32) {
    %c0_i32 = arith.constant 0 : i32
    %c0_i32_0 = arith.constant 0 : i32
    return %arg0, %c0_i32 : i32, i32
  }
  func.func @transform_11(%arg0: i32) -> (i32, i32) {
    %c0_i32 = arith.constant 0 : i32
    %c0_i32_0 = arith.constant 0 : i32
    return %arg0, %c0_i32 : i32, i32
  }
}

module attributes {stable_mosaic.version = 14 : i64} {
  func.func @_edge_body(%arg0: i32, %arg1: memref<3200x16xf32, #tpu.memory_space<vmem>>, %arg2: memref<3200x16xf32, #tpu.memory_space<vmem>>, %arg3: memref<3200x128xf32, #tpu.memory_space<vmem>>, %arg4: memref<3200x128xf32, #tpu.memory_space<vmem>>, %arg5: memref<16x128xf32, #tpu.memory_space<vmem>>, %arg6: memref<1x128xf32, #tpu.memory_space<vmem>>, %arg7: memref<128x128xf32, #tpu.memory_space<vmem>>, %arg8: memref<1x128xf32, #tpu.memory_space<vmem>>, %arg9: memref<1x128xf32, #tpu.memory_space<vmem>>, %arg10: memref<1x128xf32, #tpu.memory_space<vmem>>, %arg11: memref<128x128xf32, #tpu.memory_space<vmem>>, %arg12: memref<1x128xf32, #tpu.memory_space<vmem>>, %arg13: memref<128x128xf32, #tpu.memory_space<vmem>>, %arg14: memref<1x128xf32, #tpu.memory_space<vmem>>, %arg15: memref<1x128xf32, #tpu.memory_space<vmem>>, %arg16: memref<1x128xf32, #tpu.memory_space<vmem>>, %arg17: memref<2x3200x128xf32, #tpu.memory_space<vmem>>) attributes {dimension_semantics = [#tpu.dimension_semantics<arbitrary>], iteration_bounds = array<i64: 50>, scalar_prefetch = 0 : i64, scratch_operands = 0 : i64, tpu.core_type = #tpu.core_type<tc>, window_params = [{transform_indices = @transform_0, window_bounds = array<i64: 3200, 16>}, {transform_indices = @transform_1, window_bounds = array<i64: 3200, 16>}, {transform_indices = @transform_2, window_bounds = array<i64: 3200, 128>}, {transform_indices = @transform_3, window_bounds = array<i64: 3200, 128>}, {pipeline_mode = #tpu.pipeline_mode<synchronous>, transform_indices = @transform_4, window_bounds = array<i64: 16, 128>}, {pipeline_mode = #tpu.pipeline_mode<synchronous>, transform_indices = @transform_5, window_bounds = array<i64: 1, 128>}, {pipeline_mode = #tpu.pipeline_mode<synchronous>, transform_indices = @transform_6, window_bounds = array<i64: 128, 128>}, {pipeline_mode = #tpu.pipeline_mode<synchronous>, transform_indices = @transform_7, window_bounds = array<i64: 1, 128>}, {pipeline_mode = #tpu.pipeline_mode<synchronous>, transform_indices = @transform_8, window_bounds = array<i64: 1, 128>}, {pipeline_mode = #tpu.pipeline_mode<synchronous>, transform_indices = @transform_9, window_bounds = array<i64: 1, 128>}, {pipeline_mode = #tpu.pipeline_mode<synchronous>, transform_indices = @transform_10, window_bounds = array<i64: 128, 128>}, {pipeline_mode = #tpu.pipeline_mode<synchronous>, transform_indices = @transform_11, window_bounds = array<i64: 1, 128>}, {pipeline_mode = #tpu.pipeline_mode<synchronous>, transform_indices = @transform_12, window_bounds = array<i64: 128, 128>}, {pipeline_mode = #tpu.pipeline_mode<synchronous>, transform_indices = @transform_13, window_bounds = array<i64: 1, 128>}, {pipeline_mode = #tpu.pipeline_mode<synchronous>, transform_indices = @transform_14, window_bounds = array<i64: 1, 128>}, {pipeline_mode = #tpu.pipeline_mode<synchronous>, transform_indices = @transform_15, window_bounds = array<i64: 1, 128>}, {transform_indices = @transform_16, window_bounds = array<i64: 2, 3200, 128>}]} {
    %get3A = arith.constant 0 : index
    %get3A_0 = arith.constant 0 : index
    %get3A_1 = vector.load %arg1[%get3A, %get3A_0] : memref<3200x16xf32, #tpu.memory_space<vmem>>, vector<3200x16xf32>
    %get3A_2 = arith.constant 0 : index
    %get3A_3 = arith.constant 0 : index
    %get3A_4 = vector.load %arg2[%get3A_2, %get3A_3] : memref<3200x16xf32, #tpu.memory_space<vmem>>, vector<3200x16xf32>
    %concatenate3A = tpu.concatenate %get3A_1, %get3A_4 in 0 : vector<3200x16xf32>, vector<3200x16xf32> -> vector<6400x16xf32>
    %get3A_5 = arith.constant 0 : index
    %get3A_6 = arith.constant 0 : index
    %get3A_7 = vector.load %arg5[%get3A_5, %get3A_6] : memref<16x128xf32, #tpu.memory_space<vmem>>, vector<16x128xf32>
    %dot_general3A = arith.constant dense<0.000000e+00> : vector<6400x128xf32>
    %dot_general3A_8 = tpu.matmul %concatenate3A, %get3A_7, %dot_general3A {dimension_numbers = #tpu.dot_dimension_numbers<[1], [0], [0], [1], [0, 0, 1, 1], [], []>, transpose_lhs_hint = false} : vector<6400x16xf32>, vector<16x128xf32>, vector<6400x128xf32> -> vector<6400x128xf32>
    %get3A_9 = arith.constant 0 : index
    %get3A_10 = arith.constant 0 : index
    %get3A_11 = vector.load %arg6[%get3A_9, %get3A_10] : memref<1x128xf32, #tpu.memory_space<vmem>>, vector<1x128xf32>
    %add3A = vector.broadcast %get3A_11 : vector<1x128xf32> to vector<6400x128xf32>
    %add3A_12 = arith.addf %dot_general3A_8, %add3A : vector<6400x128xf32>
    %logistic3A = arith.negf %add3A_12 : vector<6400x128xf32>
    %logistic3A_13 = math.exp %logistic3A : vector<6400x128xf32>
    %logistic3A_14 = arith.constant 1.000000e+00 : f32
    %logistic3A_15 = vector.broadcast %logistic3A_14 : f32 to vector<6400x128xf32>
    %logistic3A_16 = arith.addf %logistic3A_15, %logistic3A_13 : vector<6400x128xf32>
    %logistic3A_17 = arith.divf %logistic3A_15, %logistic3A_16 : vector<6400x128xf32>
    %mul3A = arith.mulf %add3A_12, %logistic3A_17 : vector<6400x128xf32>
    %get3A_18 = arith.constant 0 : index
    %get3A_19 = arith.constant 0 : index
    %get3A_20 = vector.load %arg7[%get3A_18, %get3A_19] : memref<128x128xf32, #tpu.memory_space<vmem>>, vector<128x128xf32>
    %convert_element_type3A = arith.truncf %mul3A : vector<6400x128xf32> to vector<6400x128xbf16>
    %convert_element_type3A_21 = arith.truncf %get3A_20 : vector<128x128xf32> to vector<128x128xbf16>
    %dot_general3A_22 = arith.constant dense<0.000000e+00> : vector<6400x128xf32>
    %dot_general3A_23 = tpu.matmul %convert_element_type3A, %convert_element_type3A_21, %dot_general3A_22 {dimension_numbers = #tpu.dot_dimension_numbers<[1], [0], [0], [1], [0, 0, 1, 1], [], []>, transpose_lhs_hint = false} : vector<6400x128xbf16>, vector<128x128xbf16>, vector<6400x128xf32> -> vector<6400x128xf32>
    %get3A_24 = arith.constant 0 : index
    %get3A_25 = arith.constant 0 : index
    %get3A_26 = vector.load %arg8[%get3A_24, %get3A_25] : memref<1x128xf32, #tpu.memory_space<vmem>>, vector<1x128xf32>
    %add3A_27 = vector.broadcast %get3A_26 : vector<1x128xf32> to vector<6400x128xf32>
    %add3A_28 = arith.addf %dot_general3A_23, %add3A_27 : vector<6400x128xf32>
    %get3A_29 = arith.constant 0 : index
    %get3A_30 = arith.constant 0 : index
    %get3A_31 = vector.load %arg9[%get3A_29, %get3A_30] : memref<1x128xf32, #tpu.memory_space<vmem>>, vector<1x128xf32>
    %get3A_32 = arith.constant 0 : index
    %get3A_33 = arith.constant 0 : index
    %get3A_34 = vector.load %arg10[%get3A_32, %get3A_33] : memref<1x128xf32, #tpu.memory_space<vmem>>, vector<1x128xf32>
    %reduce_sum3A = arith.constant dense<0.000000e+00> : vector<6400xf32>
    %reduce_sum3A_35 = vector.multi_reduction <add>, %add3A_28, %reduce_sum3A [1] : vector<6400x128xf32> to vector<6400xf32>
    %broadcast_in_dim3A = vector.shape_cast %reduce_sum3A_35 : vector<6400xf32> to vector<6400x1xf32>
    %div3A = arith.constant 1.280000e+02 : f32
    %div3A_36 = vector.broadcast %div3A : f32 to vector<6400x1xf32>
    %div3A_37 = arith.divf %broadcast_in_dim3A, %div3A_36 : vector<6400x1xf32>
    %sub3A = vector.broadcast %div3A_37 : vector<6400x1xf32> to vector<6400x128xf32>
    %sub3A_38 = arith.subf %add3A_28, %sub3A : vector<6400x128xf32>
    %integer_pow3A = arith.mulf %sub3A_38, %sub3A_38 : vector<6400x128xf32>
    %reduce_sum3A_39 = arith.constant dense<0.000000e+00> : vector<6400xf32>
    %reduce_sum3A_40 = vector.multi_reduction <add>, %integer_pow3A, %reduce_sum3A_39 [1] : vector<6400x128xf32> to vector<6400xf32>
    %broadcast_in_dim3A_41 = vector.shape_cast %reduce_sum3A_40 : vector<6400xf32> to vector<6400x1xf32>
    %div3A_42 = arith.constant 1.280000e+02 : f32
    %div3A_43 = vector.broadcast %div3A_42 : f32 to vector<6400x1xf32>
    %div3A_44 = arith.divf %broadcast_in_dim3A_41, %div3A_43 : vector<6400x1xf32>
    %sub3A_45 = vector.broadcast %div3A_37 : vector<6400x1xf32> to vector<6400x128xf32>
    %sub3A_46 = arith.subf %add3A_28, %sub3A_45 : vector<6400x128xf32>
    %add3A_47 = arith.constant 9.99999974E-6 : f32
    %add3A_48 = vector.broadcast %add3A_47 : f32 to vector<6400x1xf32>
    %add3A_49 = arith.addf %div3A_44, %add3A_48 : vector<6400x1xf32>
    %rsqrt3A = math.rsqrt %add3A_49 : vector<6400x1xf32>
    %mul3A_50 = vector.broadcast %rsqrt3A : vector<6400x1xf32> to vector<6400x128xf32>
    %mul3A_51 = arith.mulf %sub3A_46, %mul3A_50 : vector<6400x128xf32>
    %mul3A_52 = vector.broadcast %get3A_31 : vector<1x128xf32> to vector<6400x128xf32>
    %mul3A_53 = arith.mulf %mul3A_51, %mul3A_52 : vector<6400x128xf32>
    %add3A_54 = vector.broadcast %get3A_34 : vector<1x128xf32> to vector<6400x128xf32>
    %add3A_55 = arith.addf %mul3A_53, %add3A_54 : vector<6400x128xf32>
    %get3A_56 = arith.constant 0 : index
    %get3A_57 = arith.constant 0 : index
    %get3A_58 = vector.load %arg3[%get3A_56, %get3A_57] : memref<3200x128xf32, #tpu.memory_space<vmem>>, vector<3200x128xf32>
    %bitcast_convert_type3A = tpu.bitcast %get3A_58 : vector<3200x128xf32> -> vector<3200x128xi32>
    %shift_left3A = arith.constant 16 : i32
    %shift_left3A_59 = vector.broadcast %shift_left3A : i32 to vector<3200x128xi32>
    %shift_left3A_60 = arith.shli %bitcast_convert_type3A, %shift_left3A_59 : vector<3200x128xi32>
    %bitcast_convert_type3A_61 = tpu.bitcast %shift_left3A_60 : vector<3200x128xi32> -> vector<3200x128xf32>
    %and3A = arith.constant -65536 : i32
    %and3A_62 = vector.broadcast %and3A : i32 to vector<3200x128xi32>
    %and3A_63 = arith.andi %bitcast_convert_type3A, %and3A_62 : vector<3200x128xi32>
    %bitcast_convert_type3A_64 = tpu.bitcast %and3A_63 : vector<3200x128xi32> -> vector<3200x128xf32>
    %get3A_65 = arith.constant 0 : index
    %get3A_66 = arith.constant 0 : index
    %get3A_67 = vector.load %arg4[%get3A_65, %get3A_66] : memref<3200x128xf32, #tpu.memory_space<vmem>>, vector<3200x128xf32>
    %bitcast_convert_type3A_68 = tpu.bitcast %get3A_67 : vector<3200x128xf32> -> vector<3200x128xi32>
    %shift_left3A_69 = arith.constant 16 : i32
    %shift_left3A_70 = vector.broadcast %shift_left3A_69 : i32 to vector<3200x128xi32>
    %shift_left3A_71 = arith.shli %bitcast_convert_type3A_68, %shift_left3A_70 : vector<3200x128xi32>
    %bitcast_convert_type3A_72 = tpu.bitcast %shift_left3A_71 : vector<3200x128xi32> -> vector<3200x128xf32>
    %and3A_73 = arith.constant -65536 : i32
    %and3A_74 = vector.broadcast %and3A_73 : i32 to vector<3200x128xi32>
    %and3A_75 = arith.andi %bitcast_convert_type3A_68, %and3A_74 : vector<3200x128xi32>
    %bitcast_convert_type3A_76 = tpu.bitcast %and3A_75 : vector<3200x128xi32> -> vector<3200x128xf32>
    %slice3A = vector.extract_strided_slice %bitcast_convert_type3A_61 {offsets = [0, 0], sizes = [3200, 64], strides = [1, 1]} : vector<3200x128xf32> to vector<3200x64xf32>
    %slice3A_77 = vector.extract_strided_slice %bitcast_convert_type3A_72 {offsets = [0, 0], sizes = [3200, 64], strides = [1, 1]} : vector<3200x128xf32> to vector<3200x64xf32>
    %add3A_78 = arith.addf %slice3A, %slice3A_77 : vector<3200x64xf32>
    %slice3A_79 = vector.extract_strided_slice %bitcast_convert_type3A_64 {offsets = [0, 0], sizes = [3200, 64], strides = [1, 1]} : vector<3200x128xf32> to vector<3200x64xf32>
    %slice3A_80 = vector.extract_strided_slice %bitcast_convert_type3A_76 {offsets = [0, 0], sizes = [3200, 64], strides = [1, 1]} : vector<3200x128xf32> to vector<3200x64xf32>
    %add3A_81 = arith.addf %slice3A_79, %slice3A_80 : vector<3200x64xf32>
    %concatenate3A_82 = tpu.concatenate %add3A_78, %add3A_81 in 1 : vector<3200x64xf32>, vector<3200x64xf32> -> vector<3200x128xf32>
    %slice3A_83 = vector.extract_strided_slice %bitcast_convert_type3A_61 {offsets = [0, 64], sizes = [3200, 64], strides = [1, 1]} : vector<3200x128xf32> to vector<3200x64xf32>
    %slice3A_84 = vector.extract_strided_slice %bitcast_convert_type3A_72 {offsets = [0, 64], sizes = [3200, 64], strides = [1, 1]} : vector<3200x128xf32> to vector<3200x64xf32>
    %add3A_85 = arith.addf %slice3A_83, %slice3A_84 : vector<3200x64xf32>
    %slice3A_86 = vector.extract_strided_slice %bitcast_convert_type3A_64 {offsets = [0, 64], sizes = [3200, 64], strides = [1, 1]} : vector<3200x128xf32> to vector<3200x64xf32>
    %slice3A_87 = vector.extract_strided_slice %bitcast_convert_type3A_76 {offsets = [0, 64], sizes = [3200, 64], strides = [1, 1]} : vector<3200x128xf32> to vector<3200x64xf32>
    %add3A_88 = arith.addf %slice3A_86, %slice3A_87 : vector<3200x64xf32>
    %concatenate3A_89 = tpu.concatenate %add3A_85, %add3A_88 in 1 : vector<3200x64xf32>, vector<3200x64xf32> -> vector<3200x128xf32>
    %concatenate3A_90 = tpu.concatenate %concatenate3A_82, %concatenate3A_89 in 0 : vector<3200x128xf32>, vector<3200x128xf32> -> vector<6400x128xf32>
    %get3A_91 = arith.constant 0 : index
    %get3A_92 = arith.constant 0 : index
    %get3A_93 = vector.load %arg11[%get3A_91, %get3A_92] : memref<128x128xf32, #tpu.memory_space<vmem>>, vector<128x128xf32>
    %convert_element_type3A_94 = arith.truncf %add3A_55 : vector<6400x128xf32> to vector<6400x128xbf16>
    %convert_element_type3A_95 = arith.truncf %get3A_93 : vector<128x128xf32> to vector<128x128xbf16>
    %dot_general3A_96 = arith.constant dense<0.000000e+00> : vector<6400x128xf32>
    %dot_general3A_97 = tpu.matmul %convert_element_type3A_94, %convert_element_type3A_95, %dot_general3A_96 {dimension_numbers = #tpu.dot_dimension_numbers<[1], [0], [0], [1], [0, 0, 1, 1], [], []>, transpose_lhs_hint = false} : vector<6400x128xbf16>, vector<128x128xbf16>, vector<6400x128xf32> -> vector<6400x128xf32>
    %add3A_98 = arith.addf %dot_general3A_97, %concatenate3A_90 : vector<6400x128xf32>
    %get3A_99 = arith.constant 0 : index
    %get3A_100 = arith.constant 0 : index
    %get3A_101 = vector.load %arg12[%get3A_99, %get3A_100] : memref<1x128xf32, #tpu.memory_space<vmem>>, vector<1x128xf32>
    %add3A_102 = vector.broadcast %get3A_101 : vector<1x128xf32> to vector<6400x128xf32>
    %add3A_103 = arith.addf %add3A_98, %add3A_102 : vector<6400x128xf32>
    %logistic3A_104 = arith.negf %add3A_103 : vector<6400x128xf32>
    %logistic3A_105 = math.exp %logistic3A_104 : vector<6400x128xf32>
    %logistic3A_106 = arith.constant 1.000000e+00 : f32
    %logistic3A_107 = vector.broadcast %logistic3A_106 : f32 to vector<6400x128xf32>
    %logistic3A_108 = arith.addf %logistic3A_107, %logistic3A_105 : vector<6400x128xf32>
    %logistic3A_109 = arith.divf %logistic3A_107, %logistic3A_108 : vector<6400x128xf32>
    %mul3A_110 = arith.mulf %add3A_103, %logistic3A_109 : vector<6400x128xf32>
    %get3A_111 = arith.constant 0 : index
    %get3A_112 = arith.constant 0 : index
    %get3A_113 = vector.load %arg13[%get3A_111, %get3A_112] : memref<128x128xf32, #tpu.memory_space<vmem>>, vector<128x128xf32>
    %convert_element_type3A_114 = arith.truncf %mul3A_110 : vector<6400x128xf32> to vector<6400x128xbf16>
    %convert_element_type3A_115 = arith.truncf %get3A_113 : vector<128x128xf32> to vector<128x128xbf16>
    %dot_general3A_116 = arith.constant dense<0.000000e+00> : vector<6400x128xf32>
    %dot_general3A_117 = tpu.matmul %convert_element_type3A_114, %convert_element_type3A_115, %dot_general3A_116 {dimension_numbers = #tpu.dot_dimension_numbers<[1], [0], [0], [1], [0, 0, 1, 1], [], []>, transpose_lhs_hint = false} : vector<6400x128xbf16>, vector<128x128xbf16>, vector<6400x128xf32> -> vector<6400x128xf32>
    %get3A_118 = arith.constant 0 : index
    %get3A_119 = arith.constant 0 : index
    %get3A_120 = vector.load %arg14[%get3A_118, %get3A_119] : memref<1x128xf32, #tpu.memory_space<vmem>>, vector<1x128xf32>
    %add3A_121 = vector.broadcast %get3A_120 : vector<1x128xf32> to vector<6400x128xf32>
    %add3A_122 = arith.addf %dot_general3A_117, %add3A_121 : vector<6400x128xf32>
    %get3A_123 = arith.constant 0 : index
    %get3A_124 = arith.constant 0 : index
    %get3A_125 = vector.load %arg15[%get3A_123, %get3A_124] : memref<1x128xf32, #tpu.memory_space<vmem>>, vector<1x128xf32>
    %get3A_126 = arith.constant 0 : index
    %get3A_127 = arith.constant 0 : index
    %get3A_128 = vector.load %arg16[%get3A_126, %get3A_127] : memref<1x128xf32, #tpu.memory_space<vmem>>, vector<1x128xf32>
    %reduce_sum3A_129 = arith.constant dense<0.000000e+00> : vector<6400xf32>
    %reduce_sum3A_130 = vector.multi_reduction <add>, %add3A_122, %reduce_sum3A_129 [1] : vector<6400x128xf32> to vector<6400xf32>
    %broadcast_in_dim3A_131 = vector.shape_cast %reduce_sum3A_130 : vector<6400xf32> to vector<6400x1xf32>
    %div3A_132 = arith.constant 1.280000e+02 : f32
    %div3A_133 = vector.broadcast %div3A_132 : f32 to vector<6400x1xf32>
    %div3A_134 = arith.divf %broadcast_in_dim3A_131, %div3A_133 : vector<6400x1xf32>
    %sub3A_135 = vector.broadcast %div3A_134 : vector<6400x1xf32> to vector<6400x128xf32>
    %sub3A_136 = arith.subf %add3A_122, %sub3A_135 : vector<6400x128xf32>
    %integer_pow3A_137 = arith.mulf %sub3A_136, %sub3A_136 : vector<6400x128xf32>
    %reduce_sum3A_138 = arith.constant dense<0.000000e+00> : vector<6400xf32>
    %reduce_sum3A_139 = vector.multi_reduction <add>, %integer_pow3A_137, %reduce_sum3A_138 [1] : vector<6400x128xf32> to vector<6400xf32>
    %broadcast_in_dim3A_140 = vector.shape_cast %reduce_sum3A_139 : vector<6400xf32> to vector<6400x1xf32>
    %div3A_141 = arith.constant 1.280000e+02 : f32
    %div3A_142 = vector.broadcast %div3A_141 : f32 to vector<6400x1xf32>
    %div3A_143 = arith.divf %broadcast_in_dim3A_140, %div3A_142 : vector<6400x1xf32>
    %sub3A_144 = vector.broadcast %div3A_134 : vector<6400x1xf32> to vector<6400x128xf32>
    %sub3A_145 = arith.subf %add3A_122, %sub3A_144 : vector<6400x128xf32>
    %add3A_146 = arith.constant 9.99999974E-6 : f32
    %add3A_147 = vector.broadcast %add3A_146 : f32 to vector<6400x1xf32>
    %add3A_148 = arith.addf %div3A_143, %add3A_147 : vector<6400x1xf32>
    %rsqrt3A_149 = math.rsqrt %add3A_148 : vector<6400x1xf32>
    %mul3A_150 = vector.broadcast %rsqrt3A_149 : vector<6400x1xf32> to vector<6400x128xf32>
    %mul3A_151 = arith.mulf %sub3A_145, %mul3A_150 : vector<6400x128xf32>
    %mul3A_152 = vector.broadcast %get3A_125 : vector<1x128xf32> to vector<6400x128xf32>
    %mul3A_153 = arith.mulf %mul3A_151, %mul3A_152 : vector<6400x128xf32>
    %add3A_154 = vector.broadcast %get3A_128 : vector<1x128xf32> to vector<6400x128xf32>
    %add3A_155 = arith.addf %mul3A_153, %add3A_154 : vector<6400x128xf32>
    %reshape3A = vector.shape_cast %add3A_155 : vector<6400x128xf32> to vector<2x3200x128xf32>
    %swap3A = arith.constant 0 : index
    %swap3A_156 = arith.constant 0 : index
    %swap3A_157 = arith.constant 0 : index
    %swap3A_158 = vector.load %arg17[%swap3A, %swap3A_156, %swap3A_157] : memref<2x3200x128xf32, #tpu.memory_space<vmem>>, vector<2x3200x128xf32>
    tpu.vector_store %arg17[%swap3A, %swap3A_156, %swap3A_157], %reshape3A {strides = array<i32>} : memref<2x3200x128xf32, #tpu.memory_space<vmem>>, vector<2x3200x128xf32>,
    return
  }
  func.func @transform_0(%arg0: i32) -> (i32, i32) {
    %c0_i32 = arith.constant 0 : i32
    %c0_i32_0 = arith.constant 0 : i32
    return %arg0, %c0_i32 : i32, i32
  }
  func.func @transform_1(%arg0: i32) -> (i32, i32) {
    %add3A = arith.constant 50 : i32
    %add3A_0 = arith.addi %add3A, %arg0 : i32
    %c0_i32 = arith.constant 0 : i32
    %c0_i32_1 = arith.constant 0 : i32
    return %add3A_0, %c0_i32 : i32, i32
  }
  func.func @transform_2(%arg0: i32) -> (i32, i32) {
    %c0_i32 = arith.constant 0 : i32
    %c0_i32_0 = arith.constant 0 : i32
    return %arg0, %c0_i32 : i32, i32
  }
  func.func @transform_3(%arg0: i32) -> (i32, i32) {
    %c0_i32 = arith.constant 0 : i32
    %c0_i32_0 = arith.constant 0 : i32
    return %arg0, %c0_i32 : i32, i32
  }
  func.func @transform_4(%arg0: i32) -> (i32, i32) {
    %c0_i32 = arith.constant 0 : i32
    %c0_i32_0 = arith.constant 0 : i32
    %c0_i32_1 = arith.constant 0 : i32
    return %c0_i32, %c0_i32_0 : i32, i32
  }
  func.func @transform_5(%arg0: i32) -> (i32, i32) {
    %c0_i32 = arith.constant 0 : i32
    %c0_i32_0 = arith.constant 0 : i32
    %c0_i32_1 = arith.constant 0 : i32
    return %c0_i32, %c0_i32_0 : i32, i32
  }
  func.func @transform_6(%arg0: i32) -> (i32, i32) {
    %c0_i32 = arith.constant 0 : i32
    %c0_i32_0 = arith.constant 0 : i32
    %c0_i32_1 = arith.constant 0 : i32
    return %c0_i32, %c0_i32_0 : i32, i32
  }
  func.func @transform_7(%arg0: i32) -> (i32, i32) {
    %c0_i32 = arith.constant 0 : i32
    %c0_i32_0 = arith.constant 0 : i32
    %c0_i32_1 = arith.constant 0 : i32
    return %c0_i32, %c0_i32_0 : i32, i32
  }
  func.func @transform_8(%arg0: i32) -> (i32, i32) {
    %c0_i32 = arith.constant 0 : i32
    %c0_i32_0 = arith.constant 0 : i32
    %c0_i32_1 = arith.constant 0 : i32
    return %c0_i32, %c0_i32_0 : i32, i32
  }
  func.func @transform_9(%arg0: i32) -> (i32, i32) {
    %c0_i32 = arith.constant 0 : i32
    %c0_i32_0 = arith.constant 0 : i32
    %c0_i32_1 = arith.constant 0 : i32
    return %c0_i32, %c0_i32_0 : i32, i32
  }
  func.func @transform_10(%arg0: i32) -> (i32, i32) {
    %c0_i32 = arith.constant 0 : i32
    %c0_i32_0 = arith.constant 0 : i32
    %c0_i32_1 = arith.constant 0 : i32
    return %c0_i32, %c0_i32_0 : i32, i32
  }
  func.func @transform_11(%arg0: i32) -> (i32, i32) {
    %c0_i32 = arith.constant 0 : i32
    %c0_i32_0 = arith.constant 0 : i32
    %c0_i32_1 = arith.constant 0 : i32
    return %c0_i32, %c0_i32_0 : i32, i32
  }
  func.func @transform_12(%arg0: i32) -> (i32, i32) {
    %c0_i32 = arith.constant 0 : i32
    %c0_i32_0 = arith.constant 0 : i32
    %c0_i32_1 = arith.constant 0 : i32
    return %c0_i32, %c0_i32_0 : i32, i32
  }
  func.func @transform_13(%arg0: i32) -> (i32, i32) {
    %c0_i32 = arith.constant 0 : i32
    %c0_i32_0 = arith.constant 0 : i32
    %c0_i32_1 = arith.constant 0 : i32
    return %c0_i32, %c0_i32_0 : i32, i32
  }
  func.func @transform_14(%arg0: i32) -> (i32, i32) {
    %c0_i32 = arith.constant 0 : i32
    %c0_i32_0 = arith.constant 0 : i32
    %c0_i32_1 = arith.constant 0 : i32
    return %c0_i32, %c0_i32_0 : i32, i32
  }
  func.func @transform_15(%arg0: i32) -> (i32, i32) {
    %c0_i32 = arith.constant 0 : i32
    %c0_i32_0 = arith.constant 0 : i32
    %c0_i32_1 = arith.constant 0 : i32
    return %c0_i32, %c0_i32_0 : i32, i32
  }
  func.func @transform_16(%arg0: i32) -> (i32, i32, i32) {
    %c0_i32 = arith.constant 0 : i32
    %c0_i32_0 = arith.constant 0 : i32
    %c0_i32_1 = arith.constant 0 : i32
    return %c0_i32, %arg0, %c0_i32_0 : i32, i32, i32
  }
}

module attributes {stable_mosaic.version = 14 : i64} {
  func.func @_node_update_body(%arg0: i32, %arg1: memref<2000x128xf32, #tpu.memory_space<vmem>>, %arg2: memref<1x2000x128xf32, #tpu.memory_space<vmem>>, %arg3: memref<1x2000x128xf32, #tpu.memory_space<vmem>>, %arg4: memref<128x128xf32, #tpu.memory_space<vmem>>, %arg5: memref<128x128xf32, #tpu.memory_space<vmem>>, %arg6: memref<1x128xf32, #tpu.memory_space<vmem>>, %arg7: memref<128x128xf32, #tpu.memory_space<vmem>>, %arg8: memref<1x128xf32, #tpu.memory_space<vmem>>, %arg9: memref<1x128xf32, #tpu.memory_space<vmem>>, %arg10: memref<1x128xf32, #tpu.memory_space<vmem>>, %arg11: memref<128x128xf32, #tpu.memory_space<vmem>>, %arg12: memref<1x128xf32, #tpu.memory_space<vmem>>, %arg13: memref<128x128xf32, #tpu.memory_space<vmem>>, %arg14: memref<1x128xf32, #tpu.memory_space<vmem>>, %arg15: memref<2000x128xf32, #tpu.memory_space<vmem>>) attributes {dimension_semantics = [#tpu.dimension_semantics<arbitrary>], iteration_bounds = array<i64: 5>, scalar_prefetch = 0 : i64, scratch_operands = 0 : i64, tpu.core_type = #tpu.core_type<tc>, window_params = [{transform_indices = @transform_0, window_bounds = array<i64: 2000, 128>}, {transform_indices = @transform_1, window_bounds = array<i64: 1, 2000, 128>}, {transform_indices = @transform_2, window_bounds = array<i64: 1, 2000, 128>}, {pipeline_mode = #tpu.pipeline_mode<synchronous>, transform_indices = @transform_3, window_bounds = array<i64: 128, 128>}, {pipeline_mode = #tpu.pipeline_mode<synchronous>, transform_indices = @transform_4, window_bounds = array<i64: 128, 128>}, {pipeline_mode = #tpu.pipeline_mode<synchronous>, transform_indices = @transform_5, window_bounds = array<i64: 1, 128>}, {pipeline_mode = #tpu.pipeline_mode<synchronous>, transform_indices = @transform_6, window_bounds = array<i64: 128, 128>}, {pipeline_mode = #tpu.pipeline_mode<synchronous>, transform_indices = @transform_7, window_bounds = array<i64: 1, 128>}, {pipeline_mode = #tpu.pipeline_mode<synchronous>, transform_indices = @transform_8, window_bounds = array<i64: 1, 128>}, {pipeline_mode = #tpu.pipeline_mode<synchronous>, transform_indices = @transform_9, window_bounds = array<i64: 1, 128>}, {pipeline_mode = #tpu.pipeline_mode<synchronous>, transform_indices = @transform_10, window_bounds = array<i64: 128, 128>}, {pipeline_mode = #tpu.pipeline_mode<synchronous>, transform_indices = @transform_11, window_bounds = array<i64: 1, 128>}, {pipeline_mode = #tpu.pipeline_mode<synchronous>, transform_indices = @transform_12, window_bounds = array<i64: 128, 128>}, {pipeline_mode = #tpu.pipeline_mode<synchronous>, transform_indices = @transform_13, window_bounds = array<i64: 1, 128>}, {transform_indices = @transform_14, window_bounds = array<i64: 2000, 128>}]} {
    %get3A = arith.constant 0 : index
    %get3A_0 = arith.constant 0 : index
    %get3A_1 = vector.load %arg1[%get3A, %get3A_0] : memref<2000x128xf32, #tpu.memory_space<vmem>>, vector<2000x128xf32>
    %get3A_2 = arith.constant 0 : index
    %get3A_3 = arith.constant 0 : index
    %get3A_4 = arith.constant 0 : index
    %get3A_5 = vector.load %arg2[%get3A_2, %get3A_3, %get3A_4] : memref<1x2000x128xf32, #tpu.memory_space<vmem>>, vector<1x2000x128xf32>
    %get3A_6 = vector.shape_cast %get3A_5 : vector<1x2000x128xf32> to vector<2000x128xf32>
    %get3A_7 = arith.constant 0 : index
    %get3A_8 = arith.constant 0 : index
    %get3A_9 = arith.constant 0 : index
    %get3A_10 = vector.load %arg3[%get3A_7, %get3A_8, %get3A_9] : memref<1x2000x128xf32, #tpu.memory_space<vmem>>, vector<1x2000x128xf32>
    %get3A_11 = vector.shape_cast %get3A_10 : vector<1x2000x128xf32> to vector<2000x128xf32>
    %add3A = arith.addf %get3A_6, %get3A_11 : vector<2000x128xf32>
    %get3A_12 = arith.constant 0 : index
    %get3A_13 = arith.constant 0 : index
    %get3A_14 = vector.load %arg4[%get3A_12, %get3A_13] : memref<128x128xf32, #tpu.memory_space<vmem>>, vector<128x128xf32>
    %dot_general3A = arith.constant dense<0.000000e+00> : vector<2000x128xf32>
    %dot_general3A_15 = tpu.matmul %get3A_1, %get3A_14, %dot_general3A {dimension_numbers = #tpu.dot_dimension_numbers<[1], [0], [0], [1], [0, 0, 1, 1], [], []>, transpose_lhs_hint = false} : vector<2000x128xf32>, vector<128x128xf32>, vector<2000x128xf32> -> vector<2000x128xf32>
    %get3A_16 = arith.constant 0 : index
    %get3A_17 = arith.constant 0 : index
    %get3A_18 = vector.load %arg5[%get3A_16, %get3A_17] : memref<128x128xf32, #tpu.memory_space<vmem>>, vector<128x128xf32>
    %dot_general3A_19 = arith.constant dense<0.000000e+00> : vector<2000x128xf32>
    %dot_general3A_20 = tpu.matmul %add3A, %get3A_18, %dot_general3A_19 {dimension_numbers = #tpu.dot_dimension_numbers<[1], [0], [0], [1], [0, 0, 1, 1], [], []>, transpose_lhs_hint = false} : vector<2000x128xf32>, vector<128x128xf32>, vector<2000x128xf32> -> vector<2000x128xf32>
    %add3A_21 = arith.addf %dot_general3A_15, %dot_general3A_20 : vector<2000x128xf32>
    %get3A_22 = arith.constant 0 : index
    %get3A_23 = arith.constant 0 : index
    %get3A_24 = vector.load %arg6[%get3A_22, %get3A_23] : memref<1x128xf32, #tpu.memory_space<vmem>>, vector<1x128xf32>
    %add3A_25 = vector.broadcast %get3A_24 : vector<1x128xf32> to vector<2000x128xf32>
    %add3A_26 = arith.addf %add3A_21, %add3A_25 : vector<2000x128xf32>
    %logistic3A = arith.negf %add3A_26 : vector<2000x128xf32>
    %logistic3A_27 = math.exp %logistic3A : vector<2000x128xf32>
    %logistic3A_28 = arith.constant 1.000000e+00 : f32
    %logistic3A_29 = vector.broadcast %logistic3A_28 : f32 to vector<2000x128xf32>
    %logistic3A_30 = arith.addf %logistic3A_29, %logistic3A_27 : vector<2000x128xf32>
    %logistic3A_31 = arith.divf %logistic3A_29, %logistic3A_30 : vector<2000x128xf32>
    %mul3A = arith.mulf %add3A_26, %logistic3A_31 : vector<2000x128xf32>
    %get3A_32 = arith.constant 0 : index
    %get3A_33 = arith.constant 0 : index
    %get3A_34 = vector.load %arg7[%get3A_32, %get3A_33] : memref<128x128xf32, #tpu.memory_space<vmem>>, vector<128x128xf32>
    %dot_general3A_35 = arith.constant dense<0.000000e+00> : vector<2000x128xf32>
    %dot_general3A_36 = tpu.matmul %mul3A, %get3A_34, %dot_general3A_35 {dimension_numbers = #tpu.dot_dimension_numbers<[1], [0], [0], [1], [0, 0, 1, 1], [], []>, transpose_lhs_hint = false} : vector<2000x128xf32>, vector<128x128xf32>, vector<2000x128xf32> -> vector<2000x128xf32>
    %get3A_37 = arith.constant 0 : index
    %get3A_38 = arith.constant 0 : index
    %get3A_39 = vector.load %arg8[%get3A_37, %get3A_38] : memref<1x128xf32, #tpu.memory_space<vmem>>, vector<1x128xf32>
    %add3A_40 = vector.broadcast %get3A_39 : vector<1x128xf32> to vector<2000x128xf32>
    %add3A_41 = arith.addf %dot_general3A_36, %add3A_40 : vector<2000x128xf32>
    %get3A_42 = arith.constant 0 : index
    %get3A_43 = arith.constant 0 : index
    %get3A_44 = vector.load %arg9[%get3A_42, %get3A_43] : memref<1x128xf32, #tpu.memory_space<vmem>>, vector<1x128xf32>
    %get3A_45 = arith.constant 0 : index
    %get3A_46 = arith.constant 0 : index
    %get3A_47 = vector.load %arg10[%get3A_45, %get3A_46] : memref<1x128xf32, #tpu.memory_space<vmem>>, vector<1x128xf32>
    %reduce_sum3A = arith.constant dense<0.000000e+00> : vector<2000xf32>
    %reduce_sum3A_48 = vector.multi_reduction <add>, %add3A_41, %reduce_sum3A [1] : vector<2000x128xf32> to vector<2000xf32>
    %broadcast_in_dim3A = vector.shape_cast %reduce_sum3A_48 : vector<2000xf32> to vector<2000x1xf32>
    %div3A = arith.constant 1.280000e+02 : f32
    %div3A_49 = vector.broadcast %div3A : f32 to vector<2000x1xf32>
    %div3A_50 = arith.divf %broadcast_in_dim3A, %div3A_49 : vector<2000x1xf32>
    %sub3A = vector.broadcast %div3A_50 : vector<2000x1xf32> to vector<2000x128xf32>
    %sub3A_51 = arith.subf %add3A_41, %sub3A : vector<2000x128xf32>
    %integer_pow3A = arith.mulf %sub3A_51, %sub3A_51 : vector<2000x128xf32>
    %reduce_sum3A_52 = arith.constant dense<0.000000e+00> : vector<2000xf32>
    %reduce_sum3A_53 = vector.multi_reduction <add>, %integer_pow3A, %reduce_sum3A_52 [1] : vector<2000x128xf32> to vector<2000xf32>
    %broadcast_in_dim3A_54 = vector.shape_cast %reduce_sum3A_53 : vector<2000xf32> to vector<2000x1xf32>
    %div3A_55 = arith.constant 1.280000e+02 : f32
    %div3A_56 = vector.broadcast %div3A_55 : f32 to vector<2000x1xf32>
    %div3A_57 = arith.divf %broadcast_in_dim3A_54, %div3A_56 : vector<2000x1xf32>
    %sub3A_58 = vector.broadcast %div3A_50 : vector<2000x1xf32> to vector<2000x128xf32>
    %sub3A_59 = arith.subf %add3A_41, %sub3A_58 : vector<2000x128xf32>
    %add3A_60 = arith.constant 9.99999974E-6 : f32
    %add3A_61 = vector.broadcast %add3A_60 : f32 to vector<2000x1xf32>
    %add3A_62 = arith.addf %div3A_57, %add3A_61 : vector<2000x1xf32>
    %rsqrt3A = math.rsqrt %add3A_62 : vector<2000x1xf32>
    %mul3A_63 = vector.broadcast %rsqrt3A : vector<2000x1xf32> to vector<2000x128xf32>
    %mul3A_64 = arith.mulf %sub3A_59, %mul3A_63 : vector<2000x128xf32>
    %mul3A_65 = vector.broadcast %get3A_44 : vector<1x128xf32> to vector<2000x128xf32>
    %mul3A_66 = arith.mulf %mul3A_64, %mul3A_65 : vector<2000x128xf32>
    %add3A_67 = vector.broadcast %get3A_47 : vector<1x128xf32> to vector<2000x128xf32>
    %add3A_68 = arith.addf %mul3A_66, %add3A_67 : vector<2000x128xf32>
    %add3A_69 = arith.addf %add3A_68, %get3A_1 : vector<2000x128xf32>
    %get3A_70 = arith.constant 0 : index
    %get3A_71 = arith.constant 0 : index
    %get3A_72 = vector.load %arg11[%get3A_70, %get3A_71] : memref<128x128xf32, #tpu.memory_space<vmem>>, vector<128x128xf32>
    %dot_general3A_73 = arith.constant dense<0.000000e+00> : vector<2000x128xf32>
    %dot_general3A_74 = tpu.matmul %add3A_69, %get3A_72, %dot_general3A_73 {dimension_numbers = #tpu.dot_dimension_numbers<[1], [0], [0], [1], [0, 0, 1, 1], [], []>, transpose_lhs_hint = false} : vector<2000x128xf32>, vector<128x128xf32>, vector<2000x128xf32> -> vector<2000x128xf32>
    %get3A_75 = arith.constant 0 : index
    %get3A_76 = arith.constant 0 : index
    %get3A_77 = vector.load %arg12[%get3A_75, %get3A_76] : memref<1x128xf32, #tpu.memory_space<vmem>>, vector<1x128xf32>
    %add3A_78 = vector.broadcast %get3A_77 : vector<1x128xf32> to vector<2000x128xf32>
    %add3A_79 = arith.addf %dot_general3A_74, %add3A_78 : vector<2000x128xf32>
    %logistic3A_80 = arith.negf %add3A_79 : vector<2000x128xf32>
    %logistic3A_81 = math.exp %logistic3A_80 : vector<2000x128xf32>
    %logistic3A_82 = arith.constant 1.000000e+00 : f32
    %logistic3A_83 = vector.broadcast %logistic3A_82 : f32 to vector<2000x128xf32>
    %logistic3A_84 = arith.addf %logistic3A_83, %logistic3A_81 : vector<2000x128xf32>
    %logistic3A_85 = arith.divf %logistic3A_83, %logistic3A_84 : vector<2000x128xf32>
    %mul3A_86 = arith.mulf %add3A_79, %logistic3A_85 : vector<2000x128xf32>
    %get3A_87 = arith.constant 0 : index
    %get3A_88 = arith.constant 0 : index
    %get3A_89 = vector.load %arg13[%get3A_87, %get3A_88] : memref<128x128xf32, #tpu.memory_space<vmem>>, vector<128x128xf32>
    %dot_general3A_90 = arith.constant dense<0.000000e+00> : vector<2000x128xf32>
    %dot_general3A_91 = tpu.matmul %mul3A_86, %get3A_89, %dot_general3A_90 {dimension_numbers = #tpu.dot_dimension_numbers<[1], [0], [0], [1], [0, 0, 1, 1], [], []>, transpose_lhs_hint = false} : vector<2000x128xf32>, vector<128x128xf32>, vector<2000x128xf32> -> vector<2000x128xf32>
    %get3A_92 = arith.constant 0 : index
    %get3A_93 = arith.constant 0 : index
    %get3A_94 = vector.load %arg14[%get3A_92, %get3A_93] : memref<1x128xf32, #tpu.memory_space<vmem>>, vector<1x128xf32>
    %add3A_95 = vector.broadcast %get3A_94 : vector<1x128xf32> to vector<2000x128xf32>
    %add3A_96 = arith.addf %dot_general3A_91, %add3A_95 : vector<2000x128xf32>
    %swap3A = arith.constant 0 : index
    %swap3A_97 = arith.constant 0 : index
    %swap3A_98 = vector.load %arg15[%swap3A, %swap3A_97] : memref<2000x128xf32, #tpu.memory_space<vmem>>, vector<2000x128xf32>
    tpu.vector_store %arg15[%swap3A, %swap3A_97], %add3A_96 {strides = array<i32>} : memref<2000x128xf32, #tpu.memory_space<vmem>>, vector<2000x128xf32>,
    return
  }
  func.func @transform_0(%arg0: i32) -> (i32, i32) {
    %c0_i32 = arith.constant 0 : i32
    %c0_i32_0 = arith.constant 0 : i32
    return %arg0, %c0_i32 : i32, i32
  }
  func.func @transform_1(%arg0: i32) -> (i32, i32, i32) {
    %c0_i32 = arith.constant 0 : i32
    %c0_i32_0 = arith.constant 0 : i32
    %c0_i32_1 = arith.constant 0 : i32
    return %c0_i32, %arg0, %c0_i32_0 : i32, i32, i32
  }
  func.func @transform_2(%arg0: i32) -> (i32, i32, i32) {
    %c1_i32 = arith.constant 1 : i32
    %c0_i32 = arith.constant 0 : i32
    %c0_i32_0 = arith.constant 0 : i32
    return %c1_i32, %arg0, %c0_i32 : i32, i32, i32
  }
  func.func @transform_3(%arg0: i32) -> (i32, i32) {
    %c0_i32 = arith.constant 0 : i32
    %c0_i32_0 = arith.constant 0 : i32
    %c0_i32_1 = arith.constant 0 : i32
    return %c0_i32, %c0_i32_0 : i32, i32
  }
  func.func @transform_4(%arg0: i32) -> (i32, i32) {
    %c0_i32 = arith.constant 0 : i32
    %c0_i32_0 = arith.constant 0 : i32
    %c0_i32_1 = arith.constant 0 : i32
    return %c0_i32, %c0_i32_0 : i32, i32
  }
  func.func @transform_5(%arg0: i32) -> (i32, i32) {
    %c0_i32 = arith.constant 0 : i32
    %c0_i32_0 = arith.constant 0 : i32
    %c0_i32_1 = arith.constant 0 : i32
    return %c0_i32, %c0_i32_0 : i32, i32
  }
  func.func @transform_6(%arg0: i32) -> (i32, i32) {
    %c0_i32 = arith.constant 0 : i32
    %c0_i32_0 = arith.constant 0 : i32
    %c0_i32_1 = arith.constant 0 : i32
    return %c0_i32, %c0_i32_0 : i32, i32
  }
  func.func @transform_7(%arg0: i32) -> (i32, i32) {
    %c0_i32 = arith.constant 0 : i32
    %c0_i32_0 = arith.constant 0 : i32
    %c0_i32_1 = arith.constant 0 : i32
    return %c0_i32, %c0_i32_0 : i32, i32
  }
  func.func @transform_8(%arg0: i32) -> (i32, i32) {
    %c0_i32 = arith.constant 0 : i32
    %c0_i32_0 = arith.constant 0 : i32
    %c0_i32_1 = arith.constant 0 : i32
    return %c0_i32, %c0_i32_0 : i32, i32
  }
  func.func @transform_9(%arg0: i32) -> (i32, i32) {
    %c0_i32 = arith.constant 0 : i32
    %c0_i32_0 = arith.constant 0 : i32
    %c0_i32_1 = arith.constant 0 : i32
    return %c0_i32, %c0_i32_0 : i32, i32
  }
  func.func @transform_10(%arg0: i32) -> (i32, i32) {
    %c0_i32 = arith.constant 0 : i32
    %c0_i32_0 = arith.constant 0 : i32
    %c0_i32_1 = arith.constant 0 : i32
    return %c0_i32, %c0_i32_0 : i32, i32
  }
  func.func @transform_11(%arg0: i32) -> (i32, i32) {
    %c0_i32 = arith.constant 0 : i32
    %c0_i32_0 = arith.constant 0 : i32
    %c0_i32_1 = arith.constant 0 : i32
    return %c0_i32, %c0_i32_0 : i32, i32
  }
  func.func @transform_12(%arg0: i32) -> (i32, i32) {
    %c0_i32 = arith.constant 0 : i32
    %c0_i32_0 = arith.constant 0 : i32
    %c0_i32_1 = arith.constant 0 : i32
    return %c0_i32, %c0_i32_0 : i32, i32
  }
  func.func @transform_13(%arg0: i32) -> (i32, i32) {
    %c0_i32 = arith.constant 0 : i32
    %c0_i32_0 = arith.constant 0 : i32
    %c0_i32_1 = arith.constant 0 : i32
    return %c0_i32, %c0_i32_0 : i32, i32
  }
  func.func @transform_14(%arg0: i32) -> (i32, i32) {
    %c0_i32 = arith.constant 0 : i32
    %c0_i32_0 = arith.constant 0 : i32
    return %arg0, %c0_i32 : i32, i32
  }
}

</mosaic_0001>

<sc_bundles>
// kernel: gather_offload_async_start
scs
__scs_entry_jumppad:
0x0: {  	(pc) =	sbr.rel $0x88, $3  }
0x1: {  	(tag) =	ssettag $0x0;
	lr =	simm.s32 $0x1  }
0x2: {  	[smem:$0x3F82] =	sst lr;
	_ =	strace $0xD0000000  }
0x3: {  	_ = 	snop  }
0x4: {  	_ = 	snop  }
0x5: {  	_ = 	snop  }
0x6: {  	_ = 	snop  }
0x7: {  	_ = 	snop  }
__scs_overlays_trampoline_lowered:
0x8: {  	[smem:$0x3F91] =	sst s0  }
0x9: {  	[smem:$0x3F92] =	sst s1  }
0xa: {  	[smem:$0x3F93] =	sst s2  }
0xb: {  	[smem:$0x3F94] =	sst s3  }
0xc: {  	[smem:$0x3F95] =	sst s4  }
0xd: {  	[smem:$0x3F96] =	sst s5  }
0xe: {  	[smem:$0x3F97] =	sst s6  }
0xf: {  	[smem:$0x3F98] =	sst s7  }
0x10: {  	[smem:$0x3F99] =	sst s8  }
0x11: {  	[smem:$0x3F9A] =	sst s9;
	s0 =	simm.s32 @!p0 $0x0  }
0x12: {  	s1 =	sld [smem:$0x3F80];
	s0 =	simm.s32 @p0 $0x1  }
0x13: {  	[smem:$0x3F9B] =	sst s0;
	s0 =	simm.s32 @!p1 $0x0  }
0x14: {  	s2 =	sld [smem:$0x3F7F];
	s0 =	simm.s32 @p1 $0x1  }
0x15: {  	[smem:$0x3F9C] =	sst s0;
	s0 =	simm.s32 @!p2 $0x0  }
0x16: {  	s3 =	sld [smem:$0x3FDB];
	s0 =	simm.s32 @p2 $0x1  }
0x17: {  	s4 =	simm.s32 $0x1BF5;
	[smem:$0x3F9E] =	sst s0  }
0x18: {  	s0 =	sld [smem:$0x3F81];
	_ =	swait.ge [sflag:s4], $0x0  }
0x19: {  	s7 =	sld [smem:$0x3F82]  }
0x1a: {  	s8 =	sadd.s32 $0xFFFFE003, lr  }
0x1b: {  	s9 =	sadd.s32 $0xFFFFFEF7, lr;
	s5 =	simm.s32 $0xFFFFFFFF;
	p2 =	slt.u32 s8, $0xFFFFF086  }
0x1c: {  	p1 =	slt.u32 s9, $0xF7A;
	s5 =	simm.s32 @!p2 $0x0  }
0x1d: {  	s5 =	simm.s32 @p1 $0x1;
	p0 =	seq.s32 s7, s2  }
0x1e: {  	s7 =	smul.u32 @!p0 $0xF7A, s2;
	p2 =	seq.s32 @!p0 s5, $0x0  }
0x1f: {  	s9 =	smul.u32 $0xF7A, s1;
	s8 =	simm.s32 @!p0 $0x1BF5;
	p2 =	por !p2, p0  }
0x20: {  	[sflag:s8] =	ssyncset.s32 @!p0 $0xFFFFF086;
	s6 =	sadd.s32 @!p0 s3, s7;
	s7 =	simm.s32 @!p0 $0x108  }
0x21: {  	s3 =	sadd.s32 s3, s9;
	s6 =	sadd.s32 @!p0 $0x88, s6;
	s7 =	simm.s32 @p2 $0x1082  }
0x22: {  	[simem:s7], [sflag:s8] =	dma.local @!p0 [hbm:s6], $0xF7A  }
0x23: {  	s9 =	sor.u32 $0xD0000000, s2;
	s6 =	simm.s32 $0x108;
	_ =	swait.ge @!p0 [sflag:s8], $0x0  }
0x24: {  	s3 =	sadd.s32 $0x88, s3;
	s6 =	simm.s32 @!p1 $0x1082;
	[sflag:s4] =	ssyncset.s32 $0xFFFFF086  }
0x25: {  	[simem:s6], [sflag:s4] =	dma.local [hbm:s3], $0xF7A  }
0x26: {  	[smem:$0x3F82] =	sst s1;
	(tag) =	ssettag s2;
	_ =	strace s9  }
0x27: {  	s1 =	sld [smem:$0x3F92]  }
0x28: {  	s2 =	sld [smem:$0x3F93]  }
0x29: {  	s4 =	sld [smem:$0x3F95]  }
0x2a: {  	p0 =	seq.s32 s5, $0x0;
	s5 =	sld [smem:$0x3F96]  }
0x2b: {  	s6 =	sld [smem:$0x3F97]  }
0x2c: {  	s7 =	sld [smem:$0x3F98]  }
0x2d: {  	s3 =	simm.s32 $0x108;
	s8 =	sld [smem:$0x3F99]  }
0x2e: {  	s3 =	simm.s32 @!p0 $0x1082;
	s9 =	sld [smem:$0x3F9A]  }
0x2f: {  	lr =	sadd.s32 s0, s3;
	s0 =	sld [smem:$0x3F91]  }
0x30: {  	s3 =	sld [smem:$0x3F94]  }
0x31: {  	[smem:$0x3F9D] =	sst s10  }
0x32: {  	s10 =	sld [smem:$0x3F9B];
	_ =	sdelay $0x3  }
0x33: {  	p0 =	seq.s32 s10, $0x1;
	s10 =	sld [smem:$0x3F9D];
	_ =	sdelay $0x3  }
0x34: {  	[smem:$0x3F9D] =	sst s10  }
0x35: {  	s10 =	sld [smem:$0x3F9C];
	_ =	sdelay $0x3  }
0x36: {  	p1 =	seq.s32 s10, $0x1;
	s10 =	sld [smem:$0x3F9D];
	_ =	sdelay $0x3  }
0x37: {  	[smem:$0x3F9D] =	sst s10  }
0x38: {  	s10 =	sld [smem:$0x3F9E]  }
0x39: {  	_ = 	snop;
	(pc) =	sbr.ind lr, $3  }
0x3a: {  	_ = 	snop  }
0x3b: {  	_ = 	snop  }
0x3c: {  	p2 =	seq.s32 s10, $0x1;
	s10 =	sld [smem:$0x3F9D]  }
0x3d: {  	_ =	shalt  }
0x3e: {  	_ =	shalt  }
0x3f: {  	_ =	shalt  }
0x40: {  	_ =	shalt  }
0x41: {  	_ =	shalt  }
0x42: {  	_ =	shalt  }
0x43: {  	_ =	shalt  }
0x44: {  	_ =	shalt  }
0x45: {  	_ =	shalt  }
0x46: {  	_ =	shalt  }
0x47: {  	_ =	shalt  }
0x48: {  	_ =	shalt  }
0x49: {  	_ =	shalt  }
0x4a: {  	_ =	shalt  }
0x4b: {  	_ =	shalt  }
0x4c: {  	_ =	shalt  }
0x4d: {  	_ =	shalt  }
0x4e: {  	_ =	shalt  }
0x4f: {  	_ =	shalt  }
0x50: {  	_ =	shalt  }
0x51: {  	_ =	shalt  }
0x52: {  	_ =	shalt  }
0x53: {  	_ =	shalt  }
0x54: {  	_ =	shalt  }
0x55: {  	_ =	shalt  }
0x56: {  	_ =	shalt  }
0x57: {  	_ =	shalt  }
0x58: {  	_ =	shalt  }
0x59: {  	_ =	shalt  }
0x5a: {  	_ =	shalt  }
0x5b: {  	_ =	shalt  }
0x5c: {  	_ =	shalt  }
0x5d: {  	_ =	shalt  }
0x5e: {  	_ =	shalt  }
0x5f: {  	_ =	shalt  }
0x60: {  	_ =	shalt  }
0x61: {  	_ =	shalt  }
0x62: {  	_ =	shalt  }
0x63: {  	_ =	shalt  }
0x64: {  	_ =	shalt  }
0x65: {  	_ =	shalt  }
0x66: {  	_ =	shalt  }
0x67: {  	_ =	shalt  }
0x68: {  	_ =	shalt  }
0x69: {  	_ =	shalt  }
0x6a: {  	_ =	shalt  }
0x6b: {  	_ =	shalt  }
0x6c: {  	_ =	shalt  }
0x6d: {  	_ =	shalt  }
0x6e: {  	_ =	shalt  }
0x6f: {  	_ =	shalt  }
0x70: {  	_ =	shalt  }
0x71: {  	_ =	shalt  }
0x72: {  	_ =	shalt  }
0x73: {  	_ =	shalt  }
0x74: {  	_ =	shalt  }
0x75: {  	_ =	shalt  }
0x76: {  	_ =	shalt  }
0x77: {  	_ =	shalt  }
0x78: {  	_ =	shalt  }
0x79: {  	_ =	shalt  }
0x7a: {  	_ =	shalt  }
0x7b: {  	_ =	shalt  }
0x7c: {  	_ =	shalt  }
0x7d: {  	_ =	shalt  }
0x7e: {  	_ =	shalt  }
0x7f: {  	_ =	shalt  }
0x80: {  	_ =	shalt  }
0x81: {  	_ =	shalt  }
0x82: {  	_ =	shalt  }
0x83: {  	_ =	shalt  }
0x84: {  	_ =	shalt  }
0x85: {  	_ =	shalt  }
0x86: {  	_ =	shalt  }
0x87: {  	_ =	shalt  }
.Lfunc_end0:
.L_simem_size_0:
called_computation_lowered:
.L_overlay_start_0:
0x88: {  	s2 =	sld [smem:$0x3FD9]  }
0x89: {  	s3 =	sld [smem:$0x3FFE];
	_ =	sdelay $0x1  }
0x8a: {  	s1 =	srdreg.scid  }
0x8b: {  	s0 =	sand.u32 $0x1, s1  }
0x8c: {  	s17 =	sshll.u32 s0, $0xA;
	s2 =	sadd.s32 s3, s2  }
0x8d: {  	s2 =	sadd.s32 s2, s17  }
0x8e: {  	[smem:$0x3FA9] =	sst s2  }
0x8f: {  	_ = 	snop  }
0x90: {  	(tm) =	ssettm $0x1  }
0x91: {  	s18 =	sld [smem:$0x3FFB];
	_ =	sdelay $0x3  }
0x92: {  	_ =	strace s18  }
0x93: {  	s2 =	sld [smem:$0x3FFC];
	_ =	sdelay $0x3  }
0x94: {  	_ =	strace s2  }
0x95: {  	s2 =	sld [smem:$0x3FFD];
	_ =	sdelay $0x3  }
0x96: {  	_ =	strace s2  }
0x97: {  	_ =	strace $0x8FFFFFFF  }
0x98: {  	s19 =	sld [smem:$0x3FDB];
	_ =	sdelay $0x1  }
0x99: {  	s20 =	simm.s32 $_scs_section_size  }
0x9a: {  	s4 =	simm.s32 $_size__tile_overlayer_lowered;
	s5 =	simm.s32 $_tile_overlayer_lowered  }
0x9b: {  	s6 =	simm.s32 $0x1BFF;
	s21 =	sshll.u32 s5, $0x1;
	s3 =	sadd.s32 s20, s19  }
0x9c: {  	s22 =	simm.s32 $0x0;
	s4 =	sshll.u32 s4, $0x1;
	s5 =	sadd.s32 s21, s3  }
0x9d: {  	[timem:s22], [sflag:s6] =	dma.local [hbm:s5], s4  }
0x9e: {  	_ =	swait.ge [sflag:s6], s4  }
0x9f: {  	s4 =	ssub.s32 $0x0, s4;
	[sflag:s6] =	ssyncset.done $0x0  }
0xa0: {  	[sflag:s6] =	ssyncadd.s32 s4;
	_ =	sdelay $0x1  }
0xa1: {  	s23 =	simm.s32 $0x1B8B  }
0xa2: {  	_ =	swait.ge [sflag:s23], $0x1  }
0xa3: {  	[sflag:s23] =	ssyncset.done $0x0  }
0xa4: {  	[sflag:s23] =	ssyncadd.s32 $0xFFFFFFFF  }
0xa5: {  	s4 =	sld [smem:$0x0]  }
0xa6: {  	s5 =	sand.u32 $0xFFFFFFFE, s1  }
0xa7: {  	p0 =	sne.s32 s1, s5  }
0xa8: {  	s5 =	sshll.u32 @p0 s5, $0xE  }
0xa9: {  	s5 =	sadd.s32 @p0 $0x11B8D, s5;
	s6 =	sshll.u32 @p0 s4, $0x11  }
0xaa: {  	s5 =	sor.u32 @p0 s6, s5  }
0xab: {  	[sflag:s5] =	ssyncadd.remote.s32 @p0 $0x1;
	_ =	sdelay $0x1  }
0xac: {  	s5 =	simm.s32 @p0 $0x1B8D  }
0xad: {  	_ =	swait.eq @p0 [sflag:s5], $0x1  }
0xae: {  	[sflag:s5] =	ssyncadd.s32 @p0 $0xFFFFFFFF  }
0xaf: {  	s6 =	sshll.u32 @!p0 s1, $0xE  }
0xb0: {  	s6 =	sor.u32 @!p0 $0x4000, s6;
	s5 =	simm.s32 @!p0 $0x1B8D  }
0xb1: {  	s4 =	sshll.u32 @!p0 s4, $0x11;
	s6 =	sadd.s32 @!p0 $0x11B8D, s6;
	_ =	swait.eq @!p0 [sflag:s5], $0x1  }
0xb2: {  	s4 =	sor.u32 @!p0 s4, s6;
	[sflag:s5] =	ssyncadd.s32 @!p0 $0xFFFFFFFF  }
0xb3: {  	s25 =	simm.s32 $0x1B8E;
	s24 =	sld [smem:$0x3FFE];
	[sflag:s4] =	ssyncadd.remote.s32 @!p0 $0x1  }
0xb4: {  	s26 =	simm.s32 $execute0_lowered;
	[smem:$0x3FD2] =	sst s25  }
0xb5: {  	s5 =	sshll.u32 s26, $0x1;
	_ =	strace $0x80000049;
	[dreg:$0x1] =	wrdreg $0xFFFFFFFF  }
0xb6: {  	s28 =	simm.s32 $_size_execute0_lowered;
	s3 =	sadd.s32 s3, s5;
	[dreg:$0x0] =	wrdreg $0x0  }
0xb7: {  	s5 =	sshll.u32 s28, $0x1;
	[dreg:$0x2] =	wrdreg s3  }
0xb8: {  	[dreg:$0x3] =	wrdreg s5  }
0xb9: {  	[dreg:$0x4] =	wrdreg $0xC0  }
0xba: {  	_ =	task [dreg:s22], $0x5FFFF  }
0xbb: {  	[dreg:$0x1] =	wrdreg $0xFFFFFFFF  }
0xbc: {  	[dreg:$0x0] =	wrdreg $0x60  }
0xbd: {  	[dreg:$0x2] =	wrdreg s24  }
0xbe: {  	[dreg:$0x3] =	wrdreg $0x9  }
0xbf: {  	_ =	task.clear_ibuf [dreg:s22], $0x4FFFF;
	_ =	strace $0x90000049  }
0xc0: {  	s29 =	simm.s32 $0x9;
	_ =	strace $0x8000004B  }
0xc1: {  	_ =	swait.ge [sflag:s29], $0x1  }
0xc2: {  	[sflag:s29] =	ssyncadd.s32 $0xFFFFFFFF  }
0xc3: {  	_ =	strace $0x9000004B  }
0xc4: {  	_ =	sfence  }
0xc5: {  	s30 =	sld [smem:$0x0];
	_ =	sdelay $0x2  }
0xc6: {  	s31 =	sshll.u32 s1, $0xD;
	s1 =	sshrl.u32 s1, $0x2  }
0xc7: {  	s4 =	sand.u32 $0x4000, s31;
	s1 =	sadd.s32 s1, s30  }
0xc8: {  	s0 =	sor.u32 s4, s0;
	s1 =	sshll.u32 s1, $0x11  }
0xc9: {  	s0 =	sor.u32 s1, s0  }
0xca: {  	s0 =	sadd.s32 $0x8F2B, s0  }
0xcb: {  	[sflag:s0] =	ssyncadd.remote.s32 $0x1  }
0xcc: {  	_ =	sfence.sel $0xFFFF  }
0xcd: {  	[dreg:$0x0] =	wrdreg $0xFFFFFFFF;
	(pc) =	sbr.abs _section_cstart, $3  }
0xce: {  	[dreg:$0x1] =	wrdreg $0xFFFFFFFF  }
0xcf: {  	_ =	task.clear_ibuf [dreg:s22], $0x2FFFF;
	_ =	strace $0x9FFFFFFF  }
0xd0: {  	(tm) =	ssettm $0x7FFFFFFF  }
0xd1: {  	_ =	shalt  }
tec
execute0_lowered:
.L_overlay_start_1:
0x0: {  	(tag) =	ssettag $0x1  }
0x1: {  	s0 =	srdreg.scid  }
0x2: {  	s1 =	sshll.u32 s0, $0x4  }
0x3: {  	s0 =	stileid.u32;
	s1 =	sand.u32 $0x10, s1  }
0x4: {  	s1 =	sor.u32 s0, s1  }
0x5: {  	s9 =	rddreg [dreg:$0x0];
	s6 =	simm.s32 $0x1;
	s2 =	smin.u32 s1, $0x8  }
0x6: {  	p0 =	slt.u32 s1, $0x8;
	s2 =	sadd.s32 s1, s2;
	s1 =	simm.s32 $0x80  }
0x7: {  	s7 =	simm.s32 $0x2;
	s2 =	sshll.u32 s2, $0x6;
	s1 =	simm.s32 @!p0 $0x40  }
0x8: {  	s10 =	simm.s32 $0x3;
	s13 =	simm.s32 $0x0;
	s3 =	sadd.s32 s1, s2  }
0x9: {  	s12 =	simm.s32 $0x0;
	s4 =	sadd.s32 $0x4FBE00, s9;
	s3 =	smin.u32 s3, $0xA00  }
.Ltmp0:
0xa: {  	s5 =	sadd.s32 $0x505C00, s9;
	s8 =	ssub.s32 s3, s2;
	(pc) =	sbr.rel .LBB2_1-.Ltmp0, $4  }
0xb: {  	s1 =	rddreg [dreg:$0x1];
	_ =	strace $0x8000004A;
	p0 =	sgt.s32 s8, $0x0  }
0xc: {  	s9 =	sadd.s32 $0x505E00, s9;
	[sflag:s6] =	ssyncpa.u1 $0x0;
	s8 =	simm.s32 @!p0 $0x0  }
0xd: {  	s11 =	smov.u32 s2;
	[sflag:s7] =	ssyncpa.u1 $0x0;
	s8 =	sshrl.u32 s8, $0x6  }
0xe: {  	vm0 =	vmmov $0xff;
	vm1 =	vcmask $0x3F20;
	[sflag:s10] =	ssyncpa.u1 $0x0;
	p0 =	por $0x0, $0x0;
	s10 =	sadd.s32 $0x1, s8  }
.LBB2_6:
0xf: {  	[hbm:s17] =	stream.linear.scatter [tilespmem:s14], [sflag:$0x3], $0x400, $0x38;
	[tilespmem:$0x4080] =	vst v63  }
.LBB2_7:
0x10: {  	s13 =	sadd.s32 $0x40, s11  }
0x11: {  	s15 =	smov.u32 s2;
	p2 =	slt.s32 s13, s3  }
0x12: {  	s15 =	smov.u32 @p2 s13;
	p2 =	sne.s32 s12, s10  }
.Ltmp1:
0x13: {  	p1 =	slt.u32 s12, $0x2;
	(pc) =	sbr.rel @!p2 .LBB2_8-.Ltmp1, $4  }
0x14: {  	s14 =	simm.s32 @!p1 $0x3  }
0x15: {  	s16 =	sadd.s32 $0x1, s12;
	_ =	swait.ge @!p1 [sflag:s14], $0x2000  }
0x16: {  	p0 =	por !p0, !p0;
	s13 =	smov.u32 s11;
	[sflag:s14] =	ssyncset.done @!p1 $0x0  }
0x17: {  	s12 =	smov.u32 s16;
	s11 =	smov.u32 s15;
	[sflag:s14] =	ssyncadd.s32 @!p1 $0xFFFFE000  }
.LBB2_1:
0x18: {  	p1 =	sge.u32 s12, s8  }
0x19: {  	s14 =	sxor.u32 @!p1 $0xFFFFFFFF, s12  }
0x1a: {  	s31 =	sadd.s32 $0xFFFFFFFF, s12;
	s15 =	sshrl.u32 @!p1 s11, $0x3;
	s14 =	sshll.u32 @!p1 s14, $0x6  }
0x1b: {  	s16 =	sand.u32 @!p1 $0x7, s11;
	s15 =	sadd.s32 @!p1 s5, s15;
	s14 =	sand.u32 @!p1 $0x40, s14  }
0x1c: {  	[tilespmem:s14], [sflag:$0x2] =	stream.linear.gather @!p1 [hbm4b:s15+s16], $0x40, $0x38;
	[tilespmem:$0x4080] =	vst v63  }
0x1d: {  	p1 =	sge.u32 s31, s8  }
.Ltmp2:
0x1e: {  	_ = 	snop;
	(pc) =	sbr.rel @p1 .LBB2_7-.Ltmp2, $1  }
0x1f: {  	_ =	sdelay $0x3  }
0x20: {  	s14 =	simm.s32 $0x1  }
0x21: {  	_ =	swait.ge [sflag:s7], $0x40;
	s14 =	simm.s32 @!p0 $0x0  }
0x22: {  	[sflag:s7] =	ssyncset.done $0x0;
	s16 =	sshll.u32 s14, $0x6  }
0x23: {  	[sflag:s7] =	ssyncadd.s32 $0xFFFFFFC0;
	s15 =	sadd.s32 $0x0, s16  }
0x24: {  	v0 =	vld.msk [tilespmem:s15+$0x0 ss:$0x1], $0xffff;
	_ =	sdelay $0x4  }
0x25: {  	vm2 =	vgt.s32 v0, $0x0  }
0x26: {  	v0 =	vnsel vm2, $0x0, v0  }
0x27: {  	v0 =	vmin.u32 v0, $0x9CB  }
0x28: {  	v0 =	vshll.u32 v0, $0x4;
	_ =	sdelay $0x2  }
0x29: {  	s14 =	sshll.u32 s14, $0xD  }
0x2a: {  	s14 =	sor.u32 $0x80, s14  }
0x2b: {  	[tilespmem:s14], [sflag:$0x1] =	stream.indirect_vreg.gather [hbm:s4], $0x80, v0, vm0, $0x38;
	[tilespmem:$0x4080] =	vst v63  }
0x2c: {  	s17 =	sadd.s32 $0x10, s16;
	s15 =	sadd.s32 $0x400, s14  }
0x2d: {  	[tilespmem:s15], [sflag:$0x1] =	stream.indirect_vreg.gather [hbm:s4], $0x80, v0, vm1, $0x38;
	[tilespmem:$0x4080] =	vst v63  }
0x2e: {  	s18 =	simm.s32 $0x80;
	v0 =	vld.msk [tilespmem:s17+$0x0 ss:$0x1], $0xffff;
	s17 =	smov.u32 s14  }
.LBB2_3:
0x2f: {  	p1 =	sne.s32 s18, $0xC0;
	_ =	sdelay $0x4  }
0x30: {  	vm2 =	vgt.s32 v0, $0x0  }
0x31: {  	v0 =	vnsel vm2, $0x0, v0  }
0x32: {  	v0 =	vmin.u32 v0, $0x9CB  }
0x33: {  	v0 =	vshll.u32 v0, $0x4;
	_ =	sdelay $0x3  }
.Ltmp3:
0x34: {  	s19 =	sshra.s32 s18, $0x2;
	s17 =	sadd.s32 $0x800, s17;
	(pc) =	sbr.rel @p1 .LBB2_3-.Ltmp3, $4  }
0x35: {  	[tilespmem:s17], [sflag:$0x1] =	stream.indirect_vreg.gather [hbm:s4], $0x80, v0, vm0, $0x38;
	[tilespmem:$0x4080] =	vst v63  }
0x36: {  	s19 =	sadd.s32 s19, s16;
	s20 =	sadd.s32 $0x400, s17  }
0x37: {  	[tilespmem:s20], [sflag:$0x1] =	stream.indirect_vreg.gather [hbm:s4], $0x80, v0, vm1, $0x38;
	[tilespmem:$0x4080] =	vst v63  }
0x38: {  	s18 =	sadd.s32 $0x40, s18;
	v0 =	vld.msk [tilespmem:s19+$0x0 ss:$0x1], $0xffff  }
0x39: {  	_ =	sdelay $0x3  }
0x3a: {  	vm2 =	vgt.s32 v0, $0x0  }
0x3b: {  	v0 =	vnsel vm2, $0x0, v0  }
0x3c: {  	v0 =	vmin.u32 v0, $0x9CB  }
0x3d: {  	v0 =	vshll.u32 v0, $0x4;
	_ =	sdelay $0x3  }
0x3e: {  	s16 =	sadd.s32 $0x800, s17  }
0x3f: {  	[tilespmem:s16], [sflag:$0x1] =	stream.indirect_vreg.gather [hbm:s4], $0x80, v0, vm0, $0x38;
	[tilespmem:$0x4080] =	vst v63  }
0x40: {  	s16 =	sadd.s32 $0x400, s16  }
0x41: {  	[tilespmem:s16], [sflag:$0x1] =	stream.indirect_vreg.gather [hbm:s4], $0x80, v0, vm1, $0x38;
	[tilespmem:$0x4080] =	vst v63  }
0x42: {  	s13 =	sshll.u32 s13, $0x4;
	_ =	swait.ge [sflag:s6], $0x2000  }
0x43: {  	s13 =	sadd.s32 s13, s9;
	[sflag:s6] =	ssyncset.done $0x0  }
0x44: {  	s17 =	sadd.s32 $0x0, s13;
	s16 =	simm.s32 $0x80;
	[sflag:s6] =	ssyncadd.s32 $0xFFFFE000  }
.LBB2_5:
0x45: {  	[hbm:s17] =	stream.linear.scatter [tilespmem:s14], [sflag:$0x3], $0x400, $0x38;
	[tilespmem:$0x4080] =	vst v63  }
0x46: {  	s17 =	smov.u32 s16;
	s14 =	smov.u32 s15;
	p1 =	sne.s32 s16, $0x380  }
.Ltmp4:
0x47: {  	s16 =	sadd.s32 $0x80, s16;
	(pc) =	sbr.rel @p1 .LBB2_5-.Ltmp4, $2  }
0x48: {  	_ =	sdelay $0x2  }
0x49: {  	s15 =	sadd.s32 $0x400, s15;
	s17 =	sadd.s32 s17, s13  }
.Ltmp5:
0x4a: {  	_ = 	snop;
	(pc) =	sbr.rel .LBB2_6-.Ltmp5, $1  }
0x4b: {  	_ =	sdelay $0x3  }
.LBB2_8:
0x4c: {  	_ =	sfence.sel $0x180000  }
0x4d: {  	s2 =	simm.s32 $0x2;
	[bflag:$0x0] =	sbarrier.arrive $0xFFFF  }
0x4e: {  	s30 =	simm.s32 $0x3;
	[sflag:s2] =	ssyncpa.u1 $0x1  }
0x4f: {  	s31 =	simm.s32 $0x1;
	[sflag:s30] =	ssyncpa.u1 $0x1  }
0x50: {  	[sflag:s31] =	ssyncpa.u1 $0x1  }
0x51: {  	p0 =	sne.s32 s0, $0x0;
	_ =	strace $0x9000004A  }
0x52: {  	s0 =	sadd.s32 @!p0 $0x100000, s1;
	[bflag:$0x2] =	sbarrier.arrive $0xFFFF  }
0x53: {  	[sflag:s0] =	ssyncadd.tile.s32 @!p0 $0x1;
	_ =	shalt  }
.Lfunc_end2:
_tile_overlayer_lowered:
.L_overlay_start_2:
0x54: {  	(tag) =	ssettag $0x2  }
0x55: {  	s0 =	rddreg [dreg:$0x0];
	s2 =	stileid.u32  }
0x56: {  	s1 =	rddreg [dreg:$0x1];
	p0 =	sne.s32 s2, $0x0  }
0x57: {  	s3 =	rddreg [dreg:$0x2];
	[bflag:$0x3] =	sbarrier.arrive $0xFFFF;
	s2 =	simm.s32 @!p0 $0x1C01  }
0x58: {  	[timem:s3], [sflag:s2] =	dma.local @!p0 [hbm:s0], s1  }
0x59: {  	s0 =	simm.s32 @!p0 $0x1  }
0x5a: {  	_ =	swait.ge @!p0 [sflag:s0], s1  }
0x5b: {  	s1 =	ssub.s32 @!p0 $0x0, s1;
	[sflag:s0] =	ssyncset.done @!p0 $0x0  }
0x5c: {  	[sflag:s0] =	ssyncadd.s32 @!p0 s1  }
0x5d: {  	[bflag:$0x3] =	sbarrier.arrive $0xFFFF  }
0x5e: {  	_ =	shalt  }

// kernel: kernel.10.cloned.1.call-start
scs
__scs_entry_jumppad:
0x0: {  	(pc) =	sbr.rel $0x88, $3  }
0x1: {  	(tag) =	ssettag $0x0;
	lr =	simm.s32 $0x1  }
0x2: {  	[smem:$0x3F82] =	sst lr;
	_ =	strace $0xD0000000  }
0x3: {  	_ = 	snop  }
0x4: {  	_ = 	snop  }
0x5: {  	_ = 	snop  }
0x6: {  	_ = 	snop  }
0x7: {  	_ = 	snop  }
__scs_overlays_trampoline_lowered:
0x8: {  	[smem:$0x3F91] =	sst s0  }
0x9: {  	[smem:$0x3F92] =	sst s1  }
0xa: {  	[smem:$0x3F93] =	sst s2  }
0xb: {  	[smem:$0x3F94] =	sst s3  }
0xc: {  	[smem:$0x3F95] =	sst s4  }
0xd: {  	[smem:$0x3F96] =	sst s5  }
0xe: {  	[smem:$0x3F97] =	sst s6  }
0xf: {  	[smem:$0x3F98] =	sst s7  }
0x10: {  	[smem:$0x3F99] =	sst s8  }
0x11: {  	[smem:$0x3F9A] =	sst s9;
	s0 =	simm.s32 @!p0 $0x0  }
0x12: {  	s1 =	sld [smem:$0x3F80];
	s0 =	simm.s32 @p0 $0x1  }
0x13: {  	[smem:$0x3F9B] =	sst s0;
	s0 =	simm.s32 @!p1 $0x0  }
0x14: {  	s2 =	sld [smem:$0x3F7F];
	s0 =	simm.s32 @p1 $0x1  }
0x15: {  	[smem:$0x3F9C] =	sst s0;
	s0 =	simm.s32 @!p2 $0x0  }
0x16: {  	s3 =	sld [smem:$0x3FDB];
	s0 =	simm.s32 @p2 $0x1  }
0x17: {  	s4 =	simm.s32 $0x1BF5;
	[smem:$0x3F9E] =	sst s0  }
0x18: {  	s0 =	sld [smem:$0x3F81];
	_ =	swait.ge [sflag:s4], $0x0  }
0x19: {  	s7 =	sld [smem:$0x3F82]  }
0x1a: {  	s8 =	sadd.s32 $0xFFFFE003, lr  }
0x1b: {  	s9 =	sadd.s32 $0xFFFFFEF7, lr;
	s5 =	simm.s32 $0xFFFFFFFF;
	p2 =	slt.u32 s8, $0xFFFFF086  }
0x1c: {  	p1 =	slt.u32 s9, $0xF7A;
	s5 =	simm.s32 @!p2 $0x0  }
0x1d: {  	s5 =	simm.s32 @p1 $0x1;
	p0 =	seq.s32 s7, s2  }
0x1e: {  	s7 =	smul.u32 @!p0 $0xF7A, s2;
	p2 =	seq.s32 @!p0 s5, $0x0  }
0x1f: {  	s9 =	smul.u32 $0xF7A, s1;
	s8 =	simm.s32 @!p0 $0x1BF5;
	p2 =	por !p2, p0  }
0x20: {  	[sflag:s8] =	ssyncset.s32 @!p0 $0xFFFFF086;
	s6 =	sadd.s32 @!p0 s3, s7;
	s7 =	simm.s32 @!p0 $0x108  }
0x21: {  	s3 =	sadd.s32 s3, s9;
	s6 =	sadd.s32 @!p0 $0x88, s6;
	s7 =	simm.s32 @p2 $0x1082  }
0x22: {  	[simem:s7], [sflag:s8] =	dma.local @!p0 [hbm:s6], $0xF7A  }
0x23: {  	s9 =	sor.u32 $0xD0000000, s2;
	s6 =	simm.s32 $0x108;
	_ =	swait.ge @!p0 [sflag:s8], $0x0  }
0x24: {  	s3 =	sadd.s32 $0x88, s3;
	s6 =	simm.s32 @!p1 $0x1082;
	[sflag:s4] =	ssyncset.s32 $0xFFFFF086  }
0x25: {  	[simem:s6], [sflag:s4] =	dma.local [hbm:s3], $0xF7A  }
0x26: {  	[smem:$0x3F82] =	sst s1;
	(tag) =	ssettag s2;
	_ =	strace s9  }
0x27: {  	s1 =	sld [smem:$0x3F92]  }
0x28: {  	s2 =	sld [smem:$0x3F93]  }
0x29: {  	s4 =	sld [smem:$0x3F95]  }
0x2a: {  	p0 =	seq.s32 s5, $0x0;
	s5 =	sld [smem:$0x3F96]  }
0x2b: {  	s6 =	sld [smem:$0x3F97]  }
0x2c: {  	s7 =	sld [smem:$0x3F98]  }
0x2d: {  	s3 =	simm.s32 $0x108;
	s8 =	sld [smem:$0x3F99]  }
0x2e: {  	s3 =	simm.s32 @!p0 $0x1082;
	s9 =	sld [smem:$0x3F9A]  }
0x2f: {  	lr =	sadd.s32 s0, s3;
	s0 =	sld [smem:$0x3F91]  }
0x30: {  	s3 =	sld [smem:$0x3F94]  }
0x31: {  	[smem:$0x3F9D] =	sst s10  }
0x32: {  	s10 =	sld [smem:$0x3F9B];
	_ =	sdelay $0x3  }
0x33: {  	p0 =	seq.s32 s10, $0x1;
	s10 =	sld [smem:$0x3F9D];
	_ =	sdelay $0x3  }
0x34: {  	[smem:$0x3F9D] =	sst s10  }
0x35: {  	s10 =	sld [smem:$0x3F9C];
	_ =	sdelay $0x3  }
0x36: {  	p1 =	seq.s32 s10, $0x1;
	s10 =	sld [smem:$0x3F9D];
	_ =	sdelay $0x3  }
0x37: {  	[smem:$0x3F9D] =	sst s10  }
0x38: {  	s10 =	sld [smem:$0x3F9E]  }
0x39: {  	_ = 	snop;
	(pc) =	sbr.ind lr, $3  }
0x3a: {  	_ = 	snop  }
0x3b: {  	_ = 	snop  }
0x3c: {  	p2 =	seq.s32 s10, $0x1;
	s10 =	sld [smem:$0x3F9D]  }
0x3d: {  	_ =	shalt  }
0x3e: {  	_ =	shalt  }
0x3f: {  	_ =	shalt  }
0x40: {  	_ =	shalt  }
0x41: {  	_ =	shalt  }
0x42: {  	_ =	shalt  }
0x43: {  	_ =	shalt  }
0x44: {  	_ =	shalt  }
0x45: {  	_ =	shalt  }
0x46: {  	_ =	shalt  }
0x47: {  	_ =	shalt  }
0x48: {  	_ =	shalt  }
0x49: {  	_ =	shalt  }
0x4a: {  	_ =	shalt  }
0x4b: {  	_ =	shalt  }
0x4c: {  	_ =	shalt  }
0x4d: {  	_ =	shalt  }
0x4e: {  	_ =	shalt  }
0x4f: {  	_ =	shalt  }
0x50: {  	_ =	shalt  }
0x51: {  	_ =	shalt  }
0x52: {  	_ =	shalt  }
0x53: {  	_ =	shalt  }
0x54: {  	_ =	shalt  }
0x55: {  	_ =	shalt  }
0x56: {  	_ =	shalt  }
0x57: {  	_ =	shalt  }
0x58: {  	_ =	shalt  }
0x59: {  	_ =	shalt  }
0x5a: {  	_ =	shalt  }
0x5b: {  	_ =	shalt  }
0x5c: {  	_ =	shalt  }
0x5d: {  	_ =	shalt  }
0x5e: {  	_ =	shalt  }
0x5f: {  	_ =	shalt  }
0x60: {  	_ =	shalt  }
0x61: {  	_ =	shalt  }
0x62: {  	_ =	shalt  }
0x63: {  	_ =	shalt  }
0x64: {  	_ =	shalt  }
0x65: {  	_ =	shalt  }
0x66: {  	_ =	shalt  }
0x67: {  	_ =	shalt  }
0x68: {  	_ =	shalt  }
0x69: {  	_ =	shalt  }
0x6a: {  	_ =	shalt  }
0x6b: {  	_ =	shalt  }
0x6c: {  	_ =	shalt  }
0x6d: {  	_ =	shalt  }
0x6e: {  	_ =	shalt  }
0x6f: {  	_ =	shalt  }
0x70: {  	_ =	shalt  }
0x71: {  	_ =	shalt  }
0x72: {  	_ =	shalt  }
0x73: {  	_ =	shalt  }
0x74: {  	_ =	shalt  }
0x75: {  	_ =	shalt  }
0x76: {  	_ =	shalt  }
0x77: {  	_ =	shalt  }
0x78: {  	_ =	shalt  }
0x79: {  	_ =	shalt  }
0x7a: {  	_ =	shalt  }
0x7b: {  	_ =	shalt  }
0x7c: {  	_ =	shalt  }
0x7d: {  	_ =	shalt  }
0x7e: {  	_ =	shalt  }
0x7f: {  	_ =	shalt  }
0x80: {  	_ =	shalt  }
0x81: {  	_ =	shalt  }
0x82: {  	_ =	shalt  }
0x83: {  	_ =	shalt  }
0x84: {  	_ =	shalt  }
0x85: {  	_ =	shalt  }
0x86: {  	_ =	shalt  }
0x87: {  	_ =	shalt  }
.Lfunc_end0:
.L_simem_size_0:
called_computation.2_lowered:
.L_overlay_start_0:
0x88: {  	s2 =	sld [smem:$0x3FD9]  }
0x89: {  	s3 =	sld [smem:$0x3FFE];
	_ =	sdelay $0x1  }
0x8a: {  	s1 =	srdreg.scid  }
0x8b: {  	s0 =	sand.u32 $0x1, s1  }
0x8c: {  	s14 =	sshll.u32 s0, $0xA;
	s2 =	sadd.s32 s3, s2  }
0x8d: {  	s2 =	sadd.s32 s2, s14  }
0x8e: {  	[smem:$0x3FA9] =	sst s2  }
0x8f: {  	_ = 	snop  }
0x90: {  	s2 =	sld [smem:$0x3FD0];
	_ =	sdelay $0x2  }
0x91: {  	s15 =	simm.s32 $0xB;
	s4 =	simm.s32 $0x10  }
0x92: {  	[smem:s4], [sflag:s15] =	dma.local [hbm:s2], $0x1  }
0x93: {  	_ =	swait.eq [sflag:s15], $0x1  }
0x94: {  	[sflag:s15] =	ssyncset.done $0x0  }
0x95: {  	s16 =	sld [smem:$0x10];
	[sflag:s15] =	ssyncadd.s32 $0xFFFFFFFF  }
0x96: {  	s17 =	sld [smem:$0x11];
	(tm) =	ssettm $0x1  }
0x97: {  	s18 =	sld [smem:$0x3FFB];
	_ =	sdelay $0x3  }
0x98: {  	_ =	strace s18  }
0x99: {  	s4 =	sld [smem:$0x3FFC];
	_ =	sdelay $0x3  }
0x9a: {  	_ =	strace s4  }
0x9b: {  	s4 =	sld [smem:$0x3FFD];
	_ =	sdelay $0x3  }
0x9c: {  	_ =	strace s4  }
0x9d: {  	_ =	strace $0x8FFFFFFF  }
0x9e: {  	s19 =	sld [smem:$0x3FDB];
	_ =	sdelay $0x1  }
0x9f: {  	s5 =	simm.s32 $_scs_section_size  }
0xa0: {  	s6 =	simm.s32 $_size__tile_overlayer_lowered;
	s7 =	simm.s32 $_tile_overlayer_lowered  }
0xa1: {  	s22 =	simm.s32 $0x1BFF;
	s21 =	sshll.u32 s7, $0x1;
	s4 =	sadd.s32 s5, s19  }
0xa2: {  	s8 =	simm.s32 $0x0;
	s20 =	sshll.u32 s6, $0x1;
	s6 =	sadd.s32 s21, s4  }
0xa3: {  	[timem:s8], [sflag:s22] =	dma.local [hbm:s6], s20  }
0xa4: {  	_ =	swait.ge [sflag:s22], s20  }
0xa5: {  	s5 =	ssub.s32 $0x0, s20;
	[sflag:s22] =	ssyncset.done $0x0  }
0xa6: {  	[sflag:s22] =	ssyncadd.s32 s5;
	_ =	sdelay $0x1  }
0xa7: {  	s23 =	simm.s32 $0x1B8B  }
0xa8: {  	_ =	swait.ge [sflag:s23], $0x1  }
0xa9: {  	[sflag:s23] =	ssyncset.done $0x0  }
0xaa: {  	s25 =	simm.s32 $0x1B8E;
	s24 =	sld [smem:$0x3FFE];
	[sflag:s23] =	ssyncadd.s32 $0xFFFFFFFF  }
0xab: {  	s26 =	simm.s32 $execute0_lowered;
	[smem:$0x3FD2] =	sst s25  }
0xac: {  	s6 =	sshll.u32 s26, $0x1;
	_ =	strace $0x8000004C;
	[dreg:$0x1] =	wrdreg $0xFFFFFFFF  }
0xad: {  	s28 =	simm.s32 $_size_execute0_lowered;
	s4 =	sadd.s32 s4, s6;
	[dreg:$0x0] =	wrdreg $0x0  }
0xae: {  	s6 =	sshll.u32 s28, $0x1;
	[dreg:$0x2] =	wrdreg s4  }
0xaf: {  	[dreg:$0x3] =	wrdreg s6  }
0xb0: {  	[dreg:$0x4] =	wrdreg $0xC0  }
0xb1: {  	_ =	task [dreg:s8], $0x5FFFF  }
0xb2: {  	[dreg:$0x1] =	wrdreg $0xFFFFFFFF  }
0xb3: {  	[dreg:$0x0] =	wrdreg $0x60  }
0xb4: {  	[dreg:$0x2] =	wrdreg s24  }
0xb5: {  	[dreg:$0x3] =	wrdreg s16  }
0xb6: {  	[dreg:$0x4] =	wrdreg s17  }
0xb7: {  	[dreg:$0x5] =	wrdreg $0xA8000  }
0xb8: {  	[dreg:$0x6] =	wrdreg $0x9  }
0xb9: {  	_ =	task.clear_ibuf [dreg:s8], $0x7FFFF;
	_ =	strace $0x9000004C  }
0xba: {  	s29 =	simm.s32 $0x9;
	_ =	strace $0x8000004E  }
0xbb: {  	_ =	swait.ge [sflag:s29], $0x1  }
0xbc: {  	[sflag:s29] =	ssyncadd.s32 $0xFFFFFFFF  }
0xbd: {  	_ =	strace $0x9000004E  }
0xbe: {  	_ =	sfence  }
0xbf: {  	s30 =	sld [smem:$0x0];
	_ =	sdelay $0x2  }
0xc0: {  	s31 =	sshll.u32 s1, $0xD;
	s1 =	sshrl.u32 s1, $0x2  }
0xc1: {  	s3 =	sand.u32 $0x4000, s31;
	s1 =	sadd.s32 s1, s30  }
0xc2: {  	s0 =	sor.u32 s3, s0;
	s1 =	sshll.u32 s1, $0x11  }
0xc3: {  	s0 =	sor.u32 s1, s0  }
0xc4: {  	s0 =	sadd.s32 $0x8F2B, s0  }
0xc5: {  	[sflag:s0] =	ssyncadd.remote.s32 $0x1  }
0xc6: {  	_ =	sfence.sel $0xFFFF  }
0xc7: {  	[dreg:$0x0] =	wrdreg $0xFFFFFFFF;
	(pc) =	sbr.abs _section_cstart, $3  }
0xc8: {  	[dreg:$0x1] =	wrdreg $0xFFFFFFFF  }
0xc9: {  	_ =	task.clear_ibuf [dreg:s8], $0x2FFFF;
	_ =	strace $0x9FFFFFFF  }
0xca: {  	(tm) =	ssettm $0x7FFFFFFF  }
0xcb: {  	_ =	shalt  }
tec
execute0_lowered:
.L_overlay_start_1:
0x0: {  	(tag) =	ssettag $0x1  }
0x1: {  	s0 =	rddreg [dreg:$0x0]  }
0x2: {  	s1 =	rddreg [dreg:$0x1]  }
0x3: {  	s2 =	srdreg.scid;
	s26 =	stileid.u32  }
0x4: {  	s3 =	rddreg [dreg:$0x3];
	s28 =	simm.s32 $0x2;
	s9 =	smul.u32 $0x50000, s26  }
0x5: {  	s2 =	sand.u32 $0x1, s2;
	s4 =	sshll.u32 s26, $0x1;
	s11 =	smul.u32 $0x14000, s26  }
0x6: {  	s31 =	simm.s32 $0x0;
	s5 =	sor.u32 s2, s4;
	s19 =	smul.u32 $0x140000, s2  }
0x7: {  	s4 =	simm.s32 $0x0;
	s8 =	ssub.s32 $0x2, s2;
	s2 =	smul.u32 $0x4E, s2  }
0x8: {  	p0 =	sgt.u32 s26, $0x1;
	s6 =	smul.u32 $0x500, s5;
	[smem:$0x7FF] =	sst s4  }
0x9: {  	s7 =	smul.u32 $0x4E, s5;
	s10 =	sshrl.u32 s8, $0x1;
	s17 =	smin.u32 s5, $0x4  }
0xa: {  	s23 =	sshrl.u32 s9, $0x2;
	s14 =	sadd.s32 $0x4000, s11;
	s15 =	sadd.s32 $0x8000, s11  }
0xb: {  	s16 =	sadd.s32 $0xC000, s11;
	s20 =	sadd.s32 $0x10000, s11;
	_ =	strace $0x8000004D  }
0xc: {  	s18 =	ssub.s32 s8, s10;
	s8 =	sadd.s32 s15, s3;
	s9 =	sadd.s32 s16, s3  }
0xd: {  	s12 =	sadd.s32 s11, s19;
	s10 =	sadd.s32 s20, s3;
	s15 =	sadd.s32 s19, s15  }
0xe: {  	s16 =	sadd.s32 s19, s16;
	s6 =	sadd.s32 s6, s0;
	s0 =	sadd.s32 $0x6200, s0  }
0xf: {  	s22 =	sadd.s32 s17, s7;
	s7 =	sadd.s32 s14, s3;
	s13 =	sshrl.u32 s12, $0x3  }
0x10: {  	s14 =	sadd.s32 s19, s14;
	s15 =	sshrl.u32 s15, $0x3;
	s16 =	sshrl.u32 s16, $0x3  }
0x11: {  	s19 =	sadd.s32 s19, s20;
	s18 =	smax.u32 s18, $0x1;
	s24 =	sadd.s32 $0x505E00, s6  }
0x12: {  	s6 =	sadd.s32 s23, s3;
	s21 =	sshll.u32 s22, $0xB;
	s13 =	sadd.s32 s0, s13  }
0x13: {  	s14 =	sshrl.u32 s14, $0x3;
	s22 =	smul.u32 $0x9C, s26;
	s15 =	sadd.s32 s0, s15  }
0x14: {  	s16 =	sadd.s32 s0, s16;
	s19 =	sshrl.u32 s19, $0x3;
	s23 =	simm.s32 $0x2800  }
0x15: {  	s26 =	simm.s32 $0x80;
	[dreg:$0x5] =	wrdreg s24;
	s11 =	sadd.s32 s1, s21  }
0x16: {  	s14 =	sadd.s32 s0, s14;
	s25 =	sadd.s32 $0x26800, s21;
	s2 =	sadd.s32 s2, s22  }
0x17: {  	s24 =	simm.s32 $0x6800;
	s12 =	sadd.s32 $0x27000, s11;
	s2 =	sadd.s32 s17, s2  }
0x18: {  	s29 =	sand.u32 $0x1FFFF800, s25;
	s22 =	simm.s32 $0x3;
	s2 =	sshll.u32 s2, $0xB  }
0x19: {  	s25 =	simm.s32 $0x1;
	s17 =	sadd.s32 s0, s19;
	s30 =	sadd.s32 s2, s1  }
0x1a: {  	s19 =	sadd.s32 s1, s29;
	s20 =	sadd.s32 $0x1000, s30;
	s21 =	sadd.s32 $0x800, s30  }
.LBB2_1:
0x1b: {  	s0 =	rddreg [dreg:$0x5]  }
0x1c: {  	[tilespmem:s4], [sflag:$0x3] =	stream.linear.gather [hbm4b:s0+s4], $0x2800, $0x38;
	[tilespmem:$0x1E800] =	vst v63  }
0x1d: {  	_ =	swait.ge [sflag:s22], $0x2800  }
0x1e: {  	[sflag:s22] =	ssyncset.done $0x0  }
0x1f: {  	[sflag:s22] =	ssyncadd.s32 $0xFFFFD800  }
0x20: {  	s2 =	rddreg [dreg:$0x2]  }
0x21: {  	[tilespmem:s23], [sflag:$0x3] =	stream.linear.gather [hbm4b:s2+s4], $0x4000, $0x38;
	[tilespmem:$0x1E800] =	vst v63  }
0x22: {  	_ =	swait.ge [sflag:s22], $0x4000  }
0x23: {  	[sflag:s22] =	ssyncset.done $0x0  }
0x24: {  	[sflag:s22] =	ssyncadd.s32 $0xFFFFC000  }
0x25: {  	[spmem:s6] =	stream.linear.scatter [tilespmem:s23], [sflag:$0x3], $0x4000, $0x38;
	[tilespmem:$0x1E800] =	vst v63  }
0x26: {  	_ =	swait.ge [sflag:s22], $0x4000  }
0x27: {  	[sflag:s22] =	ssyncset.done $0x0  }
0x28: {  	[sflag:s22] =	ssyncadd.s32 $0xFFFFC000  }
0x29: {  	[spmem:s7] =	stream.linear.scatter [tilespmem:s23], [sflag:$0x3], $0x4000, $0x38;
	[tilespmem:$0x1E800] =	vst v63  }
0x2a: {  	_ =	swait.ge [sflag:s22], $0x4000  }
0x2b: {  	[sflag:s22] =	ssyncset.done $0x0  }
0x2c: {  	[sflag:s22] =	ssyncadd.s32 $0xFFFFC000  }
0x2d: {  	[spmem:s8] =	stream.linear.scatter [tilespmem:s23], [sflag:$0x3], $0x4000, $0x38;
	[tilespmem:$0x1E800] =	vst v63  }
0x2e: {  	_ =	swait.ge [sflag:s22], $0x4000  }
0x2f: {  	[sflag:s22] =	ssyncset.done $0x0  }
0x30: {  	[sflag:s22] =	ssyncadd.s32 $0xFFFFC000  }
0x31: {  	[spmem:s9] =	stream.linear.scatter [tilespmem:s23], [sflag:$0x3], $0x4000, $0x38;
	[tilespmem:$0x1E800] =	vst v63  }
0x32: {  	_ =	swait.ge [sflag:s22], $0x4000  }
0x33: {  	[sflag:s22] =	ssyncset.done $0x0  }
0x34: {  	[sflag:s22] =	ssyncadd.s32 $0xFFFFC000  }
0x35: {  	[spmem:s10] =	stream.linear.scatter [tilespmem:s23], [sflag:$0x3], $0x4000, $0x38;
	[tilespmem:$0x1E800] =	vst v63  }
0x36: {  	_ =	swait.ge [sflag:s22], $0x4000  }
0x37: {  	[sflag:s22] =	ssyncset.done $0x0  }
0x38: {  	[sflag:s22] =	ssyncadd.s32 $0xFFFFC000  }
0x39: {  	[bflag:$0x0] =	sbarrier.arrive $0xFFFF  }
0x3a: {  	[tilespmem:s23], [sflag:$0x1] =	stream.linear.gather [hbm4b:s11+s4], $0x4000, $0x38;
	[tilespmem:$0x1E800] =	vst v63  }
0x3b: {  	s5 =	sadd.s32 $0x0, s21  }
0x3c: {  	[tilespmem:s24], [sflag:$0x2] =	stream.linear.gather [hbm4b:s5+s4], $0x4000, $0x38;
	[tilespmem:$0x1E800] =	vst v63  }
0x3d: {  	_ =	swait.ge [sflag:s25], $0x4000  }
0x3e: {  	[sflag:s25] =	ssyncset.done $0x0  }
0x3f: {  	[sflag:s25] =	ssyncadd.s32 $0xFFFFC000  }
0x40: {  	[spmem:s3] =	stream.indirect.scatter.add.f32 [tilespmem:s23], [sflag:$0x3], $0x80, s4, s26, $0xb8;
	[tilespmem:$0x1E800] =	vst v63  }
0x41: {  	_ =	swait.ge [sflag:s22], $0x4000  }
0x42: {  	[sflag:s22] =	ssyncset.done $0x0  }
0x43: {  	s29 =	sadd.s32 $0x0, s20;
	[sflag:s22] =	ssyncadd.s32 $0xFFFFC000  }
0x44: {  	[tilespmem:s23], [sflag:$0x1] =	stream.linear.gather [hbm4b:s29+s4], $0x4000, $0x38;
	[tilespmem:$0x1E800] =	vst v63  }
0x45: {  	_ =	swait.ge [sflag:s28], $0x4000  }
0x46: {  	[sflag:s28] =	ssyncset.done $0x0  }
0x47: {  	s30 =	simm.s32 $0x80;
	[sflag:s28] =	ssyncadd.s32 $0xFFFFC000  }
0x48: {  	[spmem:s3] =	stream.indirect.scatter.add.f32 [tilespmem:s24], [sflag:$0x3], $0x80, s30, s26, $0xb8;
	[tilespmem:$0x1E800] =	vst v63  }
0x49: {  	s1 =	simm.s32 $0x100;
	_ =	swait.ge [sflag:s22], $0x4000  }
0x4a: {  	s0 =	simm.s32 $0x1000;
	s2 =	simm.s32 $0x2000;
	[sflag:s22] =	ssyncset.done $0x0  }
.LBB2_2:
0x4b: {  	s29 =	sadd.s32 s0, s21  }
0x4c: {  	[sflag:s22] =	ssyncadd.s32 $0xFFFFC000;
	s30 =	smov.u32 s2;
	s5 =	sadd.s32 $0x1000, s2  }
0x4d: {  	[tilespmem:s24], [sflag:$0x2] =	stream.linear.gather [hbm4b:s29+s4], $0x4000, $0x38;
	[tilespmem:$0x1E800] =	vst v63  }
0x4e: {  	p1 =	sne.s32 s2, $0x25000;
	_ =	swait.ge [sflag:s25], $0x4000  }
0x4f: {  	[sflag:s25] =	ssyncset.done $0x0  }
0x50: {  	[sflag:s25] =	ssyncadd.s32 $0xFFFFC000  }
0x51: {  	[spmem:s3] =	stream.indirect.scatter.add.f32 [tilespmem:s23], [sflag:$0x3], $0x80, s1, s26, $0xb8;
	[tilespmem:$0x1E800] =	vst v63  }
0x52: {  	_ =	swait.ge [sflag:s22], $0x4000  }
0x53: {  	[sflag:s22] =	ssyncset.done $0x0  }
0x54: {  	s2 =	sadd.s32 s0, s20;
	s0 =	smov.u32 s30;
	[sflag:s22] =	ssyncadd.s32 $0xFFFFC000  }
0x55: {  	[tilespmem:s23], [sflag:$0x1] =	stream.linear.gather [hbm4b:s2+s4], $0x4000, $0x38;
	[tilespmem:$0x1E800] =	vst v63  }
0x56: {  	_ =	swait.ge [sflag:s28], $0x4000  }
.Ltmp0:
0x57: {  	[sflag:s28] =	ssyncset.done $0x0;
	(pc) =	sbr.rel @p1 .LBB2_2-.Ltmp0, $4  }
0x58: {  	s2 =	sadd.s32 $0x80, s1;
	[sflag:s28] =	ssyncadd.s32 $0xFFFFC000  }
0x59: {  	[spmem:s3] =	stream.indirect.scatter.add.f32 [tilespmem:s24], [sflag:$0x3], $0x80, s2, s26, $0xb8;
	[tilespmem:$0x1E800] =	vst v63  }
0x5a: {  	_ =	swait.ge [sflag:s22], $0x4000  }
0x5b: {  	s1 =	sadd.s32 $0x100, s1;
	s2 =	smov.u32 s5;
	[sflag:s22] =	ssyncset.done $0x0  }
0x5c: {  	s2 =	sadd.s32 s0, s21;
	[sflag:s22] =	ssyncadd.s32 $0xFFFFC000  }
0x5d: {  	[tilespmem:s24], [sflag:$0x2] =	stream.linear.gather [hbm4b:s2+s4], $0x4000, $0x38;
	[tilespmem:$0x1E800] =	vst v63  }
0x5e: {  	_ =	swait.ge [sflag:s25], $0x4000  }
0x5f: {  	[sflag:s25] =	ssyncset.done $0x0  }
0x60: {  	[sflag:s25] =	ssyncadd.s32 $0xFFFFC000  }
0x61: {  	[spmem:s3] =	stream.indirect.scatter.add.f32 [tilespmem:s23], [sflag:$0x3], $0x80, s1, s26, $0xb8;
	[tilespmem:$0x1E800] =	vst v63  }
0x62: {  	_ =	swait.ge [sflag:s22], $0x4000  }
0x63: {  	[sflag:s22] =	ssyncset.done $0x0  }
0x64: {  	s2 =	sadd.s32 s0, s20;
	[sflag:s22] =	ssyncadd.s32 $0xFFFFC000  }
0x65: {  	[tilespmem:s23], [sflag:$0x1] =	stream.linear.gather [hbm4b:s2+s4], $0x4000, $0x38;
	[tilespmem:$0x1E800] =	vst v63  }
0x66: {  	_ =	swait.ge [sflag:s28], $0x4000  }
0x67: {  	[sflag:s28] =	ssyncset.done $0x0  }
0x68: {  	s5 =	sadd.s32 $0x80, s1;
	[sflag:s28] =	ssyncadd.s32 $0xFFFFC000  }
0x69: {  	[spmem:s3] =	stream.indirect.scatter.add.f32 [tilespmem:s24], [sflag:$0x3], $0x80, s5, s26, $0xb8;
	[tilespmem:$0x1E800] =	vst v63  }
0x6a: {  	_ =	swait.ge [sflag:s22], $0x4000  }
0x6b: {  	[sflag:s22] =	ssyncset.done $0x0  }
0x6c: {  	[sflag:s22] =	ssyncadd.s32 $0xFFFFC000  }
0x6d: {  	[tilespmem:s24], [sflag:$0x2] =	stream.linear.gather [hbm4b:s19+s4], $0x4000, $0x38;
	[tilespmem:$0x1E800] =	vst v63  }
0x6e: {  	_ =	swait.ge [sflag:s25], $0x4000  }
0x6f: {  	[sflag:s25] =	ssyncset.done $0x0  }
0x70: {  	s29 =	simm.s32 $0x2600;
	[sflag:s25] =	ssyncadd.s32 $0xFFFFC000  }
0x71: {  	[spmem:s3] =	stream.indirect.scatter.add.f32 [tilespmem:s23], [sflag:$0x3], $0x80, s29, s26, $0xb8;
	[tilespmem:$0x1E800] =	vst v63  }
0x72: {  	_ =	swait.ge [sflag:s22], $0x4000  }
0x73: {  	[sflag:s22] =	ssyncset.done $0x0  }
0x74: {  	[sflag:s22] =	ssyncadd.s32 $0xFFFFC000  }
0x75: {  	_ =	swait.ge [sflag:s28], $0x4000  }
0x76: {  	[sflag:s28] =	ssyncset.done $0x0  }
0x77: {  	s30 =	simm.s32 $0x2680;
	[sflag:s28] =	ssyncadd.s32 $0xFFFFC000  }
0x78: {  	[spmem:s3] =	stream.indirect.scatter.add.f32 [tilespmem:s24], [sflag:$0x3], $0x80, s30, s26, $0xb8;
	[tilespmem:$0x1E800] =	vst v63  }
0x79: {  	_ =	swait.ge [sflag:s22], $0x4000  }
0x7a: {  	[sflag:s22] =	ssyncset.done $0x0  }
0x7b: {  	s0 =	simm.s32 @!p0 $0x0;
	s1 =	simm.s32 @!p0 $0x2800;
	[sflag:s22] =	ssyncadd.s32 $0xFFFFC000  }
0x7c: {  	[tilespmem:s1], [sflag:$0x3] =	stream.linear.gather @!p0 [hbm4b:s12+s0], $0x4000, $0x38;
	[tilespmem:$0x1E800] =	vst v63  }
0x7d: {  	s0 =	simm.s32 @!p0 $0x3  }
0x7e: {  	_ =	swait.ge @!p0 [sflag:s0], $0x4000  }
0x7f: {  	[sflag:s0] =	ssyncset.done @!p0 $0x0  }
0x80: {  	s2 =	simm.s32 @!p0 $0x80;
	s5 =	simm.s32 @!p0 $0x2700;
	[sflag:s0] =	ssyncadd.s32 @!p0 $0xFFFFC000  }
0x81: {  	[spmem:s3] =	stream.indirect.scatter.add.f32 @!p0 [tilespmem:s1], [sflag:$0x3], $0x80, s5, s2, $0xb8;
	[tilespmem:$0x1E800] =	vst v63  }
0x82: {  	_ =	swait.ge @!p0 [sflag:s0], $0x4000  }
0x83: {  	[sflag:s0] =	ssyncset.done @!p0 $0x0  }
0x84: {  	[sflag:s0] =	ssyncadd.s32 @!p0 $0xFFFFC000  }
0x85: {  	[bflag:$0x0] =	sbarrier.arrive $0xFFFF  }
0x86: {  	[tilespmem:s23], [sflag:$0x3] =	stream.linear.gather [spmem:s6], $0x4000, $0x38;
	[tilespmem:$0x1E800] =	vst v63  }
0x87: {  	_ =	swait.ge [sflag:s22], $0x4000  }
0x88: {  	[sflag:s22] =	ssyncset.done $0x0  }
0x89: {  	[sflag:s22] =	ssyncadd.s32 $0xFFFFC000  }
0x8a: {  	[hbm4b:s13+s4] =	stream.linear.scatter [tilespmem:s23], [sflag:$0x3], $0x4000, $0x38;
	[tilespmem:$0x1E800] =	vst v63  }
0x8b: {  	_ =	swait.ge [sflag:s22], $0x4000  }
0x8c: {  	[sflag:s22] =	ssyncset.done $0x0  }
0x8d: {  	[sflag:s22] =	ssyncadd.s32 $0xFFFFC000  }
0x8e: {  	[tilespmem:s23], [sflag:$0x3] =	stream.linear.gather [spmem:s7], $0x4000, $0x38;
	[tilespmem:$0x1E800] =	vst v63  }
0x8f: {  	_ =	swait.ge [sflag:s22], $0x4000  }
0x90: {  	[sflag:s22] =	ssyncset.done $0x0  }
0x91: {  	[sflag:s22] =	ssyncadd.s32 $0xFFFFC000  }
0x92: {  	[hbm4b:s14+s4] =	stream.linear.scatter [tilespmem:s23], [sflag:$0x3], $0x4000, $0x38;
	[tilespmem:$0x1E800] =	vst v63  }
0x93: {  	_ =	swait.ge [sflag:s22], $0x4000  }
0x94: {  	[sflag:s22] =	ssyncset.done $0x0  }
0x95: {  	[sflag:s22] =	ssyncadd.s32 $0xFFFFC000  }
0x96: {  	[tilespmem:s23], [sflag:$0x3] =	stream.linear.gather [spmem:s8], $0x4000, $0x38;
	[tilespmem:$0x1E800] =	vst v63  }
0x97: {  	_ =	swait.ge [sflag:s22], $0x4000  }
0x98: {  	[sflag:s22] =	ssyncset.done $0x0  }
0x99: {  	[sflag:s22] =	ssyncadd.s32 $0xFFFFC000  }
0x9a: {  	[hbm4b:s15+s4] =	stream.linear.scatter [tilespmem:s23], [sflag:$0x3], $0x4000, $0x38;
	[tilespmem:$0x1E800] =	vst v63  }
0x9b: {  	_ =	swait.ge [sflag:s22], $0x4000  }
0x9c: {  	[sflag:s22] =	ssyncset.done $0x0  }
0x9d: {  	[sflag:s22] =	ssyncadd.s32 $0xFFFFC000  }
0x9e: {  	[tilespmem:s23], [sflag:$0x3] =	stream.linear.gather [spmem:s9], $0x4000, $0x38;
	[tilespmem:$0x1E800] =	vst v63  }
0x9f: {  	_ =	swait.ge [sflag:s22], $0x4000  }
0xa0: {  	[sflag:s22] =	ssyncset.done $0x0  }
0xa1: {  	[sflag:s22] =	ssyncadd.s32 $0xFFFFC000  }
0xa2: {  	[hbm4b:s16+s4] =	stream.linear.scatter [tilespmem:s23], [sflag:$0x3], $0x4000, $0x38;
	[tilespmem:$0x1E800] =	vst v63  }
0xa3: {  	_ =	swait.ge [sflag:s22], $0x4000  }
0xa4: {  	[sflag:s22] =	ssyncset.done $0x0  }
0xa5: {  	[sflag:s22] =	ssyncadd.s32 $0xFFFFC000  }
0xa6: {  	[tilespmem:s23], [sflag:$0x3] =	stream.linear.gather [spmem:s10], $0x4000, $0x38;
	[tilespmem:$0x1E800] =	vst v63  }
0xa7: {  	s31 =	sadd.s32 $0x1, s31;
	_ =	swait.ge [sflag:s22], $0x4000  }
0xa8: {  	p1 =	sne.s32 s31, s18;
	[sflag:s22] =	ssyncset.done $0x0  }
.Ltmp1:
0xa9: {  	[sflag:s22] =	ssyncadd.s32 $0xFFFFC000;
	(pc) =	sbr.rel @p1 .LBB2_1-.Ltmp1, $4  }
0xaa: {  	[hbm4b:s17+s4] =	stream.linear.scatter [tilespmem:s23], [sflag:$0x3], $0x4000, $0x38;
	[tilespmem:$0x1E800] =	vst v63  }
0xab: {  	_ =	swait.ge [sflag:s22], $0x4000  }
0xac: {  	[sflag:s22] =	ssyncset.done $0x0  }
0xad: {  	[sflag:s22] =	ssyncadd.s32 $0xFFFFC000  }
0xae: {  	_ =	sfence.sel $0x180000  }
0xaf: {  	[bflag:$0x0] =	sbarrier.arrive $0xFFFF  }
0xb0: {  	_ =	strace $0x9000004D  }
0xb1: {  	s0 =	stileid.u32;
	[bflag:$0x2] =	sbarrier.arrive $0xFFFF  }
0xb2: {  	p0 =	sne.s32 s0, $0x0;
	s0 =	rddreg [dreg:$0x4]  }
0xb3: {  	s0 =	sadd.s32 @!p0 $0x100000, s0  }
0xb4: {  	[sflag:s0] =	ssyncadd.tile.s32 @!p0 $0x1;
	_ =	shalt  }
.Lfunc_end2:
_tile_overlayer_lowered:
.L_overlay_start_2:
0xb5: {  	(tag) =	ssettag $0x2  }
0xb6: {  	s0 =	rddreg [dreg:$0x0];
	s2 =	stileid.u32  }
0xb7: {  	s1 =	rddreg [dreg:$0x1];
	p0 =	sne.s32 s2, $0x0  }
0xb8: {  	s3 =	rddreg [dreg:$0x2];
	[bflag:$0x3] =	sbarrier.arrive $0xFFFF;
	s2 =	simm.s32 @!p0 $0x1C03  }
0xb9: {  	[timem:s3], [sflag:s2] =	dma.local @!p0 [hbm:s0], s1  }
0xba: {  	s0 =	simm.s32 @!p0 $0x3  }
0xbb: {  	_ =	swait.ge @!p0 [sflag:s0], s1  }
0xbc: {  	s1 =	ssub.s32 @!p0 $0x0, s1;
	[sflag:s0] =	ssyncset.done @!p0 $0x0  }
0xbd: {  	[sflag:s0] =	ssyncadd.s32 @!p0 s1  }
0xbe: {  	[bflag:$0x3] =	sbarrier.arrive $0xFFFF  }
0xbf: {  	_ =	shalt  }

// kernel: kernel.7.cloned.1.call-start
scs
__scs_entry_jumppad:
0x0: {  	(pc) =	sbr.rel $0x88, $3  }
0x1: {  	(tag) =	ssettag $0x0;
	lr =	simm.s32 $0x1  }
0x2: {  	[smem:$0x3F82] =	sst lr;
	_ =	strace $0xD0000000  }
0x3: {  	_ = 	snop  }
0x4: {  	_ = 	snop  }
0x5: {  	_ = 	snop  }
0x6: {  	_ = 	snop  }
0x7: {  	_ = 	snop  }
__scs_overlays_trampoline_lowered:
0x8: {  	[smem:$0x3F91] =	sst s0  }
0x9: {  	[smem:$0x3F92] =	sst s1  }
0xa: {  	[smem:$0x3F93] =	sst s2  }
0xb: {  	[smem:$0x3F94] =	sst s3  }
0xc: {  	[smem:$0x3F95] =	sst s4  }
0xd: {  	[smem:$0x3F96] =	sst s5  }
0xe: {  	[smem:$0x3F97] =	sst s6  }
0xf: {  	[smem:$0x3F98] =	sst s7  }
0x10: {  	[smem:$0x3F99] =	sst s8  }
0x11: {  	[smem:$0x3F9A] =	sst s9;
	s0 =	simm.s32 @!p0 $0x0  }
0x12: {  	s1 =	sld [smem:$0x3F80];
	s0 =	simm.s32 @p0 $0x1  }
0x13: {  	[smem:$0x3F9B] =	sst s0;
	s0 =	simm.s32 @!p1 $0x0  }
0x14: {  	s2 =	sld [smem:$0x3F7F];
	s0 =	simm.s32 @p1 $0x1  }
0x15: {  	[smem:$0x3F9C] =	sst s0;
	s0 =	simm.s32 @!p2 $0x0  }
0x16: {  	s3 =	sld [smem:$0x3FDB];
	s0 =	simm.s32 @p2 $0x1  }
0x17: {  	s4 =	simm.s32 $0x1BF5;
	[smem:$0x3F9E] =	sst s0  }
0x18: {  	s0 =	sld [smem:$0x3F81];
	_ =	swait.ge [sflag:s4], $0x0  }
0x19: {  	s7 =	sld [smem:$0x3F82]  }
0x1a: {  	s8 =	sadd.s32 $0xFFFFE003, lr  }
0x1b: {  	s9 =	sadd.s32 $0xFFFFFEF7, lr;
	s5 =	simm.s32 $0xFFFFFFFF;
	p2 =	slt.u32 s8, $0xFFFFF086  }
0x1c: {  	p1 =	slt.u32 s9, $0xF7A;
	s5 =	simm.s32 @!p2 $0x0  }
0x1d: {  	s5 =	simm.s32 @p1 $0x1;
	p0 =	seq.s32 s7, s2  }
0x1e: {  	s7 =	smul.u32 @!p0 $0xF7A, s2;
	p2 =	seq.s32 @!p0 s5, $0x0  }
0x1f: {  	s9 =	smul.u32 $0xF7A, s1;
	s8 =	simm.s32 @!p0 $0x1BF5;
	p2 =	por !p2, p0  }
0x20: {  	[sflag:s8] =	ssyncset.s32 @!p0 $0xFFFFF086;
	s6 =	sadd.s32 @!p0 s3, s7;
	s7 =	simm.s32 @!p0 $0x108  }
0x21: {  	s3 =	sadd.s32 s3, s9;
	s6 =	sadd.s32 @!p0 $0x88, s6;
	s7 =	simm.s32 @p2 $0x1082  }
0x22: {  	[simem:s7], [sflag:s8] =	dma.local @!p0 [hbm:s6], $0xF7A  }
0x23: {  	s9 =	sor.u32 $0xD0000000, s2;
	s6 =	simm.s32 $0x108;
	_ =	swait.ge @!p0 [sflag:s8], $0x0  }
0x24: {  	s3 =	sadd.s32 $0x88, s3;
	s6 =	simm.s32 @!p1 $0x1082;
	[sflag:s4] =	ssyncset.s32 $0xFFFFF086  }
0x25: {  	[simem:s6], [sflag:s4] =	dma.local [hbm:s3], $0xF7A  }
0x26: {  	[smem:$0x3F82] =	sst s1;
	(tag) =	ssettag s2;
	_ =	strace s9  }
0x27: {  	s1 =	sld [smem:$0x3F92]  }
0x28: {  	s2 =	sld [smem:$0x3F93]  }
0x29: {  	s4 =	sld [smem:$0x3F95]  }
0x2a: {  	p0 =	seq.s32 s5, $0x0;
	s5 =	sld [smem:$0x3F96]  }
0x2b: {  	s6 =	sld [smem:$0x3F97]  }
0x2c: {  	s7 =	sld [smem:$0x3F98]  }
0x2d: {  	s3 =	simm.s32 $0x108;
	s8 =	sld [smem:$0x3F99]  }
0x2e: {  	s3 =	simm.s32 @!p0 $0x1082;
	s9 =	sld [smem:$0x3F9A]  }
0x2f: {  	lr =	sadd.s32 s0, s3;
	s0 =	sld [smem:$0x3F91]  }
0x30: {  	s3 =	sld [smem:$0x3F94]  }
0x31: {  	[smem:$0x3F9D] =	sst s10  }
0x32: {  	s10 =	sld [smem:$0x3F9B];
	_ =	sdelay $0x3  }
0x33: {  	p0 =	seq.s32 s10, $0x1;
	s10 =	sld [smem:$0x3F9D];
	_ =	sdelay $0x3  }
0x34: {  	[smem:$0x3F9D] =	sst s10  }
0x35: {  	s10 =	sld [smem:$0x3F9C];
	_ =	sdelay $0x3  }
0x36: {  	p1 =	seq.s32 s10, $0x1;
	s10 =	sld [smem:$0x3F9D];
	_ =	sdelay $0x3  }
0x37: {  	[smem:$0x3F9D] =	sst s10  }
0x38: {  	s10 =	sld [smem:$0x3F9E]  }
0x39: {  	_ = 	snop;
	(pc) =	sbr.ind lr, $3  }
0x3a: {  	_ = 	snop  }
0x3b: {  	_ = 	snop  }
0x3c: {  	p2 =	seq.s32 s10, $0x1;
	s10 =	sld [smem:$0x3F9D]  }
0x3d: {  	_ =	shalt  }
0x3e: {  	_ =	shalt  }
0x3f: {  	_ =	shalt  }
0x40: {  	_ =	shalt  }
0x41: {  	_ =	shalt  }
0x42: {  	_ =	shalt  }
0x43: {  	_ =	shalt  }
0x44: {  	_ =	shalt  }
0x45: {  	_ =	shalt  }
0x46: {  	_ =	shalt  }
0x47: {  	_ =	shalt  }
0x48: {  	_ =	shalt  }
0x49: {  	_ =	shalt  }
0x4a: {  	_ =	shalt  }
0x4b: {  	_ =	shalt  }
0x4c: {  	_ =	shalt  }
0x4d: {  	_ =	shalt  }
0x4e: {  	_ =	shalt  }
0x4f: {  	_ =	shalt  }
0x50: {  	_ =	shalt  }
0x51: {  	_ =	shalt  }
0x52: {  	_ =	shalt  }
0x53: {  	_ =	shalt  }
0x54: {  	_ =	shalt  }
0x55: {  	_ =	shalt  }
0x56: {  	_ =	shalt  }
0x57: {  	_ =	shalt  }
0x58: {  	_ =	shalt  }
0x59: {  	_ =	shalt  }
0x5a: {  	_ =	shalt  }
0x5b: {  	_ =	shalt  }
0x5c: {  	_ =	shalt  }
0x5d: {  	_ =	shalt  }
0x5e: {  	_ =	shalt  }
0x5f: {  	_ =	shalt  }
0x60: {  	_ =	shalt  }
0x61: {  	_ =	shalt  }
0x62: {  	_ =	shalt  }
0x63: {  	_ =	shalt  }
0x64: {  	_ =	shalt  }
0x65: {  	_ =	shalt  }
0x66: {  	_ =	shalt  }
0x67: {  	_ =	shalt  }
0x68: {  	_ =	shalt  }
0x69: {  	_ =	shalt  }
0x6a: {  	_ =	shalt  }
0x6b: {  	_ =	shalt  }
0x6c: {  	_ =	shalt  }
0x6d: {  	_ =	shalt  }
0x6e: {  	_ =	shalt  }
0x6f: {  	_ =	shalt  }
0x70: {  	_ =	shalt  }
0x71: {  	_ =	shalt  }
0x72: {  	_ =	shalt  }
0x73: {  	_ =	shalt  }
0x74: {  	_ =	shalt  }
0x75: {  	_ =	shalt  }
0x76: {  	_ =	shalt  }
0x77: {  	_ =	shalt  }
0x78: {  	_ =	shalt  }
0x79: {  	_ =	shalt  }
0x7a: {  	_ =	shalt  }
0x7b: {  	_ =	shalt  }
0x7c: {  	_ =	shalt  }
0x7d: {  	_ =	shalt  }
0x7e: {  	_ =	shalt  }
0x7f: {  	_ =	shalt  }
0x80: {  	_ =	shalt  }
0x81: {  	_ =	shalt  }
0x82: {  	_ =	shalt  }
0x83: {  	_ =	shalt  }
0x84: {  	_ =	shalt  }
0x85: {  	_ =	shalt  }
0x86: {  	_ =	shalt  }
0x87: {  	_ =	shalt  }
.Lfunc_end0:
.L_simem_size_0:
called_computation.1_lowered:
.L_overlay_start_0:
0x88: {  	s2 =	sld [smem:$0x3FD9]  }
0x89: {  	s3 =	sld [smem:$0x3FFE];
	_ =	sdelay $0x1  }
0x8a: {  	s1 =	srdreg.scid  }
0x8b: {  	s0 =	sand.u32 $0x1, s1  }
0x8c: {  	s14 =	sshll.u32 s0, $0xA;
	s2 =	sadd.s32 s3, s2  }
0x8d: {  	s2 =	sadd.s32 s2, s14  }
0x8e: {  	[smem:$0x3FA9] =	sst s2  }
0x8f: {  	_ = 	snop  }
0x90: {  	s2 =	sld [smem:$0x3FD0];
	_ =	sdelay $0x2  }
0x91: {  	s15 =	simm.s32 $0xB;
	s4 =	simm.s32 $0x10  }
0x92: {  	[smem:s4], [sflag:s15] =	dma.local [hbm:s2], $0x1  }
0x93: {  	_ =	swait.eq [sflag:s15], $0x1  }
0x94: {  	[sflag:s15] =	ssyncset.done $0x0  }
0x95: {  	s16 =	sld [smem:$0x10];
	[sflag:s15] =	ssyncadd.s32 $0xFFFFFFFF  }
0x96: {  	s17 =	sld [smem:$0x11];
	(tm) =	ssettm $0x1  }
0x97: {  	s18 =	sld [smem:$0x3FFB];
	_ =	sdelay $0x3  }
0x98: {  	_ =	strace s18  }
0x99: {  	s4 =	sld [smem:$0x3FFC];
	_ =	sdelay $0x3  }
0x9a: {  	_ =	strace s4  }
0x9b: {  	s4 =	sld [smem:$0x3FFD];
	_ =	sdelay $0x3  }
0x9c: {  	_ =	strace s4  }
0x9d: {  	_ =	strace $0x8FFFFFFF  }
0x9e: {  	s19 =	sld [smem:$0x3FDB];
	_ =	sdelay $0x1  }
0x9f: {  	s5 =	simm.s32 $_scs_section_size  }
0xa0: {  	s6 =	simm.s32 $_size__tile_overlayer_lowered;
	s7 =	simm.s32 $_tile_overlayer_lowered  }
0xa1: {  	s22 =	simm.s32 $0x1BFF;
	s21 =	sshll.u32 s7, $0x1;
	s4 =	sadd.s32 s5, s19  }
0xa2: {  	s8 =	simm.s32 $0x0;
	s20 =	sshll.u32 s6, $0x1;
	s6 =	sadd.s32 s21, s4  }
0xa3: {  	[timem:s8], [sflag:s22] =	dma.local [hbm:s6], s20  }
0xa4: {  	_ =	swait.ge [sflag:s22], s20  }
0xa5: {  	s5 =	ssub.s32 $0x0, s20;
	[sflag:s22] =	ssyncset.done $0x0  }
0xa6: {  	[sflag:s22] =	ssyncadd.s32 s5;
	_ =	sdelay $0x1  }
0xa7: {  	s23 =	simm.s32 $0x1B8B  }
0xa8: {  	_ =	swait.ge [sflag:s23], $0x1  }
0xa9: {  	[sflag:s23] =	ssyncset.done $0x0  }
0xaa: {  	s25 =	simm.s32 $0x1B8E;
	s24 =	sld [smem:$0x3FFE];
	[sflag:s23] =	ssyncadd.s32 $0xFFFFFFFF  }
0xab: {  	s26 =	simm.s32 $execute0_lowered;
	[smem:$0x3FD2] =	sst s25  }
0xac: {  	s6 =	sshll.u32 s26, $0x1;
	_ =	strace $0x80000046;
	[dreg:$0x1] =	wrdreg $0xFFFFFFFF  }
0xad: {  	s28 =	simm.s32 $_size_execute0_lowered;
	s4 =	sadd.s32 s4, s6;
	[dreg:$0x0] =	wrdreg $0x0  }
0xae: {  	s6 =	sshll.u32 s28, $0x1;
	[dreg:$0x2] =	wrdreg s4  }
0xaf: {  	[dreg:$0x3] =	wrdreg s6  }
0xb0: {  	[dreg:$0x4] =	wrdreg $0xC0  }
0xb1: {  	_ =	task [dreg:s8], $0x5FFFF  }
0xb2: {  	[dreg:$0x1] =	wrdreg $0xFFFFFFFF  }
0xb3: {  	[dreg:$0x0] =	wrdreg $0x60  }
0xb4: {  	[dreg:$0x2] =	wrdreg s24  }
0xb5: {  	[dreg:$0x3] =	wrdreg s17  }
0xb6: {  	[dreg:$0x4] =	wrdreg s16  }
0xb7: {  	[dreg:$0x5] =	wrdreg $0xA  }
0xb8: {  	_ =	task.clear_ibuf [dreg:s8], $0x6FFFF;
	_ =	strace $0x90000046  }
0xb9: {  	s29 =	simm.s32 $0xA;
	_ =	strace $0x80000048  }
0xba: {  	_ =	swait.ge [sflag:s29], $0x1  }
0xbb: {  	[sflag:s29] =	ssyncadd.s32 $0xFFFFFFFF  }
0xbc: {  	_ =	strace $0x90000048  }
0xbd: {  	_ =	sfence  }
0xbe: {  	s30 =	sld [smem:$0x0];
	_ =	sdelay $0x2  }
0xbf: {  	s31 =	sshll.u32 s1, $0xD;
	s1 =	sshrl.u32 s1, $0x2  }
0xc0: {  	s3 =	sand.u32 $0x4000, s31;
	s1 =	sadd.s32 s1, s30  }
0xc1: {  	s0 =	sor.u32 s3, s0;
	s1 =	sshll.u32 s1, $0x11  }
0xc2: {  	s0 =	sor.u32 s1, s0  }
0xc3: {  	s0 =	sadd.s32 $0x8F2B, s0  }
0xc4: {  	[sflag:s0] =	ssyncadd.remote.s32 $0x1  }
0xc5: {  	_ =	sfence.sel $0xFFFF  }
0xc6: {  	[dreg:$0x0] =	wrdreg $0xFFFFFFFF;
	(pc) =	sbr.abs _section_cstart, $3  }
0xc7: {  	[dreg:$0x1] =	wrdreg $0xFFFFFFFF  }
0xc8: {  	_ =	task.clear_ibuf [dreg:s8], $0x2FFFF;
	_ =	strace $0x9FFFFFFF  }
0xc9: {  	(tm) =	ssettm $0x7FFFFFFF  }
tec
execute0_lowered:
.L_overlay_start_1:
0x0: {  	(tag) =	ssettag $0x1  }
0x1: {  	s0 =	rddreg [dreg:$0x0]  }
0x2: {  	s2 =	rddreg [dreg:$0x1]  }
0x3: {  	s3 =	rddreg [dreg:$0x2]  }
0x4: {  	s4 =	stileid.u32;
	s6 =	simm.s32 $0x0;
	s1 =	srdreg.scid  }
0x5: {  	s28 =	simm.s32 $0x80;
	s29 =	simm.s32 $0x4F00;
	s30 =	simm.s32 $0x8F00  }
0x6: {  	s31 =	simm.s32 $0x6F00;
	s5 =	sshll.u32 s4, $0x1;
	[smem:$0x7FF] =	sst s6  }
0x7: {  	s1 =	sand.u32 $0x1, s1;
	s8 =	sadd.s32 $0x10000, s0;
	s9 =	sadd.s32 $0x6200, s0  }
0x8: {  	s11 =	sshrl.u32 s4, $0x3;
	s6 =	sadd.s32 $0x28AE00, s0;
	s24 =	sand.u32 $0x7, s4  }
0x9: {  	s7 =	sand.u32 $0xE, s5;
	_ =	strace $0x80000047;
	s5 =	sadd.s32 $0x19E00, s0  }
0xa: {  	s13 =	ssub.s32 $0x2, s1;
	s14 =	smul.u32 $0x27100, s11;
	s11 =	sshll.u32 s11, $0x6  }
0xb: {  	s25 =	sor.u32 s1, s7;
	s26 =	sshrl.u32 s13, $0x1;
	s1 =	smul.u32 $0x138000, s1  }
0xc: {  	p0 =	sne.s32 s7, $0x0;
	s10 =	smul.u32 $0x4E, s25;
	s0 =	ssub.s32 s13, s26  }
0xd: {  	s12 =	smin.u32 s25, $0x2;
	s26 =	smul.u32 $0x270000, s24;
	s0 =	smax.u32 s0, $0x1  }
0xe: {  	s7 =	simm.s32 $0x3;
	s10 =	sadd.s32 s12, s10;
	[dreg:$0xa] =	wrdreg s0  }
0xf: {  	s1 =	sadd.s32 s1, s26;
	s15 =	sshll.u32 s10, $0x7;
	s23 =	sshll.u32 s10, $0xE  }
0x10: {  	s16 =	sadd.s32 s14, s15;
	s15 =	sadd.s32 $0x2700, s15;
	s25 =	sor.u32 s11, s23  }
0x11: {  	s13 =	sshrl.u32 s16, $0x3;
	s16 =	sshll.u32 s15, $0x7;
	s14 =	sadd.s32 s14, s15  }
0x12: {  	s10 =	sshrl.u32 s25, $0x3;
	s0 =	sadd.s32 $0x134000, s25;
	s17 =	sadd.s32 s8, s13  }
0x13: {  	s13 =	sadd.s32 s9, s13;
	s18 =	sshrl.u32 s14, $0x3;
	s14 =	sadd.s32 s5, s10  }
0x14: {  	s15 =	sadd.s32 s6, s10;
	s0 =	sshrl.u32 s0, $0x3;
	[dreg:$0x4] =	wrdreg s17  }
0x15: {  	s10 =	simm.s32 $0x7;
	s17 =	sor.u32 s11, s16;
	[dreg:$0x5] =	wrdreg s13  }
0x16: {  	s8 =	sadd.s32 s8, s18;
	s20 =	sadd.s32 s9, s18;
	[dreg:$0xb] =	wrdreg s14  }
0x17: {  	s13 =	sadd.s32 $0x4000, s25;
	[dreg:$0xc] =	wrdreg s15;
	s18 =	sshll.u32 s12, $0xE  }
0x18: {  	s9 =	simm.s32 $0x5;
	s12 =	simm.s32 $0x4;
	s14 =	simm.s32 $0x8  }
0x19: {  	s15 =	simm.s32 $0x0;
	s19 =	sshrl.u32 s17, $0x3;
	[dreg:$0x6] =	wrdreg s8  }
0x1a: {  	[dreg:$0x7] =	wrdreg s20;
	s16 =	sshrl.u32 s13, $0x3;
	s20 =	sadd.s32 $0x130000, s25  }
0x1b: {  	s1 =	sadd.s32 s18, s1;
	s25 =	sadd.s32 s5, s0;
	s0 =	sadd.s32 s6, s0  }
0x1c: {  	s8 =	simm.s32 $0x40;
	s13 =	simm.s32 $0x6;
	[dreg:$0x11] =	wrdreg s25  }
0x1d: {  	s21 =	sadd.s32 s5, s19;
	s22 =	sadd.s32 s6, s19;
	[dreg:$0x12] =	wrdreg s0  }
0x1e: {  	s17 =	sadd.s32 s5, s16;
	s19 =	sadd.s32 s6, s16;
	[dreg:$0x8] =	wrdreg s21  }
0x1f: {  	s1 =	sor.u32 s11, s1;
	s25 =	simm.s32 $0x9;
	[dreg:$0x9] =	wrdreg s22  }
0x20: {  	s0 =	simm.s32 $0x1;
	[dreg:$0xd] =	wrdreg s17;
	s21 =	sshrl.u32 s20, $0x3  }
0x21: {  	[dreg:$0xe] =	wrdreg s19;
	s23 =	sadd.s32 $0xC000, s1;
	s22 =	sadd.s32 s5, s21  }
0x22: {  	s24 =	sadd.s32 s6, s21;
	s26 =	sshrl.u32 s23, $0x3;
	[dreg:$0xf] =	wrdreg s22  }
0x23: {  	s11 =	simm.s32 $0x2;
	[dreg:$0x10] =	wrdreg s24;
	s20 =	sadd.s32 s26, s6  }
0x24: {  	s23 =	sadd.s32 s26, s5;
	s24 =	sadd.s32 $0x8000, s1;
	s1 =	simm.s32 $0xAF00  }
.LBB2_1:
0x25: {  	s4 =	simm.s32 $0x0;
	s16 =	rddreg [dreg:$0x4]  }
0x26: {  	[tilespmem:s4], [sflag:$0x9] =	stream.linear.gather [hbm4b:s16+s4], $0x2700, $0x38;
	[tilespmem:$0xCF00] =	vst v63  }
0x27: {  	_ =	swait.ge [sflag:s25], $0x2700  }
0x28: {  	[sflag:s25] =	ssyncset.done $0x0  }
0x29: {  	s17 =	simm.s32 $0x2700;
	s26 =	rddreg [dreg:$0x5];
	[sflag:s25] =	ssyncadd.s32 $0xFFFFD900  }
0x2a: {  	[tilespmem:s17], [sflag:$0x9] =	stream.linear.gather [hbm4b:s26+s4], $0x2700, $0x38;
	[tilespmem:$0xCF00] =	vst v63  }
0x2b: {  	_ =	swait.ge [sflag:s25], $0x2700  }
0x2c: {  	[sflag:s25] =	ssyncset.done $0x0  }
0x2d: {  	[sflag:s25] =	ssyncadd.s32 $0xFFFFD900  }
0x2e: {  	[tilespmem:s29], [sflag:$0x1] =	stream.indirect.gather [hbm4b:s2+s28], $0x40, s4, s28, $0xb8;
	[tilespmem:$0xCF00] =	vst v63  }
0x2f: {  	_ = 	snop  }
0x30: {  	[tilespmem:s30], [sflag:$0x3] =	stream.indirect.gather [hbm4b:s3+s28], $0x40, s17, s28, $0xb8;
	[tilespmem:$0xCF00] =	vst v63  }
0x31: {  	_ = 	snop  }
0x32: {  	[tilespmem:s31], [sflag:$0x2] =	stream.indirect.gather [hbm4b:s2+s28], $0x40, s28, s28, $0xb8;
	[tilespmem:$0xCF00] =	vst v63  }
0x33: {  	s17 =	simm.s32 $0x2780  }
0x34: {  	[tilespmem:s1], [sflag:$0x4] =	stream.indirect.gather [hbm4b:s3+s28], $0x40, s17, s28, $0xb8;
	[tilespmem:$0xCF00] =	vst v63  }
0x35: {  	_ =	swait.ge [sflag:s0], $0x2000  }
0x36: {  	[sflag:s0] =	ssyncset.done $0x0  }
0x37: {  	[sflag:s0] =	ssyncadd.s32 $0xFFFFE000  }
0x38: {  	_ =	swait.ge [sflag:s7], $0x2000  }
0x39: {  	[sflag:s7] =	ssyncset.done $0x0  }
0x3a: {  	s18 =	rddreg [dreg:$0xb];
	[sflag:s7] =	ssyncadd.s32 $0xFFFFE000  }
0x3b: {  	[hbm4b:s18+s8] =	stream.strided.scatter [tilespmem:s29], [sflag:$0x5], $0x2000, s28, s8, $0x38;
	[tilespmem:$0xCF00] =	vst v63  }
0x3c: {  	s19 =	rddreg [dreg:$0xc]  }
0x3d: {  	[hbm4b:s19+s8] =	stream.strided.scatter [tilespmem:s30], [sflag:$0x7], $0x2000, s28, s8, $0x38;
	[tilespmem:$0xCF00] =	vst v63  }
0x3e: {  	_ =	swait.ge [sflag:s9], $0x2000  }
0x3f: {  	[sflag:s9] =	ssyncset.done $0x0  }
0x40: {  	[sflag:s9] =	ssyncadd.s32 $0xFFFFE000  }
0x41: {  	_ =	swait.ge [sflag:s10], $0x2000  }
0x42: {  	[sflag:s10] =	ssyncset.done $0x0  }
0x43: {  	s21 =	simm.s32 $0x100;
	[sflag:s10] =	ssyncadd.s32 $0xFFFFE000  }
0x44: {  	[tilespmem:s29], [sflag:$0x1] =	stream.indirect.gather [hbm4b:s2+s28], $0x40, s21, s28, $0xb8;
	[tilespmem:$0xCF00] =	vst v63  }
0x45: {  	s22 =	simm.s32 $0x2800  }
0x46: {  	[tilespmem:s30], [sflag:$0x3] =	stream.indirect.gather [hbm4b:s3+s28], $0x40, s22, s28, $0xb8;
	[tilespmem:$0xCF00] =	vst v63  }
0x47: {  	_ =	swait.ge [sflag:s11], $0x2000  }
0x48: {  	[sflag:s11] =	ssyncset.done $0x0  }
0x49: {  	[sflag:s11] =	ssyncadd.s32 $0xFFFFE000  }
0x4a: {  	_ =	swait.ge [sflag:s12], $0x2000  }
0x4b: {  	[sflag:s12] =	ssyncset.done $0x0  }
0x4c: {  	s26 =	rddreg [dreg:$0xd];
	[sflag:s12] =	ssyncadd.s32 $0xFFFFE000  }
0x4d: {  	[hbm4b:s26+s8] =	stream.strided.scatter [tilespmem:s31], [sflag:$0x6], $0x2000, s28, s8, $0x38;
	[tilespmem:$0xCF00] =	vst v63  }
0x4e: {  	s16 =	rddreg [dreg:$0xe]  }
0x4f: {  	[hbm4b:s16+s8] =	stream.strided.scatter [tilespmem:s1], [sflag:$0x8], $0x2000, s28, s8, $0x38;
	[tilespmem:$0xCF00] =	vst v63  }
0x50: {  	_ =	swait.ge [sflag:s13], $0x2000  }
0x51: {  	[sflag:s13] =	ssyncset.done $0x0  }
0x52: {  	[sflag:s13] =	ssyncadd.s32 $0xFFFFE000  }
0x53: {  	_ =	swait.ge [sflag:s14], $0x2000  }
0x54: {  	[sflag:s14] =	ssyncset.done $0x0  }
0x55: {  	s17 =	simm.s32 $0x180;
	[sflag:s14] =	ssyncadd.s32 $0xFFFFE000  }
0x56: {  	[tilespmem:s31], [sflag:$0x2] =	stream.indirect.gather [hbm4b:s2+s28], $0x40, s17, s28, $0xb8;
	[tilespmem:$0xCF00] =	vst v63  }
0x57: {  	s18 =	simm.s32 $0x2880  }
0x58: {  	[tilespmem:s1], [sflag:$0x4] =	stream.indirect.gather [hbm4b:s3+s28], $0x40, s18, s28, $0xb8;
	[tilespmem:$0xCF00] =	vst v63  }
0x59: {  	_ =	swait.ge [sflag:s0], $0x2000  }
0x5a: {  	[sflag:s0] =	ssyncset.done $0x0  }
0x5b: {  	[sflag:s0] =	ssyncadd.s32 $0xFFFFE000  }
0x5c: {  	_ =	swait.ge [sflag:s7], $0x2000  }
0x5d: {  	s19 =	sshrl.u32 s24, $0x3;
	[sflag:s7] =	ssyncset.done $0x0  }
0x5e: {  	s21 =	sadd.s32 s5, s19;
	[sflag:s7] =	ssyncadd.s32 $0xFFFFE000  }
0x5f: {  	[hbm4b:s21+s8] =	stream.strided.scatter [tilespmem:s29], [sflag:$0x5], $0x2000, s28, s8, $0x38;
	[tilespmem:$0xCF00] =	vst v63  }
0x60: {  	s16 =	sadd.s32 s6, s19  }
0x61: {  	[hbm4b:s16+s8] =	stream.strided.scatter [tilespmem:s30], [sflag:$0x7], $0x2000, s28, s8, $0x38;
	[tilespmem:$0xCF00] =	vst v63  }
0x62: {  	_ =	swait.ge [sflag:s9], $0x2000  }
0x63: {  	[sflag:s9] =	ssyncset.done $0x0  }
0x64: {  	[sflag:s9] =	ssyncadd.s32 $0xFFFFE000  }
0x65: {  	_ =	swait.ge [sflag:s10], $0x2000  }
0x66: {  	[sflag:s10] =	ssyncset.done $0x0  }
0x67: {  	s22 =	simm.s32 $0x200;
	[sflag:s10] =	ssyncadd.s32 $0xFFFFE000  }
0x68: {  	[tilespmem:s29], [sflag:$0x1] =	stream.indirect.gather [hbm4b:s2+s28], $0x40, s22, s28, $0xb8;
	[tilespmem:$0xCF00] =	vst v63  }
0x69: {  	s26 =	simm.s32 $0x2900  }
0x6a: {  	[tilespmem:s30], [sflag:$0x3] =	stream.indirect.gather [hbm4b:s3+s28], $0x40, s26, s28, $0xb8;
	[tilespmem:$0xCF00] =	vst v63  }
0x6b: {  	_ =	swait.ge [sflag:s11], $0x2000  }
0x6c: {  	[sflag:s11] =	ssyncset.done $0x0  }
0x6d: {  	[sflag:s11] =	ssyncadd.s32 $0xFFFFE000  }
0x6e: {  	s19 =	sadd.s32 $0x8000, s24;
	_ =	swait.ge [sflag:s12], $0x2000  }
0x6f: {  	s17 =	sadd.s32 $0x1000, s20;
	s18 =	sadd.s32 $0x1000, s23;
	[sflag:s12] =	ssyncset.done $0x0  }
0x70: {  	s16 =	simm.s32 $0x400;
	s22 =	smov.u32 s20;
	[sflag:s12] =	ssyncadd.s32 $0xFFFFE000  }
0x71: {  	[hbm4b:s23+s8] =	stream.strided.scatter [tilespmem:s31], [sflag:$0x6], $0x2000, s28, s8, $0x38;
	[tilespmem:$0xCF00] =	vst v63  }
.LBB2_2:
0x72: {  	[hbm4b:s22+s8] =	stream.strided.scatter [tilespmem:s1], [sflag:$0x8], $0x2000, s28, s8, $0x38;
	[tilespmem:$0xCF00] =	vst v63  }
0x73: {  	s21 =	smov.u32 s16;
	s22 =	smov.u32 s17  }
0x74: {  	p1 =	sne.s32 s16, $0x9000;
	s16 =	sadd.s32 $0x400, s16;
	_ =	swait.ge [sflag:s13], $0x2000  }
0x75: {  	[sflag:s13] =	ssyncset.done $0x0  }
0x76: {  	[sflag:s13] =	ssyncadd.s32 $0xFFFFE000  }
0x77: {  	_ =	swait.ge [sflag:s14], $0x2000  }
0x78: {  	s21 =	sshra.s32 s21, $0x2;
	[sflag:s14] =	ssyncset.done $0x0  }
0x79: {  	s26 =	sadd.s32 $0x180, s21;
	[sflag:s14] =	ssyncadd.s32 $0xFFFFE000  }
0x7a: {  	[tilespmem:s31], [sflag:$0x2] =	stream.indirect.gather [hbm4b:s2+s28], $0x40, s26, s28, $0xb8;
	[tilespmem:$0xCF00] =	vst v63  }
0x7b: {  	s26 =	sadd.s32 $0x2880, s21  }
0x7c: {  	[tilespmem:s1], [sflag:$0x4] =	stream.indirect.gather [hbm4b:s3+s28], $0x40, s26, s28, $0xb8;
	[tilespmem:$0xCF00] =	vst v63  }
0x7d: {  	_ =	swait.ge [sflag:s0], $0x2000  }
0x7e: {  	[sflag:s0] =	ssyncset.done $0x0  }
0x7f: {  	[sflag:s0] =	ssyncadd.s32 $0xFFFFE000  }
0x80: {  	_ =	swait.ge [sflag:s7], $0x2000  }
0x81: {  	s26 =	sshrl.u32 s19, $0x3;
	[sflag:s7] =	ssyncset.done $0x0  }
0x82: {  	s4 =	sadd.s32 s5, s26;
	[sflag:s7] =	ssyncadd.s32 $0xFFFFE000  }
0x83: {  	[hbm4b:s4+s8] =	stream.strided.scatter [tilespmem:s29], [sflag:$0x5], $0x2000, s28, s8, $0x38;
	[tilespmem:$0xCF00] =	vst v63  }
0x84: {  	s4 =	sadd.s32 s6, s26  }
0x85: {  	[hbm4b:s4+s8] =	stream.strided.scatter [tilespmem:s30], [sflag:$0x7], $0x2000, s28, s8, $0x38;
	[tilespmem:$0xCF00] =	vst v63  }
0x86: {  	_ =	swait.ge [sflag:s9], $0x2000  }
0x87: {  	[sflag:s9] =	ssyncset.done $0x0  }
0x88: {  	[sflag:s9] =	ssyncadd.s32 $0xFFFFE000  }
0x89: {  	_ =	swait.ge [sflag:s10], $0x2000  }
0x8a: {  	[sflag:s10] =	ssyncset.done $0x0  }
0x8b: {  	s4 =	sadd.s32 $0x200, s21;
	[sflag:s10] =	ssyncadd.s32 $0xFFFFE000  }
0x8c: {  	[tilespmem:s29], [sflag:$0x1] =	stream.indirect.gather [hbm4b:s2+s28], $0x40, s4, s28, $0xb8;
	[tilespmem:$0xCF00] =	vst v63  }
0x8d: {  	s4 =	sadd.s32 $0x2900, s21  }
0x8e: {  	[tilespmem:s30], [sflag:$0x3] =	stream.indirect.gather [hbm4b:s3+s28], $0x40, s4, s28, $0xb8;
	[tilespmem:$0xCF00] =	vst v63  }
0x8f: {  	_ =	swait.ge [sflag:s11], $0x2000  }
0x90: {  	[sflag:s11] =	ssyncset.done $0x0  }
0x91: {  	[sflag:s11] =	ssyncadd.s32 $0xFFFFE000  }
.Ltmp0:
0x92: {  	_ =	swait.ge [sflag:s12], $0x2000;
	(pc) =	sbr.rel @p1 .LBB2_2-.Ltmp0, $4  }
0x93: {  	[sflag:s12] =	ssyncset.done $0x0  }
0x94: {  	[sflag:s12] =	ssyncadd.s32 $0xFFFFE000  }
0x95: {  	[hbm4b:s18+s8] =	stream.strided.scatter [tilespmem:s31], [sflag:$0x6], $0x2000, s28, s8, $0x38;
	[tilespmem:$0xCF00] =	vst v63  }
0x96: {  	s17 =	sadd.s32 $0x1000, s17;
	s19 =	sadd.s32 $0x8000, s19;
	s18 =	sadd.s32 $0x1000, s18  }
0x97: {  	[hbm4b:s22+s8] =	stream.strided.scatter [tilespmem:s1], [sflag:$0x8], $0x2000, s28, s8, $0x38;
	[tilespmem:$0xCF00] =	vst v63  }
0x98: {  	_ =	swait.ge [sflag:s13], $0x2000  }
0x99: {  	[sflag:s13] =	ssyncset.done $0x0  }
0x9a: {  	[sflag:s13] =	ssyncadd.s32 $0xFFFFE000  }
0x9b: {  	_ =	swait.ge [sflag:s14], $0x2000  }
0x9c: {  	[sflag:s14] =	ssyncset.done $0x0  }
0x9d: {  	s4 =	simm.s32 $0x2680;
	[sflag:s14] =	ssyncadd.s32 $0xFFFFE000  }
0x9e: {  	[tilespmem:s31], [sflag:$0x2] =	stream.indirect.gather [hbm4b:s2+s28], $0x40, s4, s28, $0xb8;
	[tilespmem:$0xCF00] =	vst v63  }
0x9f: {  	s17 =	simm.s32 $0x4D80  }
0xa0: {  	[tilespmem:s1], [sflag:$0x4] =	stream.indirect.gather [hbm4b:s3+s28], $0x40, s17, s28, $0xb8;
	[tilespmem:$0xCF00] =	vst v63  }
0xa1: {  	_ =	swait.ge [sflag:s0], $0x2000  }
0xa2: {  	[sflag:s0] =	ssyncset.done $0x0  }
0xa3: {  	[sflag:s0] =	ssyncadd.s32 $0xFFFFE000  }
0xa4: {  	_ =	swait.ge [sflag:s7], $0x2000  }
0xa5: {  	[sflag:s7] =	ssyncset.done $0x0  }
0xa6: {  	s18 =	rddreg [dreg:$0xf];
	[sflag:s7] =	ssyncadd.s32 $0xFFFFE000  }
0xa7: {  	[hbm4b:s18+s8] =	stream.strided.scatter [tilespmem:s29], [sflag:$0x5], $0x2000, s28, s8, $0x38;
	[tilespmem:$0xCF00] =	vst v63  }
0xa8: {  	s19 =	rddreg [dreg:$0x10]  }
0xa9: {  	[hbm4b:s19+s8] =	stream.strided.scatter [tilespmem:s30], [sflag:$0x7], $0x2000, s28, s8, $0x38;
	[tilespmem:$0xCF00] =	vst v63  }
0xaa: {  	_ =	swait.ge [sflag:s11], $0x2000  }
0xab: {  	[sflag:s11] =	ssyncset.done $0x0  }
0xac: {  	[sflag:s11] =	ssyncadd.s32 $0xFFFFE000  }
0xad: {  	_ =	swait.ge [sflag:s12], $0x2000  }
0xae: {  	[sflag:s12] =	ssyncset.done $0x0  }
0xaf: {  	s21 =	rddreg [dreg:$0x11];
	[sflag:s12] =	ssyncadd.s32 $0xFFFFE000  }
0xb0: {  	[hbm4b:s21+s8] =	stream.strided.scatter [tilespmem:s31], [sflag:$0x6], $0x2000, s28, s8, $0x38;
	[tilespmem:$0xCF00] =	vst v63  }
0xb1: {  	s22 =	rddreg [dreg:$0x12]  }
0xb2: {  	[hbm4b:s22+s8] =	stream.strided.scatter [tilespmem:s1], [sflag:$0x8], $0x2000, s28, s8, $0x38;
	[tilespmem:$0xCF00] =	vst v63  }
0xb3: {  	_ =	swait.ge [sflag:s9], $0x2000  }
0xb4: {  	[sflag:s9] =	ssyncset.done $0x0  }
0xb5: {  	[sflag:s9] =	ssyncadd.s32 $0xFFFFE000  }
0xb6: {  	_ =	swait.ge [sflag:s10], $0x2000  }
0xb7: {  	[sflag:s10] =	ssyncset.done $0x0  }
0xb8: {  	[sflag:s10] =	ssyncadd.s32 $0xFFFFE000  }
0xb9: {  	_ =	swait.ge [sflag:s13], $0x2000  }
0xba: {  	[sflag:s13] =	ssyncset.done $0x0  }
0xbb: {  	[sflag:s13] =	ssyncadd.s32 $0xFFFFE000  }
0xbc: {  	_ =	swait.ge [sflag:s14], $0x2000  }
0xbd: {  	s16 =	simm.s32 @!p0 $0x4E00;
	[sflag:s14] =	ssyncset.done $0x0  }
0xbe: {  	s4 =	simm.s32 @!p0 $0x0;
	s17 =	rddreg [dreg:$0x6];
	[sflag:s14] =	ssyncadd.s32 $0xFFFFE000  }
0xbf: {  	[tilespmem:s16], [sflag:$0x9] =	stream.linear.gather @!p0 [hbm4b:s17+s4], $0x80, $0x38;
	[tilespmem:$0xCF00] =	vst v63  }
0xc0: {  	s17 =	simm.s32 @!p0 $0x9  }
0xc1: {  	_ =	swait.ge @!p0 [sflag:s17], $0x80  }
0xc2: {  	[sflag:s17] =	ssyncset.done @!p0 $0x0  }
0xc3: {  	s18 =	simm.s32 @!p0 $0x4E80;
	s19 =	rddreg [dreg:$0x7];
	[sflag:s17] =	ssyncadd.s32 @!p0 $0xFFFFFF80  }
0xc4: {  	[tilespmem:s18], [sflag:$0x9] =	stream.linear.gather @!p0 [hbm4b:s19+s4], $0x80, $0x38;
	[tilespmem:$0xCF00] =	vst v63  }
0xc5: {  	_ =	swait.ge @!p0 [sflag:s17], $0x80  }
0xc6: {  	[sflag:s17] =	ssyncset.done @!p0 $0x0  }
0xc7: {  	s4 =	simm.s32 @!p0 $0x80;
	s19 =	simm.s32 @!p0 $0x4F00;
	[sflag:s17] =	ssyncadd.s32 @!p0 $0xFFFFFF80  }
0xc8: {  	[tilespmem:s19], [sflag:$0x1] =	stream.indirect.gather @!p0 [hbm4b:s2+s4], $0x40, s16, s4, $0xb8;
	[tilespmem:$0xCF00] =	vst v63  }
0xc9: {  	s16 =	simm.s32 @!p0 $0x1  }
0xca: {  	_ =	swait.ge @!p0 [sflag:s16], $0x2000  }
0xcb: {  	[sflag:s16] =	ssyncset.done @!p0 $0x0  }
0xcc: {  	[sflag:s16] =	ssyncadd.s32 @!p0 $0xFFFFE000;
	s16 =	simm.s32 @!p0 $0x8F00  }
0xcd: {  	[tilespmem:s16], [sflag:$0x3] =	stream.indirect.gather @!p0 [hbm4b:s3+s4], $0x40, s18, s4, $0xb8;
	[tilespmem:$0xCF00] =	vst v63  }
0xce: {  	s18 =	simm.s32 @!p0 $0x3  }
0xcf: {  	_ =	swait.ge @!p0 [sflag:s18], $0x2000  }
0xd0: {  	[sflag:s18] =	ssyncset.done @!p0 $0x0  }
0xd1: {  	s21 =	rddreg [dreg:$0x8];
	[sflag:s18] =	ssyncadd.s32 @!p0 $0xFFFFE000;
	s18 =	simm.s32 @!p0 $0x40  }
0xd2: {  	[hbm4b:s21+s18] =	stream.strided.scatter @!p0 [tilespmem:s19], [sflag:$0x9], $0x2000, s4, s18, $0x38;
	[tilespmem:$0xCF00] =	vst v63  }
0xd3: {  	_ =	swait.ge @!p0 [sflag:s17], $0x2000  }
0xd4: {  	[sflag:s17] =	ssyncset.done @!p0 $0x0  }
0xd5: {  	s19 =	rddreg [dreg:$0x9];
	[sflag:s17] =	ssyncadd.s32 @!p0 $0xFFFFE000  }
0xd6: {  	[hbm4b:s19+s18] =	stream.strided.scatter @!p0 [tilespmem:s16], [sflag:$0x9], $0x2000, s4, s18, $0x38;
	[tilespmem:$0xCF00] =	vst v63  }
0xd7: {  	_ =	swait.ge @!p0 [sflag:s17], $0x2000  }
0xd8: {  	s15 =	sadd.s32 $0x1, s15;
	s26 =	rddreg [dreg:$0xa]  }
0xd9: {  	p1 =	sne.s32 s15, s26  }
.Ltmp1:
0xda: {  	_ = 	snop;
	(pc) =	sbr.rel @p1 .LBB2_1-.Ltmp1, $3  }
0xdb: {  	_ =	sdelay $0x1  }
0xdc: {  	[sflag:s17] =	ssyncset.done @!p0 $0x0  }
0xdd: {  	[sflag:s17] =	ssyncadd.s32 @!p0 $0xFFFFE000  }
0xde: {  	_ =	sfence.sel $0x180000  }
0xdf: {  	[bflag:$0x0] =	sbarrier.arrive $0xFFFF  }
0xe0: {  	_ =	strace $0x90000047  }
0xe1: {  	s0 =	stileid.u32;
	[bflag:$0x2] =	sbarrier.arrive $0xFFFF  }
0xe2: {  	p0 =	sne.s32 s0, $0x0;
	s0 =	rddreg [dreg:$0x3]  }
0xe3: {  	s0 =	sadd.s32 @!p0 $0x100000, s0  }
0xe4: {  	[sflag:s0] =	ssyncadd.tile.s32 @!p0 $0x1;
	_ =	shalt  }
.Lfunc_end2:
_tile_overlayer_lowered:
.L_overlay_start_2:
0xe5: {  	(tag) =	ssettag $0x2  }
0xe6: {  	s0 =	rddreg [dreg:$0x0];
	s2 =	stileid.u32  }
0xe7: {  	s1 =	rddreg [dreg:$0x1];
	p0 =	sne.s32 s2, $0x0  }
0xe8: {  	s3 =	rddreg [dreg:$0x2];
	[bflag:$0x3] =	sbarrier.arrive $0xFFFF;
	s2 =	simm.s32 @!p0 $0x1C09  }
0xe9: {  	[timem:s3], [sflag:s2] =	dma.local @!p0 [hbm:s0], s1  }
0xea: {  	s0 =	simm.s32 @!p0 $0x9  }
0xeb: {  	_ =	swait.ge @!p0 [sflag:s0], s1  }
0xec: {  	s1 =	ssub.s32 @!p0 $0x0, s1;
	[sflag:s0] =	ssyncset.done @!p0 $0x0  }
0xed: {  	[sflag:s0] =	ssyncadd.s32 @!p0 s1  }
0xee: {  	[bflag:$0x3] =	sbarrier.arrive $0xFFFF  }
0xef: {  	_ =	shalt  }

</sc_bundles>
